<compile_context>
chip_gen: v7x
topology: tpu7x:2x2x1
jax: 0.10.2.dev20260603
libtpu: 0.0.44.dev20260713+nightly
codegen_flags: <defaults>
</compile_context>

<pallas_src>
import functools

import jax
import jax.numpy as jnp
from jax import lax
from jax.experimental import pallas as pl
from jax.experimental.pallas import tpu as pltpu
from jax.experimental.pallas import tpu_sc as plsc

NC = 2
NS = 16
NW = NC * NS
L = 16

D = 128
S = 10

CH = 40
ROWS = CH * S
GSUB = 100
NG = ROWS // GSUB


def _sc_neighbor_sum(cnt_hi, cnt_lo, w_hi,
                     feat_hbm, idx_hbm, out_hbm,
                     idx0, idx1, rows0, rows1, acc0, acc1,
                     isem0, isem1, gsem0, gsem1, osem0, osem1):
  cid = lax.axis_index("c")
  sid = lax.axis_index("s")
  wid = sid * NC + cid
  cnt = jnp.where(wid < w_hi, cnt_hi, cnt_lo)
  start = jnp.where(wid < w_hi, wid * cnt_hi,
                    w_hi * cnt_hi + (wid - w_hi) * cnt_lo)

  def pre_idx(ci, idxv, isem):
    pltpu.async_copy(idx_hbm.at[pl.ds((start + ci) * NG, NG)], idxv, isem)

  def wait_idx(idxv, isem):
    pltpu.make_async_copy(idx_hbm.at[pl.ds(0, NG)], idxv, isem).wait()

  def fire(idxv, rowsv, sem):
    for k in range(NG):
      pltpu.async_copy(feat_hbm.at[idxv.at[k]],
                       rowsv.at[pl.ds(k * GSUB, GSUB)], sem)

  def wait_rows(rowsv, sem):
    pltpu.make_async_copy(feat_hbm.at[pl.ds(0, ROWS)], rowsv, sem).wait()

  def wait_out(accv, sem):
    pltpu.make_async_copy(accv, out_hbm.at[pl.ds(0, CH)], sem).wait()

  def reduce_chunk(rowsv, accv):
    def node_body(n, c2):
      rbase = n * S
      for c in range(D // L):
        sl = pl.ds(c * L, L)
        v = [rowsv[rbase + r, sl] for r in range(S)]
        s01, s23 = v[0] + v[1], v[2] + v[3]
        s45, s67 = v[4] + v[5], v[6] + v[7]
        s89 = v[8] + v[9]
        accv[n, sl] = ((s01 + s23) + (s45 + s67) + s89) * 0.1
      return c2
    lax.fori_loop(0, CH, node_body, 0)

  pre_idx(0, idx0, isem0)
  pre_idx(1, idx1, isem1)
  wait_idx(idx0, isem0)
  fire(idx0, rows0, gsem0)
  wait_idx(idx1, isem1)
  fire(idx1, rows1, gsem1)

  def pair_body(jj, carry):
    j = jj * 2

    wait_rows(rows0, gsem0)
    @pl.when(j + 2 < cnt)
    def _():
      pre_idx(j + 2, idx0, isem0)
    @pl.when(jj > 0)
    def _():
      wait_out(acc0, osem0)
    reduce_chunk(rows0, acc0)
    pltpu.async_copy(acc0, out_hbm.at[pl.ds((start + j) * CH, CH)], osem0)
    @pl.when(j + 2 < cnt)
    def _():
      wait_idx(idx0, isem0)
      fire(idx0, rows0, gsem0)

    wait_rows(rows1, gsem1)
    @pl.when(j + 3 < cnt)
    def _():
      pre_idx(j + 3, idx1, isem1)
    @pl.when(jj > 0)
    def _():
      wait_out(acc1, osem1)
    reduce_chunk(rows1, acc1)
    pltpu.async_copy(acc1, out_hbm.at[pl.ds((start + j + 1) * CH, CH)],
                     osem1)
    @pl.when(j + 3 < cnt)
    def _():
      wait_idx(idx1, isem1)
      fire(idx1, rows1, gsem1)
    return carry

  lax.fori_loop(0, cnt // 2, pair_body, 0)
  wait_out(acc0, osem0)
  wait_out(acc1, osem1)


def _make_sc_kernel(b, cnt_hi, cnt_lo, w_hi):
  mesh = plsc.VectorSubcoreMesh(core_axis_name="c", subcore_axis_name="s",
                                num_cores=NC, num_subcores=NS)
  return pl.kernel(
      functools.partial(_sc_neighbor_sum, cnt_hi, cnt_lo, w_hi),
      out_type=jax.ShapeDtypeStruct((b, D), jnp.float32),
      mesh=mesh,
      scratch_types=[
          pltpu.VMEM((NG, GSUB), jnp.int32),
          pltpu.VMEM((NG, GSUB), jnp.int32),
          pltpu.VMEM((ROWS, D), jnp.float32),
          pltpu.VMEM((ROWS, D), jnp.float32),
          pltpu.VMEM((CH, D), jnp.float32),
          pltpu.VMEM((CH, D), jnp.float32),
          pltpu.SemaphoreType.DMA,
          pltpu.SemaphoreType.DMA,
          pltpu.SemaphoreType.DMA,
          pltpu.SemaphoreType.DMA,
          pltpu.SemaphoreType.DMA,
          pltpu.SemaphoreType.DMA,
      ],
  )


def _tc_rel_body(rel_ref, table_ref, out_ref):
  bn = rel_ref.shape[0]
  rel = rel_ref[...]
  iota = lax.broadcasted_iota(jnp.int32, (bn, D), 1)
  counts = jnp.zeros((bn, D), jnp.float32)
  for s in range(S):
    counts = counts + jnp.where(rel[:, s][:, None] == iota, 0.1, 0.0)
  out_ref[...] = jnp.dot(counts, table_ref[...],
                         preferred_element_type=jnp.float32)


def _tc_rel(rel, table_pad, bn=1000):
  b = rel.shape[0]
  return pl.pallas_call(
      _tc_rel_body,
      grid=(b // bn,),
      in_specs=[
          pl.BlockSpec((bn, S), lambda i: (i, 0)),
          pl.BlockSpec((D, D), lambda i: (0, 0)),
      ],
      out_specs=pl.BlockSpec((bn, D), lambda i: (i, 0)),
      out_shape=jax.ShapeDtypeStruct((b, D), jnp.float32),
  )(rel, table_pad)


def _tc_final_body(nbr_ref, relout_ref, w_ref, out_ref):
  out = lax.dot_general(nbr_ref[...], w_ref[...], (((1,), (1,)), ((), ())),
                        preferred_element_type=jnp.float32)
  out_ref[...] = jnp.maximum(out + relout_ref[...], 0.0)


def _tc_final(nbr_sum, rel_out, weight, bn=1000):
  b = nbr_sum.shape[0]
  return pl.pallas_call(
      _tc_final_body,
      grid=(b // bn,),
      in_specs=[
          pl.BlockSpec((bn, D), lambda i: (i, 0)),
          pl.BlockSpec((bn, D), lambda i: (i, 0)),
          pl.BlockSpec((D, D), lambda i: (0, 0)),
      ],
      out_specs=pl.BlockSpec((bn, D), lambda i: (i, 0)),
      out_shape=jax.ShapeDtypeStruct((b, D), jnp.float32),
  )(nbr_sum, rel_out, weight)


def _nbr_sum_half(neighbors, node_features):
  b = neighbors.shape[0]
  total_chunks = (b * S) // (NG * GSUB)
  assert total_chunks % 2 == 0
  npairs = total_chunks // 2
  base = npairs // NW
  w_hi = npairs - base * NW
  cnt_hi, cnt_lo = 2 * (base + 1), 2 * base
  if w_hi == 0:
    w_hi, cnt_hi = NW, cnt_lo
  idx = neighbors.reshape((b * S) // GSUB, GSUB)
  return _make_sc_kernel(b, cnt_hi, cnt_lo, w_hi)(node_features, idx)


def kernel(nodes, sampled_neighbors, sampled_relations, node_features, weight,
           relation_table):
  del nodes
  b, s = sampled_neighbors.shape
  assert s == S and node_features.shape[1] == D
  assert (b * S) % (2 * NG * GSUB) == 0 and b % 1000 == 0

  nbr_sum = _nbr_sum_half(sampled_neighbors, node_features)

  table_pad = jnp.pad(relation_table,
                      ((0, D - relation_table.shape[0]), (0, 0)))
  rel_out = _tc_rel(sampled_relations, table_pad)
  return _tc_final(nbr_sum, rel_out, weight)

# --- scband reference (transcript-rebuilt; emitter-appended) ---
"""Pipeline reference for scband-additive-relational-graph-convolution-77386720740026 (READ-ONLY COPY).

The authoritative reference and input builder live on the scoring server;
editing this copy changes nothing except your own understanding.
"""

import jax, jax.numpy as jnp
import numpy as np

N_NODES = 50000
NUM_SAMPLE = 10
SIZE_IN = 128
SIZE_OUT = 128
NUM_REL = 100  # relation table has NUM_REL + 1 rows (extra self-loop relation)


def setup_inputs(seed: int = 0) -> dict:
    key = jax.random.key(seed)
    k1, k2, k3, k4, k5, k6 = jax.random.split(key, 6)
    nodes = jax.random.randint(k1, (N_NODES,), 0, N_NODES)
    sampled_neighbors = jax.random.randint(k2, (N_NODES, NUM_SAMPLE), 0, N_NODES)
    sampled_relations = jax.random.randint(k3, (N_NODES, NUM_SAMPLE), 0, NUM_REL + 1)
    # learned / provided parameters
    node_features = jax.random.normal(k4, (N_NODES, SIZE_IN), dtype=jnp.float32)  # in_features_func table
    weight = jax.random.normal(k5, (SIZE_OUT, SIZE_IN), dtype=jnp.float32) * (1.0 / np.sqrt(SIZE_IN))
    relation_table = jax.random.normal(k6, (NUM_REL + 1, SIZE_OUT), dtype=jnp.float32) * 0.05
    return {
        "nodes": nodes,
        "sampled_neighbors": sampled_neighbors,
        "sampled_relations": sampled_relations,
        "node_features": node_features,
        "weight": weight,
        "relation_table": relation_table,
    }


def reference(nodes, sampled_neighbors, sampled_relations, node_features, weight, relation_table):
    # nodes determines which rows were sampled; the sampled edges are passed in
    # explicitly (the torch module samples them with numpy RNG inside forward).
    B, S = sampled_neighbors.shape
    # in_features_func(sampled_neighbors.view(-1)) == gather from feature table
    neighbor_embeddings = jnp.take(node_features, sampled_neighbors.reshape(-1), axis=0)
    neighbor_embeddings = neighbor_embeddings.reshape(B, S, -1)
    aggregated_neighbor_embeddings = neighbor_embeddings.mean(axis=1)
    # relation embedding lookup
    relation_embeddings = jnp.take(relation_table, sampled_relations.reshape(-1), axis=0)
    relation_embeddings = relation_embeddings.reshape(B, S, -1)
    aggregated_relation_embeddings = relation_embeddings.mean(axis=1)
    output_embeddings = aggregated_neighbor_embeddings @ weight.T + aggregated_relation_embeddings
    return jax.nn.relu(output_embeddings)

if __name__ == "__main__":
    import jax
    _d = setup_inputs()
    print(jax.jit(kernel)(*tuple(_d.values())))

</pallas_src>

<mosaic_0001>
#map = affine_map<(d0, d1) -> (0, 0)>
module attributes {stable_mosaic.version = 14 : i64} {
  func.func @_sc_neighbor_sum(%arg0: i32, %arg1: i32, %arg2: memref<50000x128xf32, #tpu.memory_space<hbm>>, %arg3: memref<5000x100xi32, #tpu.memory_space<hbm>>, %arg4: memref<50000x128xf32, #tpu.memory_space<hbm>>, %arg5: memref<4x100xi32, #tpu.memory_space<vmem>>, %arg6: memref<4x100xi32, #tpu.memory_space<vmem>>, %arg7: memref<400x128xf32, #tpu.memory_space<vmem>>, %arg8: memref<400x128xf32, #tpu.memory_space<vmem>>, %arg9: memref<40x128xf32, #tpu.memory_space<vmem>>, %arg10: memref<40x128xf32, #tpu.memory_space<vmem>>, %arg11: memref<!tpu.dma_semaphore, #tpu.memory_space<semaphore_mem>>, %arg12: memref<!tpu.dma_semaphore, #tpu.memory_space<semaphore_mem>>, %arg13: memref<!tpu.dma_semaphore, #tpu.memory_space<semaphore_mem>>, %arg14: memref<!tpu.dma_semaphore, #tpu.memory_space<semaphore_mem>>, %arg15: memref<!tpu.dma_semaphore, #tpu.memory_space<semaphore_mem>>, %arg16: memref<!tpu.dma_semaphore, #tpu.memory_space<semaphore_mem>>) attributes {dimension_semantics = [#tpu.dimension_semantics<core_parallel>, #tpu.dimension_semantics<subcore_parallel>], iteration_bounds = array<i64: 2, 16>, scalar_prefetch = 0 : i64, scratch_operands = 12 : i64, tpu.core_type = #tpu.core_type<sc_vector_subcore>, window_params = [{transform_indices = #map}, {transform_indices = #map}, {transform_indices = #map}]} {
    %mul3A = arith.constant 2 : i32
    %mul3A_0 = arith.muli %arg1, %mul3A : i32
    %add3A = arith.addi %mul3A_0, %arg0 : i32
    %lt3A = arith.constant 17 : i32
    %lt3A_1 = arith.cmpi slt, %add3A, %lt3A : i32
    %jit3A = arith.constant 40 : i32
    %jit3A_2 = arith.constant 38 : i32
    %select_n3A = arith.select %lt3A_1, %jit3A, %jit3A_2 : i32
    %lt3A_3 = arith.constant 17 : i32
    %lt3A_4 = arith.cmpi slt, %add3A, %lt3A_3 : i32
    %mul3A_5 = arith.constant 40 : i32
    %mul3A_6 = arith.muli %add3A, %mul3A_5 : i32
    %sub3A = arith.constant 17 : i32
    %sub3A_7 = arith.subi %add3A, %sub3A : i32
    %mul3A_8 = arith.constant 38 : i32
    %mul3A_9 = arith.muli %sub3A_7, %mul3A_8 : i32
    %add3A_10 = arith.constant 680 : i32
    %add3A_11 = arith.addi %add3A_10, %mul3A_9 : i32
    %select_n3A_12 = arith.select %lt3A_4, %mul3A_6, %add3A_11 : i32
    %add3A_13 = arith.constant 0 : i32
    %add3A_14 = arith.addi %select_n3A_12, %add3A_13 : i32
    %mul3A_15 = arith.constant 4 : i32
    %mul3A_16 = arith.muli %add3A_14, %mul3A_15 : i32
    %dma_start3A = arith.constant 0 : i32
    %dma_start3A_17 = tpu.memref_slice %arg3[%mul3A_16, %dma_start3A] : memref<5000x100xi32, #tpu.memory_space<hbm>> -> memref<4x100xi32, #tpu.memory_space<hbm>>
    %dma_start3A_18 = arith.constant 0 : i32
    %dma_start3A_19 = tpu.memref_slice %arg3[%mul3A_16, %dma_start3A_18] : memref<5000x100xi32, #tpu.memory_space<hbm>> -> memref<4x100xi32, #tpu.memory_space<hbm>>
    tpu.enqueue_dma source(%dma_start3A_19 : memref<4x100xi32, #tpu.memory_space<hbm>>) target(%arg5 : memref<4x100xi32, #tpu.memory_space<vmem>>) target_semaphore(%arg11 : memref<!tpu.dma_semaphore, #tpu.memory_space<semaphore_mem>>)
    %add3A_20 = arith.constant 1 : i32
    %add3A_21 = arith.addi %select_n3A_12, %add3A_20 : i32
    %mul3A_22 = arith.constant 4 : i32
    %mul3A_23 = arith.muli %add3A_21, %mul3A_22 : i32
    %dma_start3A_24 = arith.constant 0 : i32
    %dma_start3A_25 = tpu.memref_slice %arg3[%mul3A_23, %dma_start3A_24] : memref<5000x100xi32, #tpu.memory_space<hbm>> -> memref<4x100xi32, #tpu.memory_space<hbm>>
    %dma_start3A_26 = arith.constant 0 : i32
    %dma_start3A_27 = tpu.memref_slice %arg3[%mul3A_23, %dma_start3A_26] : memref<5000x100xi32, #tpu.memory_space<hbm>> -> memref<4x100xi32, #tpu.memory_space<hbm>>
    tpu.enqueue_dma source(%dma_start3A_27 : memref<4x100xi32, #tpu.memory_space<hbm>>) target(%arg6 : memref<4x100xi32, #tpu.memory_space<vmem>>) target_semaphore(%arg12 : memref<!tpu.dma_semaphore, #tpu.memory_space<semaphore_mem>>)
    %dma_wait3A = arith.constant 0 : i32
    %dma_wait3A_28 = arith.constant 0 : i32
    %dma_wait3A_29 = tpu.memref_slice %arg3[%dma_wait3A, %dma_wait3A_28] : memref<5000x100xi32, #tpu.memory_space<hbm>> -> memref<4x100xi32, #tpu.memory_space<hbm>>
    %dma_wait3A_30 = arith.constant 0 : i32
    %dma_wait3A_31 = arith.constant 0 : i32
    %dma_wait3A_32 = tpu.memref_slice %arg3[%dma_wait3A_30, %dma_wait3A_31] : memref<5000x100xi32, #tpu.memory_space<hbm>> -> memref<4x100xi32, #tpu.memory_space<hbm>>
    tpu.wait_dma2 semaphore(%arg11 : memref<!tpu.dma_semaphore, #tpu.memory_space<semaphore_mem>>) src(%dma_wait3A_32 : memref<4x100xi32, #tpu.memory_space<hbm>>) dst(%arg5 : memref<4x100xi32, #tpu.memory_space<vmem>>)
    %dma_start3A_33 = arith.constant 0 : i32
    %dma_start3A_34 = arith.constant 0 : i32
    %dma_start3A_35 = arith.constant 0 : i32
    %dma_start3A_36 = tpu.memref_slice %arg7[%dma_start3A_34, %dma_start3A_35] : memref<400x128xf32, #tpu.memory_space<vmem>> -> memref<100x128xf32, #tpu.memory_space<vmem>>
    %dma_start3A_37 = arith.constant 0 : i32
    %dma_start3A_38 = tpu.memref_slice %arg5[%dma_start3A_33, %dma_start3A_37] : memref<4x100xi32, #tpu.memory_space<vmem>> -> memref<1x100xi32, #tpu.memory_space<vmem>>
    %dma_start3A_39 = tpu.memref_squeeze %dma_start3A_38 : memref<1x100xi32, #tpu.memory_space<vmem>> -> memref<100xi32, #tpu.memory_space<vmem>>
    %dma_start3A_40 = arith.constant 0 : i32
    %dma_start3A_41 = arith.constant 0 : i32
    %dma_start3A_42 = tpu.memref_slice %arg2[%dma_start3A_40, %dma_start3A_41] : memref<50000x128xf32, #tpu.memory_space<hbm>> -> memref<50000x128xf32, #tpu.memory_space<hbm>>
    tpu.enqueue_indirect_dma source(%dma_start3A_42 : memref<50000x128xf32, #tpu.memory_space<hbm>>) target(%dma_start3A_36 : memref<100x128xf32, #tpu.memory_space<vmem>>) offsets(%dma_start3A_39 : memref<100xi32, #tpu.memory_space<vmem>>) semaphore(%arg13 : memref<!tpu.dma_semaphore, #tpu.memory_space<semaphore_mem>>)
    %dma_start3A_43 = arith.constant 1 : i32
    %dma_start3A_44 = arith.constant 100 : i32
    %dma_start3A_45 = arith.constant 0 : i32
    %dma_start3A_46 = tpu.memref_slice %arg7[%dma_start3A_44, %dma_start3A_45] : memref<400x128xf32, #tpu.memory_space<vmem>> -> memref<100x128xf32, #tpu.memory_space<vmem>>
    %dma_start3A_47 = arith.constant 0 : i32
    %dma_start3A_48 = tpu.memref_slice %arg5[%dma_start3A_43, %dma_start3A_47] : memref<4x100xi32, #tpu.memory_space<vmem>> -> memref<1x100xi32, #tpu.memory_space<vmem>>
    %dma_start3A_49 = tpu.memref_squeeze %dma_start3A_48 : memref<1x100xi32, #tpu.memory_space<vmem>> -> memref<100xi32, #tpu.memory_space<vmem>>
    %dma_start3A_50 = arith.constant 0 : i32
    %dma_start3A_51 = arith.constant 0 : i32
    %dma_start3A_52 = tpu.memref_slice %arg2[%dma_start3A_50, %dma_start3A_51] : memref<50000x128xf32, #tpu.memory_space<hbm>> -> memref<50000x128xf32, #tpu.memory_space<hbm>>
    tpu.enqueue_indirect_dma source(%dma_start3A_52 : memref<50000x128xf32, #tpu.memory_space<hbm>>) target(%dma_start3A_46 : memref<100x128xf32, #tpu.memory_space<vmem>>) offsets(%dma_start3A_49 : memref<100xi32, #tpu.memory_space<vmem>>) semaphore(%arg13 : memref<!tpu.dma_semaphore, #tpu.memory_space<semaphore_mem>>)
    %dma_start3A_53 = arith.constant 2 : i32
    %dma_start3A_54 = arith.constant 200 : i32
    %dma_start3A_55 = arith.constant 0 : i32
    %dma_start3A_56 = tpu.memref_slice %arg7[%dma_start3A_54, %dma_start3A_55] : memref<400x128xf32, #tpu.memory_space<vmem>> -> memref<100x128xf32, #tpu.memory_space<vmem>>
    %dma_start3A_57 = arith.constant 0 : i32
    %dma_start3A_58 = tpu.memref_slice %arg5[%dma_start3A_53, %dma_start3A_57] : memref<4x100xi32, #tpu.memory_space<vmem>> -> memref<1x100xi32, #tpu.memory_space<vmem>>
    %dma_start3A_59 = tpu.memref_squeeze %dma_start3A_58 : memref<1x100xi32, #tpu.memory_space<vmem>> -> memref<100xi32, #tpu.memory_space<vmem>>
    %dma_start3A_60 = arith.constant 0 : i32
    %dma_start3A_61 = arith.constant 0 : i32
    %dma_start3A_62 = tpu.memref_slice %arg2[%dma_start3A_60, %dma_start3A_61] : memref<50000x128xf32, #tpu.memory_space<hbm>> -> memref<50000x128xf32, #tpu.memory_space<hbm>>
    tpu.enqueue_indirect_dma source(%dma_start3A_62 : memref<50000x128xf32, #tpu.memory_space<hbm>>) target(%dma_start3A_56 : memref<100x128xf32, #tpu.memory_space<vmem>>) offsets(%dma_start3A_59 : memref<100xi32, #tpu.memory_space<vmem>>) semaphore(%arg13 : memref<!tpu.dma_semaphore, #tpu.memory_space<semaphore_mem>>)
    %dma_start3A_63 = arith.constant 3 : i32
    %dma_start3A_64 = arith.constant 300 : i32
    %dma_start3A_65 = arith.constant 0 : i32
    %dma_start3A_66 = tpu.memref_slice %arg7[%dma_start3A_64, %dma_start3A_65] : memref<400x128xf32, #tpu.memory_space<vmem>> -> memref<100x128xf32, #tpu.memory_space<vmem>>
    %dma_start3A_67 = arith.constant 0 : i32
    %dma_start3A_68 = tpu.memref_slice %arg5[%dma_start3A_63, %dma_start3A_67] : memref<4x100xi32, #tpu.memory_space<vmem>> -> memref<1x100xi32, #tpu.memory_space<vmem>>
    %dma_start3A_69 = tpu.memref_squeeze %dma_start3A_68 : memref<1x100xi32, #tpu.memory_space<vmem>> -> memref<100xi32, #tpu.memory_space<vmem>>
    %dma_start3A_70 = arith.constant 0 : i32
    %dma_start3A_71 = arith.constant 0 : i32
    %dma_start3A_72 = tpu.memref_slice %arg2[%dma_start3A_70, %dma_start3A_71] : memref<50000x128xf32, #tpu.memory_space<hbm>> -> memref<50000x128xf32, #tpu.memory_space<hbm>>
    tpu.enqueue_indirect_dma source(%dma_start3A_72 : memref<50000x128xf32, #tpu.memory_space<hbm>>) target(%dma_start3A_66 : memref<100x128xf32, #tpu.memory_space<vmem>>) offsets(%dma_start3A_69 : memref<100xi32, #tpu.memory_space<vmem>>) semaphore(%arg13 : memref<!tpu.dma_semaphore, #tpu.memory_space<semaphore_mem>>)
    %dma_wait3A_73 = arith.constant 0 : i32
    %dma_wait3A_74 = arith.constant 0 : i32
    %dma_wait3A_75 = tpu.memref_slice %arg3[%dma_wait3A_73, %dma_wait3A_74] : memref<5000x100xi32, #tpu.memory_space<hbm>> -> memref<4x100xi32, #tpu.memory_space<hbm>>
    %dma_wait3A_76 = arith.constant 0 : i32
    %dma_wait3A_77 = arith.constant 0 : i32
    %dma_wait3A_78 = tpu.memref_slice %arg3[%dma_wait3A_76, %dma_wait3A_77] : memref<5000x100xi32, #tpu.memory_space<hbm>> -> memref<4x100xi32, #tpu.memory_space<hbm>>
    tpu.wait_dma2 semaphore(%arg12 : memref<!tpu.dma_semaphore, #tpu.memory_space<semaphore_mem>>) src(%dma_wait3A_78 : memref<4x100xi32, #tpu.memory_space<hbm>>) dst(%arg6 : memref<4x100xi32, #tpu.memory_space<vmem>>)
    %dma_start3A_79 = arith.constant 0 : i32
    %dma_start3A_80 = arith.constant 0 : i32
    %dma_start3A_81 = arith.constant 0 : i32
    %dma_start3A_82 = tpu.memref_slice %arg8[%dma_start3A_80, %dma_start3A_81] : memref<400x128xf32, #tpu.memory_space<vmem>> -> memref<100x128xf32, #tpu.memory_space<vmem>>
    %dma_start3A_83 = arith.constant 0 : i32
    %dma_start3A_84 = tpu.memref_slice %arg6[%dma_start3A_79, %dma_start3A_83] : memref<4x100xi32, #tpu.memory_space<vmem>> -> memref<1x100xi32, #tpu.memory_space<vmem>>
    %dma_start3A_85 = tpu.memref_squeeze %dma_start3A_84 : memref<1x100xi32, #tpu.memory_space<vmem>> -> memref<100xi32, #tpu.memory_space<vmem>>
    %dma_start3A_86 = arith.constant 0 : i32
    %dma_start3A_87 = arith.constant 0 : i32
    %dma_start3A_88 = tpu.memref_slice %arg2[%dma_start3A_86, %dma_start3A_87] : memref<50000x128xf32, #tpu.memory_space<hbm>> -> memref<50000x128xf32, #tpu.memory_space<hbm>>
    tpu.enqueue_indirect_dma source(%dma_start3A_88 : memref<50000x128xf32, #tpu.memory_space<hbm>>) target(%dma_start3A_82 : memref<100x128xf32, #tpu.memory_space<vmem>>) offsets(%dma_start3A_85 : memref<100xi32, #tpu.memory_space<vmem>>) semaphore(%arg14 : memref<!tpu.dma_semaphore, #tpu.memory_space<semaphore_mem>>)
    %dma_start3A_89 = arith.constant 1 : i32
    %dma_start3A_90 = arith.constant 100 : i32
    %dma_start3A_91 = arith.constant 0 : i32
    %dma_start3A_92 = tpu.memref_slice %arg8[%dma_start3A_90, %dma_start3A_91] : memref<400x128xf32, #tpu.memory_space<vmem>> -> memref<100x128xf32, #tpu.memory_space<vmem>>
    %dma_start3A_93 = arith.constant 0 : i32
    %dma_start3A_94 = tpu.memref_slice %arg6[%dma_start3A_89, %dma_start3A_93] : memref<4x100xi32, #tpu.memory_space<vmem>> -> memref<1x100xi32, #tpu.memory_space<vmem>>
    %dma_start3A_95 = tpu.memref_squeeze %dma_start3A_94 : memref<1x100xi32, #tpu.memory_space<vmem>> -> memref<100xi32, #tpu.memory_space<vmem>>
    %dma_start3A_96 = arith.constant 0 : i32
    %dma_start3A_97 = arith.constant 0 : i32
    %dma_start3A_98 = tpu.memref_slice %arg2[%dma_start3A_96, %dma_start3A_97] : memref<50000x128xf32, #tpu.memory_space<hbm>> -> memref<50000x128xf32, #tpu.memory_space<hbm>>
    tpu.enqueue_indirect_dma source(%dma_start3A_98 : memref<50000x128xf32, #tpu.memory_space<hbm>>) target(%dma_start3A_92 : memref<100x128xf32, #tpu.memory_space<vmem>>) offsets(%dma_start3A_95 : memref<100xi32, #tpu.memory_space<vmem>>) semaphore(%arg14 : memref<!tpu.dma_semaphore, #tpu.memory_space<semaphore_mem>>)
    %dma_start3A_99 = arith.constant 2 : i32
    %dma_start3A_100 = arith.constant 200 : i32
    %dma_start3A_101 = arith.constant 0 : i32
    %dma_start3A_102 = tpu.memref_slice %arg8[%dma_start3A_100, %dma_start3A_101] : memref<400x128xf32, #tpu.memory_space<vmem>> -> memref<100x128xf32, #tpu.memory_space<vmem>>
    %dma_start3A_103 = arith.constant 0 : i32
    %dma_start3A_104 = tpu.memref_slice %arg6[%dma_start3A_99, %dma_start3A_103] : memref<4x100xi32, #tpu.memory_space<vmem>> -> memref<1x100xi32, #tpu.memory_space<vmem>>
    %dma_start3A_105 = tpu.memref_squeeze %dma_start3A_104 : memref<1x100xi32, #tpu.memory_space<vmem>> -> memref<100xi32, #tpu.memory_space<vmem>>
    %dma_start3A_106 = arith.constant 0 : i32
    %dma_start3A_107 = arith.constant 0 : i32
    %dma_start3A_108 = tpu.memref_slice %arg2[%dma_start3A_106, %dma_start3A_107] : memref<50000x128xf32, #tpu.memory_space<hbm>> -> memref<50000x128xf32, #tpu.memory_space<hbm>>
    tpu.enqueue_indirect_dma source(%dma_start3A_108 : memref<50000x128xf32, #tpu.memory_space<hbm>>) target(%dma_start3A_102 : memref<100x128xf32, #tpu.memory_space<vmem>>) offsets(%dma_start3A_105 : memref<100xi32, #tpu.memory_space<vmem>>) semaphore(%arg14 : memref<!tpu.dma_semaphore, #tpu.memory_space<semaphore_mem>>)
    %dma_start3A_109 = arith.constant 3 : i32
    %dma_start3A_110 = arith.constant 300 : i32
    %dma_start3A_111 = arith.constant 0 : i32
    %dma_start3A_112 = tpu.memref_slice %arg8[%dma_start3A_110, %dma_start3A_111] : memref<400x128xf32, #tpu.memory_space<vmem>> -> memref<100x128xf32, #tpu.memory_space<vmem>>
    %dma_start3A_113 = arith.constant 0 : i32
    %dma_start3A_114 = tpu.memref_slice %arg6[%dma_start3A_109, %dma_start3A_113] : memref<4x100xi32, #tpu.memory_space<vmem>> -> memref<1x100xi32, #tpu.memory_space<vmem>>
    %dma_start3A_115 = tpu.memref_squeeze %dma_start3A_114 : memref<1x100xi32, #tpu.memory_space<vmem>> -> memref<100xi32, #tpu.memory_space<vmem>>
    %dma_start3A_116 = arith.constant 0 : i32
    %dma_start3A_117 = arith.constant 0 : i32
    %dma_start3A_118 = tpu.memref_slice %arg2[%dma_start3A_116, %dma_start3A_117] : memref<50000x128xf32, #tpu.memory_space<hbm>> -> memref<50000x128xf32, #tpu.memory_space<hbm>>
    tpu.enqueue_indirect_dma source(%dma_start3A_118 : memref<50000x128xf32, #tpu.memory_space<hbm>>) target(%dma_start3A_112 : memref<100x128xf32, #tpu.memory_space<vmem>>) offsets(%dma_start3A_115 : memref<100xi32, #tpu.memory_space<vmem>>) semaphore(%arg14 : memref<!tpu.dma_semaphore, #tpu.memory_space<semaphore_mem>>)
    %jit3A_119 = arith.constant 2 : i32
    %div3A = arith.divsi %select_n3A, %jit3A_119 : i32
    %sign3A = arith.constant 0 : i32
    %sign3A_120 = arith.cmpi sgt, %select_n3A, %sign3A : i32
    %sign3A_121 = arith.extui %sign3A_120 : i1 to i32
    %sign3A_122 = arith.constant 0 : i32
    %sign3A_123 = arith.cmpi slt, %select_n3A, %sign3A_122 : i32
    %sign3A_124 = arith.extui %sign3A_123 : i1 to i32
    %sign3A_125 = arith.subi %sign3A_121, %sign3A_124 : i32
    %sign3A_126 = arith.constant 0 : i32
    %sign3A_127 = arith.cmpi sgt, %jit3A_119, %sign3A_126 : i32
    %sign3A_128 = arith.extui %sign3A_127 : i1 to i32
    %sign3A_129 = arith.constant 0 : i32
    %sign3A_130 = arith.cmpi slt, %jit3A_119, %sign3A_129 : i32
    %sign3A_131 = arith.extui %sign3A_130 : i1 to i32
    %sign3A_132 = arith.subi %sign3A_128, %sign3A_131 : i32
    %ne3A = arith.cmpi ne, %sign3A_125, %sign3A_132 : i32
    %rem3A = arith.remsi %select_n3A, %jit3A_119 : i32
    %ne3A_133 = arith.constant 0 : i32
    %ne3A_134 = arith.cmpi ne, %rem3A, %ne3A_133 : i32
    %and3A = arith.andi %ne3A, %ne3A_134 : i1
    %sub3A_135 = arith.constant 1 : i32
    %sub3A_136 = arith.subi %div3A, %sub3A_135 : i32
    %select_n3A_137 = arith.select %and3A, %sub3A_136, %div3A : i32
    %while3A = arith.constant 0 : i32
    %while3A_138 = arith.constant 0 : i32
    %while3A_139 = arith.subi %select_n3A_137, %while3A_138 : i32
    %while3A_140 = arith.addi %while3A_138, %while3A_139 : i32
    %while3A_141 = arith.constant 1 : i32
    %while3A_142 = arith.divsi %while3A_139, %while3A_141 : i32
    %while3A_143 = arith.muli %while3A_142, %while3A_141 : i32
    %while3A_144 = arith.addi %while3A_138, %while3A_143 : i32
    %while3A_145 = arith.constant 1 : i32
    scf.for %while3A_159 = %while3A_138 to %while3A_144 step %while3A_145  : i32 {
      %mul3A_160 = arith.constant 2 : i32
      %mul3A_161 = arith.muli %while3A_159, %mul3A_160 : i32
      %dma_wait3A_162 = arith.constant 0 : i32
      %dma_wait3A_163 = arith.constant 0 : i32
      %dma_wait3A_164 = tpu.memref_slice %arg2[%dma_wait3A_162, %dma_wait3A_163] : memref<50000x128xf32, #tpu.memory_space<hbm>> -> memref<400x128xf32, #tpu.memory_space<hbm>>
      %dma_wait3A_165 = arith.constant 0 : i32
      %dma_wait3A_166 = arith.constant 0 : i32
      %dma_wait3A_167 = tpu.memref_slice %arg2[%dma_wait3A_165, %dma_wait3A_166] : memref<50000x128xf32, #tpu.memory_space<hbm>> -> memref<400x128xf32, #tpu.memory_space<hbm>>
      tpu.wait_dma2 semaphore(%arg13 : memref<!tpu.dma_semaphore, #tpu.memory_space<semaphore_mem>>) src(%dma_wait3A_167 : memref<400x128xf32, #tpu.memory_space<hbm>>) dst(%arg7 : memref<400x128xf32, #tpu.memory_space<vmem>>)
      %add3A_168 = arith.constant 2 : i32
      %add3A_169 = arith.addi %mul3A_161, %add3A_168 : i32
      %lt3A_170 = arith.cmpi slt, %add3A_169, %select_n3A : i32
      %convert_element_type3A = arith.extui %lt3A_170 : i1 to i32
      %cond3A = arith.constant 0 : i32
      %cond3A_171 = arith.cmpi ne, %convert_element_type3A, %cond3A : i32
      scf.if %cond3A_171 {
        %add3A_232 = arith.constant 2 : i32
        %add3A_233 = arith.addi %mul3A_161, %add3A_232 : i32
        %add3A_234 = arith.addi %select_n3A_12, %add3A_233 : i32
        %mul3A_235 = arith.constant 4 : i32
        %mul3A_236 = arith.muli %add3A_234, %mul3A_235 : i32
        %dma_start3A_237 = arith.constant 0 : i32
        %dma_start3A_238 = tpu.memref_slice %arg3[%mul3A_236, %dma_start3A_237] : memref<5000x100xi32, #tpu.memory_space<hbm>> -> memref<4x100xi32, #tpu.memory_space<hbm>>
        %dma_start3A_239 = arith.constant 0 : i32
        %dma_start3A_240 = tpu.memref_slice %arg3[%mul3A_236, %dma_start3A_239] : memref<5000x100xi32, #tpu.memory_space<hbm>> -> memref<4x100xi32, #tpu.memory_space<hbm>>
        tpu.enqueue_dma source(%dma_start3A_240 : memref<4x100xi32, #tpu.memory_space<hbm>>) target(%arg5 : memref<4x100xi32, #tpu.memory_space<vmem>>) target_semaphore(%arg11 : memref<!tpu.dma_semaphore, #tpu.memory_space<semaphore_mem>>)
      } else {
      }
      %gt3A = arith.constant 0 : i32
      %gt3A_172 = arith.cmpi sgt, %while3A_159, %gt3A : i32
      %convert_element_type3A_173 = arith.extui %gt3A_172 : i1 to i32
      %cond3A_174 = arith.constant 0 : i32
      %cond3A_175 = arith.cmpi ne, %convert_element_type3A_173, %cond3A_174 : i32
      scf.if %cond3A_175 {
        %dma_wait3A_232 = arith.constant 0 : i32
        %dma_wait3A_233 = arith.constant 0 : i32
        %dma_wait3A_234 = tpu.memref_slice %arg4[%dma_wait3A_232, %dma_wait3A_233] : memref<50000x128xf32, #tpu.memory_space<hbm>> -> memref<40x128xf32, #tpu.memory_space<hbm>>
        %dma_wait3A_235 = arith.constant 0 : i32
        %dma_wait3A_236 = arith.constant 0 : i32
        %dma_wait3A_237 = tpu.memref_slice %arg4[%dma_wait3A_235, %dma_wait3A_236] : memref<50000x128xf32, #tpu.memory_space<hbm>> -> memref<40x128xf32, #tpu.memory_space<hbm>>
        tpu.wait_dma2 semaphore(%arg15 : memref<!tpu.dma_semaphore, #tpu.memory_space<semaphore_mem>>) src(%arg9 : memref<40x128xf32, #tpu.memory_space<vmem>>) dst(%dma_wait3A_237 : memref<40x128xf32, #tpu.memory_space<hbm>>)
      } else {
      }
      %scan3A = arith.constant 0 : i32
      %scan3A_176 = arith.constant 0 : i32
      %scan3A_177 = arith.constant 40 : i32
      %scan3A_178 = arith.addi %scan3A_176, %scan3A_177 : i32
      %scan3A_179 = arith.constant 1 : i32
      scf.for %scan3A_232 = %scan3A_176 to %scan3A_178 step %scan3A_179  : i32 {
        %mul3A_233 = arith.constant 10 : i32
        %mul3A_234 = arith.muli %scan3A_232, %mul3A_233 : i32
        %add3A_235 = arith.constant 0 : i32
        %add3A_236 = arith.addi %mul3A_234, %add3A_235 : i32
        %get3A = arith.index_cast %add3A_236 : i32 to index
        %get3A_237 = arith.constant 0 : index
        %get3A_238 = tpu.vector_load %arg7[%get3A, %get3A_237] {strides = array<i32>} : memref<400x128xf32, #tpu.memory_space<vmem>>, vector<1x16xf32>,
        %get3A_239 = vector.shape_cast %get3A_238 : vector<1x16xf32> to vector<16xf32>
        %add3A_240 = arith.constant 1 : i32
        %add3A_241 = arith.addi %mul3A_234, %add3A_240 : i32
        %get3A_242 = arith.index_cast %add3A_241 : i32 to index
        %get3A_243 = arith.constant 0 : index
        %get3A_244 = tpu.vector_load %arg7[%get3A_242, %get3A_243] {strides = array<i32>} : memref<400x128xf32, #tpu.memory_space<vmem>>, vector<1x16xf32>,
        %get3A_245 = vector.shape_cast %get3A_244 : vector<1x16xf32> to vector<16xf32>
        %add3A_246 = arith.constant 2 : i32
        %add3A_247 = arith.addi %mul3A_234, %add3A_246 : i32
        %get3A_248 = arith.index_cast %add3A_247 : i32 to index
        %get3A_249 = arith.constant 0 : index
        %get3A_250 = tpu.vector_load %arg7[%get3A_248, %get3A_249] {strides = array<i32>} : memref<400x128xf32, #tpu.memory_space<vmem>>, vector<1x16xf32>,
        %get3A_251 = vector.shape_cast %get3A_250 : vector<1x16xf32> to vector<16xf32>
        %add3A_252 = arith.constant 3 : i32
        %add3A_253 = arith.addi %mul3A_234, %add3A_252 : i32
        %get3A_254 = arith.index_cast %add3A_253 : i32 to index
        %get3A_255 = arith.constant 0 : index
        %get3A_256 = tpu.vector_load %arg7[%get3A_254, %get3A_255] {strides = array<i32>} : memref<400x128xf32, #tpu.memory_space<vmem>>, vector<1x16xf32>,
        %get3A_257 = vector.shape_cast %get3A_256 : vector<1x16xf32> to vector<16xf32>
        %add3A_258 = arith.constant 4 : i32
        %add3A_259 = arith.addi %mul3A_234, %add3A_258 : i32
        %get3A_260 = arith.index_cast %add3A_259 : i32 to index
        %get3A_261 = arith.constant 0 : index
        %get3A_262 = tpu.vector_load %arg7[%get3A_260, %get3A_261] {strides = array<i32>} : memref<400x128xf32, #tpu.memory_space<vmem>>, vector<1x16xf32>,
        %get3A_263 = vector.shape_cast %get3A_262 : vector<1x16xf32> to vector<16xf32>
        %add3A_264 = arith.constant 5 : i32
        %add3A_265 = arith.addi %mul3A_234, %add3A_264 : i32
        %get3A_266 = arith.index_cast %add3A_265 : i32 to index
        %get3A_267 = arith.constant 0 : index
        %get3A_268 = tpu.vector_load %arg7[%get3A_266, %get3A_267] {strides = array<i32>} : memref<400x128xf32, #tpu.memory_space<vmem>>, vector<1x16xf32>,
        %get3A_269 = vector.shape_cast %get3A_268 : vector<1x16xf32> to vector<16xf32>
        %add3A_270 = arith.constant 6 : i32
        %add3A_271 = arith.addi %mul3A_234, %add3A_270 : i32
        %get3A_272 = arith.index_cast %add3A_271 : i32 to index
        %get3A_273 = arith.constant 0 : index
        %get3A_274 = tpu.vector_load %arg7[%get3A_272, %get3A_273] {strides = array<i32>} : memref<400x128xf32, #tpu.memory_space<vmem>>, vector<1x16xf32>,
        %get3A_275 = vector.shape_cast %get3A_274 : vector<1x16xf32> to vector<16xf32>
        %add3A_276 = arith.constant 7 : i32
        %add3A_277 = arith.addi %mul3A_234, %add3A_276 : i32
        %get3A_278 = arith.index_cast %add3A_277 : i32 to index
        %get3A_279 = arith.constant 0 : index
        %get3A_280 = tpu.vector_load %arg7[%get3A_278, %get3A_279] {strides = array<i32>} : memref<400x128xf32, #tpu.memory_space<vmem>>, vector<1x16xf32>,
        %get3A_281 = vector.shape_cast %get3A_280 : vector<1x16xf32> to vector<16xf32>
        %add3A_282 = arith.constant 8 : i32
        %add3A_283 = arith.addi %mul3A_234, %add3A_282 : i32
        %get3A_284 = arith.index_cast %add3A_283 : i32 to index
        %get3A_285 = arith.constant 0 : index
        %get3A_286 = tpu.vector_load %arg7[%get3A_284, %get3A_285] {strides = array<i32>} : memref<400x128xf32, #tpu.memory_space<vmem>>, vector<1x16xf32>,
        %get3A_287 = vector.shape_cast %get3A_286 : vector<1x16xf32> to vector<16xf32>
        %add3A_288 = arith.constant 9 : i32
        %add3A_289 = arith.addi %mul3A_234, %add3A_288 : i32
        %get3A_290 = arith.index_cast %add3A_289 : i32 to index
        %get3A_291 = arith.constant 0 : index
        %get3A_292 = tpu.vector_load %arg7[%get3A_290, %get3A_291] {strides = array<i32>} : memref<400x128xf32, #tpu.memory_space<vmem>>, vector<1x16xf32>,
        %get3A_293 = vector.shape_cast %get3A_292 : vector<1x16xf32> to vector<16xf32>
        %add3A_294 = arith.addf %get3A_239, %get3A_245 : vector<16xf32>
        %add3A_295 = arith.addf %get3A_251, %get3A_257 : vector<16xf32>
        %add3A_296 = arith.addf %get3A_263, %get3A_269 : vector<16xf32>
        %add3A_297 = arith.addf %get3A_275, %get3A_281 : vector<16xf32>
        %add3A_298 = arith.addf %get3A_287, %get3A_293 : vector<16xf32>
        %add3A_299 = arith.addf %add3A_294, %add3A_295 : vector<16xf32>
        %add3A_300 = arith.addf %add3A_296, %add3A_297 : vector<16xf32>
        %add3A_301 = arith.addf %add3A_299, %add3A_300 : vector<16xf32>
        %add3A_302 = arith.addf %add3A_301, %add3A_298 : vector<16xf32>
        %mul3A_303 = arith.constant 1.000000e-01 : f32
        %mul3A_304 = vector.broadcast %mul3A_303 : f32 to vector<16xf32>
        %mul3A_305 = arith.mulf %add3A_302, %mul3A_304 : vector<16xf32>
        %swap3A = arith.index_cast %scan3A_232 : i32 to index
        %swap3A_306 = arith.constant 0 : index
        %swap3A_307 = tpu.vector_load %arg9[%swap3A, %swap3A_306] {strides = array<i32>} : memref<40x128xf32, #tpu.memory_space<vmem>>, vector<1x16xf32>,
        %swap3A_308 = vector.shape_cast %swap3A_307 : vector<1x16xf32> to vector<16xf32>
        %swap3A_309 = vector.shape_cast %mul3A_305 : vector<16xf32> to vector<1x16xf32>
        tpu.vector_store %arg9[%swap3A, %swap3A_306], %swap3A_309 {strides = array<i32>} : memref<40x128xf32, #tpu.memory_space<vmem>>, vector<1x16xf32>,
        %add3A_310 = arith.constant 0 : i32
        %add3A_311 = arith.addi %mul3A_234, %add3A_310 : i32
        %get3A_312 = arith.index_cast %add3A_311 : i32 to index
        %get3A_313 = arith.constant 16 : index
        %get3A_314 = tpu.vector_load %arg7[%get3A_312, %get3A_313] {strides = array<i32>} : memref<400x128xf32, #tpu.memory_space<vmem>>, vector<1x16xf32>,
        %get3A_315 = vector.shape_cast %get3A_314 : vector<1x16xf32> to vector<16xf32>
        %add3A_316 = arith.constant 1 : i32
        %add3A_317 = arith.addi %mul3A_234, %add3A_316 : i32
        %get3A_318 = arith.index_cast %add3A_317 : i32 to index
        %get3A_319 = arith.constant 16 : index
        %get3A_320 = tpu.vector_load %arg7[%get3A_318, %get3A_319] {strides = array<i32>} : memref<400x128xf32, #tpu.memory_space<vmem>>, vector<1x16xf32>,
        %get3A_321 = vector.shape_cast %get3A_320 : vector<1x16xf32> to vector<16xf32>
        %add3A_322 = arith.constant 2 : i32
        %add3A_323 = arith.addi %mul3A_234, %add3A_322 : i32
        %get3A_324 = arith.index_cast %add3A_323 : i32 to index
        %get3A_325 = arith.constant 16 : index
        %get3A_326 = tpu.vector_load %arg7[%get3A_324, %get3A_325] {strides = array<i32>} : memref<400x128xf32, #tpu.memory_space<vmem>>, vector<1x16xf32>,
        %get3A_327 = vector.shape_cast %get3A_326 : vector<1x16xf32> to vector<16xf32>
        %add3A_328 = arith.constant 3 : i32
        %add3A_329 = arith.addi %mul3A_234, %add3A_328 : i32
        %get3A_330 = arith.index_cast %add3A_329 : i32 to index
        %get3A_331 = arith.constant 16 : index
        %get3A_332 = tpu.vector_load %arg7[%get3A_330, %get3A_331] {strides = array<i32>} : memref<400x128xf32, #tpu.memory_space<vmem>>, vector<1x16xf32>,
        %get3A_333 = vector.shape_cast %get3A_332 : vector<1x16xf32> to vector<16xf32>
        %add3A_334 = arith.constant 4 : i32
        %add3A_335 = arith.addi %mul3A_234, %add3A_334 : i32
        %get3A_336 = arith.index_cast %add3A_335 : i32 to index
        %get3A_337 = arith.constant 16 : index
        %get3A_338 = tpu.vector_load %arg7[%get3A_336, %get3A_337] {strides = array<i32>} : memref<400x128xf32, #tpu.memory_space<vmem>>, vector<1x16xf32>,
        %get3A_339 = vector.shape_cast %get3A_338 : vector<1x16xf32> to vector<16xf32>
        %add3A_340 = arith.constant 5 : i32
        %add3A_341 = arith.addi %mul3A_234, %add3A_340 : i32
        %get3A_342 = arith.index_cast %add3A_341 : i32 to index
        %get3A_343 = arith.constant 16 : index
        %get3A_344 = tpu.vector_load %arg7[%get3A_342, %get3A_343] {strides = array<i32>} : memref<400x128xf32, #tpu.memory_space<vmem>>, vector<1x16xf32>,
        %get3A_345 = vector.shape_cast %get3A_344 : vector<1x16xf32> to vector<16xf32>
        %add3A_346 = arith.constant 6 : i32
        %add3A_347 = arith.addi %mul3A_234, %add3A_346 : i32
        %get3A_348 = arith.index_cast %add3A_347 : i32 to index
        %get3A_349 = arith.constant 16 : index
        %get3A_350 = tpu.vector_load %arg7[%get3A_348, %get3A_349] {strides = array<i32>} : memref<400x128xf32, #tpu.memory_space<vmem>>, vector<1x16xf32>,
        %get3A_351 = vector.shape_cast %get3A_350 : vector<1x16xf32> to vector<16xf32>
        %add3A_352 = arith.constant 7 : i32
        %add3A_353 = arith.addi %mul3A_234, %add3A_352 : i32
        %get3A_354 = arith.index_cast %add3A_353 : i32 to index
        %get3A_355 = arith.constant 16 : index
        %get3A_356 = tpu.vector_load %arg7[%get3A_354, %get3A_355] {strides = array<i32>} : memref<400x128xf32, #tpu.memory_space<vmem>>, vector<1x16xf32>,
        %get3A_357 = vector.shape_cast %get3A_356 : vector<1x16xf32> to vector<16xf32>
        %add3A_358 = arith.constant 8 : i32
        %add3A_359 = arith.addi %mul3A_234, %add3A_358 : i32
        %get3A_360 = arith.index_cast %add3A_359 : i32 to index
        %get3A_361 = arith.constant 16 : index
        %get3A_362 = tpu.vector_load %arg7[%get3A_360, %get3A_361] {strides = array<i32>} : memref<400x128xf32, #tpu.memory_space<vmem>>, vector<1x16xf32>,
        %get3A_363 = vector.shape_cast %get3A_362 : vector<1x16xf32> to vector<16xf32>
        %add3A_364 = arith.constant 9 : i32
        %add3A_365 = arith.addi %mul3A_234, %add3A_364 : i32
        %get3A_366 = arith.index_cast %add3A_365 : i32 to index
        %get3A_367 = arith.constant 16 : index
        %get3A_368 = tpu.vector_load %arg7[%get3A_366, %get3A_367] {strides = array<i32>} : memref<400x128xf32, #tpu.memory_space<vmem>>, vector<1x16xf32>,
        %get3A_369 = vector.shape_cast %get3A_368 : vector<1x16xf32> to vector<16xf32>
        %add3A_370 = arith.addf %get3A_315, %get3A_321 : vector<16xf32>
        %add3A_371 = arith.addf %get3A_327, %get3A_333 : vector<16xf32>
        %add3A_372 = arith.addf %get3A_339, %get3A_345 : vector<16xf32>
        %add3A_373 = arith.addf %get3A_351, %get3A_357 : vector<16xf32>
        %add3A_374 = arith.addf %get3A_363, %get3A_369 : vector<16xf32>
        %add3A_375 = arith.addf %add3A_370, %add3A_371 : vector<16xf32>
        %add3A_376 = arith.addf %add3A_372, %add3A_373 : vector<16xf32>
        %add3A_377 = arith.addf %add3A_375, %add3A_376 : vector<16xf32>
        %add3A_378 = arith.addf %add3A_377, %add3A_374 : vector<16xf32>
        %mul3A_379 = arith.constant 1.000000e-01 : f32
        %mul3A_380 = vector.broadcast %mul3A_379 : f32 to vector<16xf32>
        %mul3A_381 = arith.mulf %add3A_378, %mul3A_380 : vector<16xf32>
        %swap3A_382 = arith.index_cast %scan3A_232 : i32 to index
        %swap3A_383 = arith.constant 16 : index
        %swap3A_384 = tpu.vector_load %arg9[%swap3A_382, %swap3A_383] {strides = array<i32>} : memref<40x128xf32, #tpu.memory_space<vmem>>, vector<1x16xf32>,
        %swap3A_385 = vector.shape_cast %swap3A_384 : vector<1x16xf32> to vector<16xf32>
        %swap3A_386 = vector.shape_cast %mul3A_381 : vector<16xf32> to vector<1x16xf32>
        tpu.vector_store %arg9[%swap3A_382, %swap3A_383], %swap3A_386 {strides = array<i32>} : memref<40x128xf32, #tpu.memory_space<vmem>>, vector<1x16xf32>,
        %add3A_387 = arith.constant 0 : i32
        %add3A_388 = arith.addi %mul3A_234, %add3A_387 : i32
        %get3A_389 = arith.index_cast %add3A_388 : i32 to index
        %get3A_390 = arith.constant 32 : index
        %get3A_391 = tpu.vector_load %arg7[%get3A_389, %get3A_390] {strides = array<i32>} : memref<400x128xf32, #tpu.memory_space<vmem>>, vector<1x16xf32>,
        %get3A_392 = vector.shape_cast %get3A_391 : vector<1x16xf32> to vector<16xf32>
        %add3A_393 = arith.constant 1 : i32
        %add3A_394 = arith.addi %mul3A_234, %add3A_393 : i32
        %get3A_395 = arith.index_cast %add3A_394 : i32 to index
        %get3A_396 = arith.constant 32 : index
        %get3A_397 = tpu.vector_load %arg7[%get3A_395, %get3A_396] {strides = array<i32>} : memref<400x128xf32, #tpu.memory_space<vmem>>, vector<1x16xf32>,
        %get3A_398 = vector.shape_cast %get3A_397 : vector<1x16xf32> to vector<16xf32>
        %add3A_399 = arith.constant 2 : i32
        %add3A_400 = arith.addi %mul3A_234, %add3A_399 : i32
        %get3A_401 = arith.index_cast %add3A_400 : i32 to index
        %get3A_402 = arith.constant 32 : index
        %get3A_403 = tpu.vector_load %arg7[%get3A_401, %get3A_402] {strides = array<i32>} : memref<400x128xf32, #tpu.memory_space<vmem>>, vector<1x16xf32>,
        %get3A_404 = vector.shape_cast %get3A_403 : vector<1x16xf32> to vector<16xf32>
        %add3A_405 = arith.constant 3 : i32
        %add3A_406 = arith.addi %mul3A_234, %add3A_405 : i32
        %get3A_407 = arith.index_cast %add3A_406 : i32 to index
        %get3A_408 = arith.constant 32 : index
        %get3A_409 = tpu.vector_load %arg7[%get3A_407, %get3A_408] {strides = array<i32>} : memref<400x128xf32, #tpu.memory_space<vmem>>, vector<1x16xf32>,
        %get3A_410 = vector.shape_cast %get3A_409 : vector<1x16xf32> to vector<16xf32>
        %add3A_411 = arith.constant 4 : i32
        %add3A_412 = arith.addi %mul3A_234, %add3A_411 : i32
        %get3A_413 = arith.index_cast %add3A_412 : i32 to index
        %get3A_414 = arith.constant 32 : index
        %get3A_415 = tpu.vector_load %arg7[%get3A_413, %get3A_414] {strides = array<i32>} : memref<400x128xf32, #tpu.memory_space<vmem>>, vector<1x16xf32>,
        %get3A_416 = vector.shape_cast %get3A_415 : vector<1x16xf32> to vector<16xf32>
        %add3A_417 = arith.constant 5 : i32
        %add3A_418 = arith.addi %mul3A_234, %add3A_417 : i32
        %get3A_419 = arith.index_cast %add3A_418 : i32 to index
        %get3A_420 = arith.constant 32 : index
        %get3A_421 = tpu.vector_load %arg7[%get3A_419, %get3A_420] {strides = array<i32>} : memref<400x128xf32, #tpu.memory_space<vmem>>, vector<1x16xf32>,
        %get3A_422 = vector.shape_cast %get3A_421 : vector<1x16xf32> to vector<16xf32>
        %add3A_423 = arith.constant 6 : i32
        %add3A_424 = arith.addi %mul3A_234, %add3A_423 : i32
        %get3A_425 = arith.index_cast %add3A_424 : i32 to index
        %get3A_426 = arith.constant 32 : index
        %get3A_427 = tpu.vector_load %arg7[%get3A_425, %get3A_426] {strides = array<i32>} : memref<400x128xf32, #tpu.memory_space<vmem>>, vector<1x16xf32>,
        %get3A_428 = vector.shape_cast %get3A_427 : vector<1x16xf32> to vector<16xf32>
        %add3A_429 = arith.constant 7 : i32
        %add3A_430 = arith.addi %mul3A_234, %add3A_429 : i32
        %get3A_431 = arith.index_cast %add3A_430 : i32 to index
        %get3A_432 = arith.constant 32 : index
        %get3A_433 = tpu.vector_load %arg7[%get3A_431, %get3A_432] {strides = array<i32>} : memref<400x128xf32, #tpu.memory_space<vmem>>, vector<1x16xf32>,
        %get3A_434 = vector.shape_cast %get3A_433 : vector<1x16xf32> to vector<16xf32>
        %add3A_435 = arith.constant 8 : i32
        %add3A_436 = arith.addi %mul3A_234, %add3A_435 : i32
        %get3A_437 = arith.index_cast %add3A_436 : i32 to index
        %get3A_438 = arith.constant 32 : index
        %get3A_439 = tpu.vector_load %arg7[%get3A_437, %get3A_438] {strides = array<i32>} : memref<400x128xf32, #tpu.memory_space<vmem>>, vector<1x16xf32>,
        %get3A_440 = vector.shape_cast %get3A_439 : vector<1x16xf32> to vector<16xf32>
        %add3A_441 = arith.constant 9 : i32
        %add3A_442 = arith.addi %mul3A_234, %add3A_441 : i32
        %get3A_443 = arith.index_cast %add3A_442 : i32 to index
        %get3A_444 = arith.constant 32 : index
        %get3A_445 = tpu.vector_load %arg7[%get3A_443, %get3A_444] {strides = array<i32>} : memref<400x128xf32, #tpu.memory_space<vmem>>, vector<1x16xf32>,
        %get3A_446 = vector.shape_cast %get3A_445 : vector<1x16xf32> to vector<16xf32>
        %add3A_447 = arith.addf %get3A_392, %get3A_398 : vector<16xf32>
        %add3A_448 = arith.addf %get3A_404, %get3A_410 : vector<16xf32>
        %add3A_449 = arith.addf %get3A_416, %get3A_422 : vector<16xf32>
        %add3A_450 = arith.addf %get3A_428, %get3A_434 : vector<16xf32>
        %add3A_451 = arith.addf %get3A_440, %get3A_446 : vector<16xf32>
        %add3A_452 = arith.addf %add3A_447, %add3A_448 : vector<16xf32>
        %add3A_453 = arith.addf %add3A_449, %add3A_450 : vector<16xf32>
        %add3A_454 = arith.addf %add3A_452, %add3A_453 : vector<16xf32>
        %add3A_455 = arith.addf %add3A_454, %add3A_451 : vector<16xf32>
        %mul3A_456 = arith.constant 1.000000e-01 : f32
        %mul3A_457 = vector.broadcast %mul3A_456 : f32 to vector<16xf32>
        %mul3A_458 = arith.mulf %add3A_455, %mul3A_457 : vector<16xf32>
        %swap3A_459 = arith.index_cast %scan3A_232 : i32 to index
        %swap3A_460 = arith.constant 32 : index
        %swap3A_461 = tpu.vector_load %arg9[%swap3A_459, %swap3A_460] {strides = array<i32>} : memref<40x128xf32, #tpu.memory_space<vmem>>, vector<1x16xf32>,
        %swap3A_462 = vector.shape_cast %swap3A_461 : vector<1x16xf32> to vector<16xf32>
        %swap3A_463 = vector.shape_cast %mul3A_458 : vector<16xf32> to vector<1x16xf32>
        tpu.vector_store %arg9[%swap3A_459, %swap3A_460], %swap3A_463 {strides = array<i32>} : memref<40x128xf32, #tpu.memory_space<vmem>>, vector<1x16xf32>,
        %add3A_464 = arith.constant 0 : i32
        %add3A_465 = arith.addi %mul3A_234, %add3A_464 : i32
        %get3A_466 = arith.index_cast %add3A_465 : i32 to index
        %get3A_467 = arith.constant 48 : index
        %get3A_468 = tpu.vector_load %arg7[%get3A_466, %get3A_467] {strides = array<i32>} : memref<400x128xf32, #tpu.memory_space<vmem>>, vector<1x16xf32>,
        %get3A_469 = vector.shape_cast %get3A_468 : vector<1x16xf32> to vector<16xf32>
        %add3A_470 = arith.constant 1 : i32
        %add3A_471 = arith.addi %mul3A_234, %add3A_470 : i32
        %get3A_472 = arith.index_cast %add3A_471 : i32 to index
        %get3A_473 = arith.constant 48 : index
        %get3A_474 = tpu.vector_load %arg7[%get3A_472, %get3A_473] {strides = array<i32>} : memref<400x128xf32, #tpu.memory_space<vmem>>, vector<1x16xf32>,
        %get3A_475 = vector.shape_cast %get3A_474 : vector<1x16xf32> to vector<16xf32>
        %add3A_476 = arith.constant 2 : i32
        %add3A_477 = arith.addi %mul3A_234, %add3A_476 : i32
        %get3A_478 = arith.index_cast %add3A_477 : i32 to index
        %get3A_479 = arith.constant 48 : index
        %get3A_480 = tpu.vector_load %arg7[%get3A_478, %get3A_479] {strides = array<i32>} : memref<400x128xf32, #tpu.memory_space<vmem>>, vector<1x16xf32>,
        %get3A_481 = vector.shape_cast %get3A_480 : vector<1x16xf32> to vector<16xf32>
        %add3A_482 = arith.constant 3 : i32
        %add3A_483 = arith.addi %mul3A_234, %add3A_482 : i32
        %get3A_484 = arith.index_cast %add3A_483 : i32 to index
        %get3A_485 = arith.constant 48 : index
        %get3A_486 = tpu.vector_load %arg7[%get3A_484, %get3A_485] {strides = array<i32>} : memref<400x128xf32, #tpu.memory_space<vmem>>, vector<1x16xf32>,
        %get3A_487 = vector.shape_cast %get3A_486 : vector<1x16xf32> to vector<16xf32>
        %add3A_488 = arith.constant 4 : i32
        %add3A_489 = arith.addi %mul3A_234, %add3A_488 : i32
        %get3A_490 = arith.index_cast %add3A_489 : i32 to index
        %get3A_491 = arith.constant 48 : index
        %get3A_492 = tpu.vector_load %arg7[%get3A_490, %get3A_491] {strides = array<i32>} : memref<400x128xf32, #tpu.memory_space<vmem>>, vector<1x16xf32>,
        %get3A_493 = vector.shape_cast %get3A_492 : vector<1x16xf32> to vector<16xf32>
        %add3A_494 = arith.constant 5 : i32
        %add3A_495 = arith.addi %mul3A_234, %add3A_494 : i32
        %get3A_496 = arith.index_cast %add3A_495 : i32 to index
        %get3A_497 = arith.constant 48 : index
        %get3A_498 = tpu.vector_load %arg7[%get3A_496, %get3A_497] {strides = array<i32>} : memref<400x128xf32, #tpu.memory_space<vmem>>, vector<1x16xf32>,
        %get3A_499 = vector.shape_cast %get3A_498 : vector<1x16xf32> to vector<16xf32>
        %add3A_500 = arith.constant 6 : i32
        %add3A_501 = arith.addi %mul3A_234, %add3A_500 : i32
        %get3A_502 = arith.index_cast %add3A_501 : i32 to index
        %get3A_503 = arith.constant 48 : index
        %get3A_504 = tpu.vector_load %arg7[%get3A_502, %get3A_503] {strides = array<i32>} : memref<400x128xf32, #tpu.memory_space<vmem>>, vector<1x16xf32>,
        %get3A_505 = vector.shape_cast %get3A_504 : vector<1x16xf32> to vector<16xf32>
        %add3A_506 = arith.constant 7 : i32
        %add3A_507 = arith.addi %mul3A_234, %add3A_506 : i32
        %get3A_508 = arith.index_cast %add3A_507 : i32 to index
        %get3A_509 = arith.constant 48 : index
        %get3A_510 = tpu.vector_load %arg7[%get3A_508, %get3A_509] {strides = array<i32>} : memref<400x128xf32, #tpu.memory_space<vmem>>, vector<1x16xf32>,
        %get3A_511 = vector.shape_cast %get3A_510 : vector<1x16xf32> to vector<16xf32>
        %add3A_512 = arith.constant 8 : i32
        %add3A_513 = arith.addi %mul3A_234, %add3A_512 : i32
        %get3A_514 = arith.index_cast %add3A_513 : i32 to index
        %get3A_515 = arith.constant 48 : index
        %get3A_516 = tpu.vector_load %arg7[%get3A_514, %get3A_515] {strides = array<i32>} : memref<400x128xf32, #tpu.memory_space<vmem>>, vector<1x16xf32>,
        %get3A_517 = vector.shape_cast %get3A_516 : vector<1x16xf32> to vector<16xf32>
        %add3A_518 = arith.constant 9 : i32
        %add3A_519 = arith.addi %mul3A_234, %add3A_518 : i32
        %get3A_520 = arith.index_cast %add3A_519 : i32 to index
        %get3A_521 = arith.constant 48 : index
        %get3A_522 = tpu.vector_load %arg7[%get3A_520, %get3A_521] {strides = array<i32>} : memref<400x128xf32, #tpu.memory_space<vmem>>, vector<1x16xf32>,
        %get3A_523 = vector.shape_cast %get3A_522 : vector<1x16xf32> to vector<16xf32>
        %add3A_524 = arith.addf %get3A_469, %get3A_475 : vector<16xf32>
        %add3A_525 = arith.addf %get3A_481, %get3A_487 : vector<16xf32>
        %add3A_526 = arith.addf %get3A_493, %get3A_499 : vector<16xf32>
        %add3A_527 = arith.addf %get3A_505, %get3A_511 : vector<16xf32>
        %add3A_528 = arith.addf %get3A_517, %get3A_523 : vector<16xf32>
        %add3A_529 = arith.addf %add3A_524, %add3A_525 : vector<16xf32>
        %add3A_530 = arith.addf %add3A_526, %add3A_527 : vector<16xf32>
        %add3A_531 = arith.addf %add3A_529, %add3A_530 : vector<16xf32>
        %add3A_532 = arith.addf %add3A_531, %add3A_528 : vector<16xf32>
        %mul3A_533 = arith.constant 1.000000e-01 : f32
        %mul3A_534 = vector.broadcast %mul3A_533 : f32 to vector<16xf32>
        %mul3A_535 = arith.mulf %add3A_532, %mul3A_534 : vector<16xf32>
        %swap3A_536 = arith.index_cast %scan3A_232 : i32 to index
        %swap3A_537 = arith.constant 48 : index
        %swap3A_538 = tpu.vector_load %arg9[%swap3A_536, %swap3A_537] {strides = array<i32>} : memref<40x128xf32, #tpu.memory_space<vmem>>, vector<1x16xf32>,
        %swap3A_539 = vector.shape_cast %swap3A_538 : vector<1x16xf32> to vector<16xf32>
        %swap3A_540 = vector.shape_cast %mul3A_535 : vector<16xf32> to vector<1x16xf32>
        tpu.vector_store %arg9[%swap3A_536, %swap3A_537], %swap3A_540 {strides = array<i32>} : memref<40x128xf32, #tpu.memory_space<vmem>>, vector<1x16xf32>,
        %add3A_541 = arith.constant 0 : i32
        %add3A_542 = arith.addi %mul3A_234, %add3A_541 : i32
        %get3A_543 = arith.index_cast %add3A_542 : i32 to index
        %get3A_544 = arith.constant 64 : index
        %get3A_545 = tpu.vector_load %arg7[%get3A_543, %get3A_544] {strides = array<i32>} : memref<400x128xf32, #tpu.memory_space<vmem>>, vector<1x16xf32>,
        %get3A_546 = vector.shape_cast %get3A_545 : vector<1x16xf32> to vector<16xf32>
        %add3A_547 = arith.constant 1 : i32
        %add3A_548 = arith.addi %mul3A_234, %add3A_547 : i32
        %get3A_549 = arith.index_cast %add3A_548 : i32 to index
        %get3A_550 = arith.constant 64 : index
        %get3A_551 = tpu.vector_load %arg7[%get3A_549, %get3A_550] {strides = array<i32>} : memref<400x128xf32, #tpu.memory_space<vmem>>, vector<1x16xf32>,
        %get3A_552 = vector.shape_cast %get3A_551 : vector<1x16xf32> to vector<16xf32>
        %add3A_553 = arith.constant 2 : i32
        %add3A_554 = arith.addi %mul3A_234, %add3A_553 : i32
        %get3A_555 = arith.index_cast %add3A_554 : i32 to index
        %get3A_556 = arith.constant 64 : index
        %get3A_557 = tpu.vector_load %arg7[%get3A_555, %get3A_556] {strides = array<i32>} : memref<400x128xf32, #tpu.memory_space<vmem>>, vector<1x16xf32>,
        %get3A_558 = vector.shape_cast %get3A_557 : vector<1x16xf32> to vector<16xf32>
        %add3A_559 = arith.constant 3 : i32
        %add3A_560 = arith.addi %mul3A_234, %add3A_559 : i32
        %get3A_561 = arith.index_cast %add3A_560 : i32 to index
        %get3A_562 = arith.constant 64 : index
        %get3A_563 = tpu.vector_load %arg7[%get3A_561, %get3A_562] {strides = array<i32>} : memref<400x128xf32, #tpu.memory_space<vmem>>, vector<1x16xf32>,
        %get3A_564 = vector.shape_cast %get3A_563 : vector<1x16xf32> to vector<16xf32>
        %add3A_565 = arith.constant 4 : i32
        %add3A_566 = arith.addi %mul3A_234, %add3A_565 : i32
        %get3A_567 = arith.index_cast %add3A_566 : i32 to index
        %get3A_568 = arith.constant 64 : index
        %get3A_569 = tpu.vector_load %arg7[%get3A_567, %get3A_568] {strides = array<i32>} : memref<400x128xf32, #tpu.memory_space<vmem>>, vector<1x16xf32>,
        %get3A_570 = vector.shape_cast %get3A_569 : vector<1x16xf32> to vector<16xf32>
        %add3A_571 = arith.constant 5 : i32
        %add3A_572 = arith.addi %mul3A_234, %add3A_571 : i32
        %get3A_573 = arith.index_cast %add3A_572 : i32 to index
        %get3A_574 = arith.constant 64 : index
        %get3A_575 = tpu.vector_load %arg7[%get3A_573, %get3A_574] {strides = array<i32>} : memref<400x128xf32, #tpu.memory_space<vmem>>, vector<1x16xf32>,
        %get3A_576 = vector.shape_cast %get3A_575 : vector<1x16xf32> to vector<16xf32>
        %add3A_577 = arith.constant 6 : i32
        %add3A_578 = arith.addi %mul3A_234, %add3A_577 : i32
        %get3A_579 = arith.index_cast %add3A_578 : i32 to index
        %get3A_580 = arith.constant 64 : index
        %get3A_581 = tpu.vector_load %arg7[%get3A_579, %get3A_580] {strides = array<i32>} : memref<400x128xf32, #tpu.memory_space<vmem>>, vector<1x16xf32>,
        %get3A_582 = vector.shape_cast %get3A_581 : vector<1x16xf32> to vector<16xf32>
        %add3A_583 = arith.constant 7 : i32
        %add3A_584 = arith.addi %mul3A_234, %add3A_583 : i32
        %get3A_585 = arith.index_cast %add3A_584 : i32 to index
        %get3A_586 = arith.constant 64 : index
        %get3A_587 = tpu.vector_load %arg7[%get3A_585, %get3A_586] {strides = array<i32>} : memref<400x128xf32, #tpu.memory_space<vmem>>, vector<1x16xf32>,
        %get3A_588 = vector.shape_cast %get3A_587 : vector<1x16xf32> to vector<16xf32>
        %add3A_589 = arith.constant 8 : i32
        %add3A_590 = arith.addi %mul3A_234, %add3A_589 : i32
        %get3A_591 = arith.index_cast %add3A_590 : i32 to index
        %get3A_592 = arith.constant 64 : index
        %get3A_593 = tpu.vector_load %arg7[%get3A_591, %get3A_592] {strides = array<i32>} : memref<400x128xf32, #tpu.memory_space<vmem>>, vector<1x16xf32>,
        %get3A_594 = vector.shape_cast %get3A_593 : vector<1x16xf32> to vector<16xf32>
        %add3A_595 = arith.constant 9 : i32
        %add3A_596 = arith.addi %mul3A_234, %add3A_595 : i32
        %get3A_597 = arith.index_cast %add3A_596 : i32 to index
        %get3A_598 = arith.constant 64 : index
        %get3A_599 = tpu.vector_load %arg7[%get3A_597, %get3A_598] {strides = array<i32>} : memref<400x128xf32, #tpu.memory_space<vmem>>, vector<1x16xf32>,
        %get3A_600 = vector.shape_cast %get3A_599 : vector<1x16xf32> to vector<16xf32>
        %add3A_601 = arith.addf %get3A_546, %get3A_552 : vector<16xf32>
        %add3A_602 = arith.addf %get3A_558, %get3A_564 : vector<16xf32>
        %add3A_603 = arith.addf %get3A_570, %get3A_576 : vector<16xf32>
        %add3A_604 = arith.addf %get3A_582, %get3A_588 : vector<16xf32>
        %add3A_605 = arith.addf %get3A_594, %get3A_600 : vector<16xf32>
        %add3A_606 = arith.addf %add3A_601, %add3A_602 : vector<16xf32>
        %add3A_607 = arith.addf %add3A_603, %add3A_604 : vector<16xf32>
        %add3A_608 = arith.addf %add3A_606, %add3A_607 : vector<16xf32>
        %add3A_609 = arith.addf %add3A_608, %add3A_605 : vector<16xf32>
        %mul3A_610 = arith.constant 1.000000e-01 : f32
        %mul3A_611 = vector.broadcast %mul3A_610 : f32 to vector<16xf32>
        %mul3A_612 = arith.mulf %add3A_609, %mul3A_611 : vector<16xf32>
        %swap3A_613 = arith.index_cast %scan3A_232 : i32 to index
        %swap3A_614 = arith.constant 64 : index
        %swap3A_615 = tpu.vector_load %arg9[%swap3A_613, %swap3A_614] {strides = array<i32>} : memref<40x128xf32, #tpu.memory_space<vmem>>, vector<1x16xf32>,
        %swap3A_616 = vector.shape_cast %swap3A_615 : vector<1x16xf32> to vector<16xf32>
        %swap3A_617 = vector.shape_cast %mul3A_612 : vector<16xf32> to vector<1x16xf32>
        tpu.vector_store %arg9[%swap3A_613, %swap3A_614], %swap3A_617 {strides = array<i32>} : memref<40x128xf32, #tpu.memory_space<vmem>>, vector<1x16xf32>,
        %add3A_618 = arith.constant 0 : i32
        %add3A_619 = arith.addi %mul3A_234, %add3A_618 : i32
        %get3A_620 = arith.index_cast %add3A_619 : i32 to index
        %get3A_621 = arith.constant 80 : index
        %get3A_622 = tpu.vector_load %arg7[%get3A_620, %get3A_621] {strides = array<i32>} : memref<400x128xf32, #tpu.memory_space<vmem>>, vector<1x16xf32>,
        %get3A_623 = vector.shape_cast %get3A_622 : vector<1x16xf32> to vector<16xf32>
        %add3A_624 = arith.constant 1 : i32
        %add3A_625 = arith.addi %mul3A_234, %add3A_624 : i32
        %get3A_626 = arith.index_cast %add3A_625 : i32 to index
        %get3A_627 = arith.constant 80 : index
        %get3A_628 = tpu.vector_load %arg7[%get3A_626, %get3A_627] {strides = array<i32>} : memref<400x128xf32, #tpu.memory_space<vmem>>, vector<1x16xf32>,
        %get3A_629 = vector.shape_cast %get3A_628 : vector<1x16xf32> to vector<16xf32>
        %add3A_630 = arith.constant 2 : i32
        %add3A_631 = arith.addi %mul3A_234, %add3A_630 : i32
        %get3A_632 = arith.index_cast %add3A_631 : i32 to index
        %get3A_633 = arith.constant 80 : index
        %get3A_634 = tpu.vector_load %arg7[%get3A_632, %get3A_633] {strides = array<i32>} : memref<400x128xf32, #tpu.memory_space<vmem>>, vector<1x16xf32>,
        %get3A_635 = vector.shape_cast %get3A_634 : vector<1x16xf32> to vector<16xf32>
        %add3A_636 = arith.constant 3 : i32
        %add3A_637 = arith.addi %mul3A_234, %add3A_636 : i32
        %get3A_638 = arith.index_cast %add3A_637 : i32 to index
        %get3A_639 = arith.constant 80 : index
        %get3A_640 = tpu.vector_load %arg7[%get3A_638, %get3A_639] {strides = array<i32>} : memref<400x128xf32, #tpu.memory_space<vmem>>, vector<1x16xf32>,
        %get3A_641 = vector.shape_cast %get3A_640 : vector<1x16xf32> to vector<16xf32>
        %add3A_642 = arith.constant 4 : i32
        %add3A_643 = arith.addi %mul3A_234, %add3A_642 : i32
        %get3A_644 = arith.index_cast %add3A_643 : i32 to index
        %get3A_645 = arith.constant 80 : index
        %get3A_646 = tpu.vector_load %arg7[%get3A_644, %get3A_645] {strides = array<i32>} : memref<400x128xf32, #tpu.memory_space<vmem>>, vector<1x16xf32>,
        %get3A_647 = vector.shape_cast %get3A_646 : vector<1x16xf32> to vector<16xf32>
        %add3A_648 = arith.constant 5 : i32
        %add3A_649 = arith.addi %mul3A_234, %add3A_648 : i32
        %get3A_650 = arith.index_cast %add3A_649 : i32 to index
        %get3A_651 = arith.constant 80 : index
        %get3A_652 = tpu.vector_load %arg7[%get3A_650, %get3A_651] {strides = array<i32>} : memref<400x128xf32, #tpu.memory_space<vmem>>, vector<1x16xf32>,
        %get3A_653 = vector.shape_cast %get3A_652 : vector<1x16xf32> to vector<16xf32>
        %add3A_654 = arith.constant 6 : i32
        %add3A_655 = arith.addi %mul3A_234, %add3A_654 : i32
        %get3A_656 = arith.index_cast %add3A_655 : i32 to index
        %get3A_657 = arith.constant 80 : index
        %get3A_658 = tpu.vector_load %arg7[%get3A_656, %get3A_657] {strides = array<i32>} : memref<400x128xf32, #tpu.memory_space<vmem>>, vector<1x16xf32>,
        %get3A_659 = vector.shape_cast %get3A_658 : vector<1x16xf32> to vector<16xf32>
        %add3A_660 = arith.constant 7 : i32
        %add3A_661 = arith.addi %mul3A_234, %add3A_660 : i32
        %get3A_662 = arith.index_cast %add3A_661 : i32 to index
        %get3A_663 = arith.constant 80 : index
        %get3A_664 = tpu.vector_load %arg7[%get3A_662, %get3A_663] {strides = array<i32>} : memref<400x128xf32, #tpu.memory_space<vmem>>, vector<1x16xf32>,
        %get3A_665 = vector.shape_cast %get3A_664 : vector<1x16xf32> to vector<16xf32>
        %add3A_666 = arith.constant 8 : i32
        %add3A_667 = arith.addi %mul3A_234, %add3A_666 : i32
        %get3A_668 = arith.index_cast %add3A_667 : i32 to index
        %get3A_669 = arith.constant 80 : index
        %get3A_670 = tpu.vector_load %arg7[%get3A_668, %get3A_669] {strides = array<i32>} : memref<400x128xf32, #tpu.memory_space<vmem>>, vector<1x16xf32>,
        %get3A_671 = vector.shape_cast %get3A_670 : vector<1x16xf32> to vector<16xf32>
        %add3A_672 = arith.constant 9 : i32
        %add3A_673 = arith.addi %mul3A_234, %add3A_672 : i32
        %get3A_674 = arith.index_cast %add3A_673 : i32 to index
        %get3A_675 = arith.constant 80 : index
        %get3A_676 = tpu.vector_load %arg7[%get3A_674, %get3A_675] {strides = array<i32>} : memref<400x128xf32, #tpu.memory_space<vmem>>, vector<1x16xf32>,
        %get3A_677 = vector.shape_cast %get3A_676 : vector<1x16xf32> to vector<16xf32>
        %add3A_678 = arith.addf %get3A_623, %get3A_629 : vector<16xf32>
        %add3A_679 = arith.addf %get3A_635, %get3A_641 : vector<16xf32>
        %add3A_680 = arith.addf %get3A_647, %get3A_653 : vector<16xf32>
        %add3A_681 = arith.addf %get3A_659, %get3A_665 : vector<16xf32>
        %add3A_682 = arith.addf %get3A_671, %get3A_677 : vector<16xf32>
        %add3A_683 = arith.addf %add3A_678, %add3A_679 : vector<16xf32>
        %add3A_684 = arith.addf %add3A_680, %add3A_681 : vector<16xf32>
        %add3A_685 = arith.addf %add3A_683, %add3A_684 : vector<16xf32>
        %add3A_686 = arith.addf %add3A_685, %add3A_682 : vector<16xf32>
        %mul3A_687 = arith.constant 1.000000e-01 : f32
        %mul3A_688 = vector.broadcast %mul3A_687 : f32 to vector<16xf32>
        %mul3A_689 = arith.mulf %add3A_686, %mul3A_688 : vector<16xf32>
        %swap3A_690 = arith.index_cast %scan3A_232 : i32 to index
        %swap3A_691 = arith.constant 80 : index
        %swap3A_692 = tpu.vector_load %arg9[%swap3A_690, %swap3A_691] {strides = array<i32>} : memref<40x128xf32, #tpu.memory_space<vmem>>, vector<1x16xf32>,
        %swap3A_693 = vector.shape_cast %swap3A_692 : vector<1x16xf32> to vector<16xf32>
        %swap3A_694 = vector.shape_cast %mul3A_689 : vector<16xf32> to vector<1x16xf32>
        tpu.vector_store %arg9[%swap3A_690, %swap3A_691], %swap3A_694 {strides = array<i32>} : memref<40x128xf32, #tpu.memory_space<vmem>>, vector<1x16xf32>,
        %add3A_695 = arith.constant 0 : i32
        %add3A_696 = arith.addi %mul3A_234, %add3A_695 : i32
        %get3A_697 = arith.index_cast %add3A_696 : i32 to index
        %get3A_698 = arith.constant 96 : index
        %get3A_699 = tpu.vector_load %arg7[%get3A_697, %get3A_698] {strides = array<i32>} : memref<400x128xf32, #tpu.memory_space<vmem>>, vector<1x16xf32>,
        %get3A_700 = vector.shape_cast %get3A_699 : vector<1x16xf32> to vector<16xf32>
        %add3A_701 = arith.constant 1 : i32
        %add3A_702 = arith.addi %mul3A_234, %add3A_701 : i32
        %get3A_703 = arith.index_cast %add3A_702 : i32 to index
        %get3A_704 = arith.constant 96 : index
        %get3A_705 = tpu.vector_load %arg7[%get3A_703, %get3A_704] {strides = array<i32>} : memref<400x128xf32, #tpu.memory_space<vmem>>, vector<1x16xf32>,
        %get3A_706 = vector.shape_cast %get3A_705 : vector<1x16xf32> to vector<16xf32>
        %add3A_707 = arith.constant 2 : i32
        %add3A_708 = arith.addi %mul3A_234, %add3A_707 : i32
        %get3A_709 = arith.index_cast %add3A_708 : i32 to index
        %get3A_710 = arith.constant 96 : index
        %get3A_711 = tpu.vector_load %arg7[%get3A_709, %get3A_710] {strides = array<i32>} : memref<400x128xf32, #tpu.memory_space<vmem>>, vector<1x16xf32>,
        %get3A_712 = vector.shape_cast %get3A_711 : vector<1x16xf32> to vector<16xf32>
        %add3A_713 = arith.constant 3 : i32
        %add3A_714 = arith.addi %mul3A_234, %add3A_713 : i32
        %get3A_715 = arith.index_cast %add3A_714 : i32 to index
        %get3A_716 = arith.constant 96 : index
        %get3A_717 = tpu.vector_load %arg7[%get3A_715, %get3A_716] {strides = array<i32>} : memref<400x128xf32, #tpu.memory_space<vmem>>, vector<1x16xf32>,
        %get3A_718 = vector.shape_cast %get3A_717 : vector<1x16xf32> to vector<16xf32>
        %add3A_719 = arith.constant 4 : i32
        %add3A_720 = arith.addi %mul3A_234, %add3A_719 : i32
        %get3A_721 = arith.index_cast %add3A_720 : i32 to index
        %get3A_722 = arith.constant 96 : index
        %get3A_723 = tpu.vector_load %arg7[%get3A_721, %get3A_722] {strides = array<i32>} : memref<400x128xf32, #tpu.memory_space<vmem>>, vector<1x16xf32>,
        %get3A_724 = vector.shape_cast %get3A_723 : vector<1x16xf32> to vector<16xf32>
        %add3A_725 = arith.constant 5 : i32
        %add3A_726 = arith.addi %mul3A_234, %add3A_725 : i32
        %get3A_727 = arith.index_cast %add3A_726 : i32 to index
        %get3A_728 = arith.constant 96 : index
        %get3A_729 = tpu.vector_load %arg7[%get3A_727, %get3A_728] {strides = array<i32>} : memref<400x128xf32, #tpu.memory_space<vmem>>, vector<1x16xf32>,
        %get3A_730 = vector.shape_cast %get3A_729 : vector<1x16xf32> to vector<16xf32>
        %add3A_731 = arith.constant 6 : i32
        %add3A_732 = arith.addi %mul3A_234, %add3A_731 : i32
        %get3A_733 = arith.index_cast %add3A_732 : i32 to index
        %get3A_734 = arith.constant 96 : index
        %get3A_735 = tpu.vector_load %arg7[%get3A_733, %get3A_734] {strides = array<i32>} : memref<400x128xf32, #tpu.memory_space<vmem>>, vector<1x16xf32>,
        %get3A_736 = vector.shape_cast %get3A_735 : vector<1x16xf32> to vector<16xf32>
        %add3A_737 = arith.constant 7 : i32
        %add3A_738 = arith.addi %mul3A_234, %add3A_737 : i32
        %get3A_739 = arith.index_cast %add3A_738 : i32 to index
        %get3A_740 = arith.constant 96 : index
        %get3A_741 = tpu.vector_load %arg7[%get3A_739, %get3A_740] {strides = array<i32>} : memref<400x128xf32, #tpu.memory_space<vmem>>, vector<1x16xf32>,
        %get3A_742 = vector.shape_cast %get3A_741 : vector<1x16xf32> to vector<16xf32>
        %add3A_743 = arith.constant 8 : i32
        %add3A_744 = arith.addi %mul3A_234, %add3A_743 : i32
        %get3A_745 = arith.index_cast %add3A_744 : i32 to index
        %get3A_746 = arith.constant 96 : index
        %get3A_747 = tpu.vector_load %arg7[%get3A_745, %get3A_746] {strides = array<i32>} : memref<400x128xf32, #tpu.memory_space<vmem>>, vector<1x16xf32>,
        %get3A_748 = vector.shape_cast %get3A_747 : vector<1x16xf32> to vector<16xf32>
        %add3A_749 = arith.constant 9 : i32
        %add3A_750 = arith.addi %mul3A_234, %add3A_749 : i32
        %get3A_751 = arith.index_cast %add3A_750 : i32 to index
        %get3A_752 = arith.constant 96 : index
        %get3A_753 = tpu.vector_load %arg7[%get3A_751, %get3A_752] {strides = array<i32>} : memref<400x128xf32, #tpu.memory_space<vmem>>, vector<1x16xf32>,
        %get3A_754 = vector.shape_cast %get3A_753 : vector<1x16xf32> to vector<16xf32>
        %add3A_755 = arith.addf %get3A_700, %get3A_706 : vector<16xf32>
        %add3A_756 = arith.addf %get3A_712, %get3A_718 : vector<16xf32>
        %add3A_757 = arith.addf %get3A_724, %get3A_730 : vector<16xf32>
        %add3A_758 = arith.addf %get3A_736, %get3A_742 : vector<16xf32>
        %add3A_759 = arith.addf %get3A_748, %get3A_754 : vector<16xf32>
        %add3A_760 = arith.addf %add3A_755, %add3A_756 : vector<16xf32>
        %add3A_761 = arith.addf %add3A_757, %add3A_758 : vector<16xf32>
        %add3A_762 = arith.addf %add3A_760, %add3A_761 : vector<16xf32>
        %add3A_763 = arith.addf %add3A_762, %add3A_759 : vector<16xf32>
        %mul3A_764 = arith.constant 1.000000e-01 : f32
        %mul3A_765 = vector.broadcast %mul3A_764 : f32 to vector<16xf32>
        %mul3A_766 = arith.mulf %add3A_763, %mul3A_765 : vector<16xf32>
        %swap3A_767 = arith.index_cast %scan3A_232 : i32 to index
        %swap3A_768 = arith.constant 96 : index
        %swap3A_769 = tpu.vector_load %arg9[%swap3A_767, %swap3A_768] {strides = array<i32>} : memref<40x128xf32, #tpu.memory_space<vmem>>, vector<1x16xf32>,
        %swap3A_770 = vector.shape_cast %swap3A_769 : vector<1x16xf32> to vector<16xf32>
        %swap3A_771 = vector.shape_cast %mul3A_766 : vector<16xf32> to vector<1x16xf32>
        tpu.vector_store %arg9[%swap3A_767, %swap3A_768], %swap3A_771 {strides = array<i32>} : memref<40x128xf32, #tpu.memory_space<vmem>>, vector<1x16xf32>,
        %add3A_772 = arith.constant 0 : i32
        %add3A_773 = arith.addi %mul3A_234, %add3A_772 : i32
        %get3A_774 = arith.index_cast %add3A_773 : i32 to index
        %get3A_775 = arith.constant 112 : index
        %get3A_776 = tpu.vector_load %arg7[%get3A_774, %get3A_775] {strides = array<i32>} : memref<400x128xf32, #tpu.memory_space<vmem>>, vector<1x16xf32>,
        %get3A_777 = vector.shape_cast %get3A_776 : vector<1x16xf32> to vector<16xf32>
        %add3A_778 = arith.constant 1 : i32
        %add3A_779 = arith.addi %mul3A_234, %add3A_778 : i32
        %get3A_780 = arith.index_cast %add3A_779 : i32 to index
        %get3A_781 = arith.constant 112 : index
        %get3A_782 = tpu.vector_load %arg7[%get3A_780, %get3A_781] {strides = array<i32>} : memref<400x128xf32, #tpu.memory_space<vmem>>, vector<1x16xf32>,
        %get3A_783 = vector.shape_cast %get3A_782 : vector<1x16xf32> to vector<16xf32>
        %add3A_784 = arith.constant 2 : i32
        %add3A_785 = arith.addi %mul3A_234, %add3A_784 : i32
        %get3A_786 = arith.index_cast %add3A_785 : i32 to index
        %get3A_787 = arith.constant 112 : index
        %get3A_788 = tpu.vector_load %arg7[%get3A_786, %get3A_787] {strides = array<i32>} : memref<400x128xf32, #tpu.memory_space<vmem>>, vector<1x16xf32>,
        %get3A_789 = vector.shape_cast %get3A_788 : vector<1x16xf32> to vector<16xf32>
        %add3A_790 = arith.constant 3 : i32
        %add3A_791 = arith.addi %mul3A_234, %add3A_790 : i32
        %get3A_792 = arith.index_cast %add3A_791 : i32 to index
        %get3A_793 = arith.constant 112 : index
        %get3A_794 = tpu.vector_load %arg7[%get3A_792, %get3A_793] {strides = array<i32>} : memref<400x128xf32, #tpu.memory_space<vmem>>, vector<1x16xf32>,
        %get3A_795 = vector.shape_cast %get3A_794 : vector<1x16xf32> to vector<16xf32>
        %add3A_796 = arith.constant 4 : i32
        %add3A_797 = arith.addi %mul3A_234, %add3A_796 : i32
        %get3A_798 = arith.index_cast %add3A_797 : i32 to index
        %get3A_799 = arith.constant 112 : index
        %get3A_800 = tpu.vector_load %arg7[%get3A_798, %get3A_799] {strides = array<i32>} : memref<400x128xf32, #tpu.memory_space<vmem>>, vector<1x16xf32>,
        %get3A_801 = vector.shape_cast %get3A_800 : vector<1x16xf32> to vector<16xf32>
        %add3A_802 = arith.constant 5 : i32
        %add3A_803 = arith.addi %mul3A_234, %add3A_802 : i32
        %get3A_804 = arith.index_cast %add3A_803 : i32 to index
        %get3A_805 = arith.constant 112 : index
        %get3A_806 = tpu.vector_load %arg7[%get3A_804, %get3A_805] {strides = array<i32>} : memref<400x128xf32, #tpu.memory_space<vmem>>, vector<1x16xf32>,
        %get3A_807 = vector.shape_cast %get3A_806 : vector<1x16xf32> to vector<16xf32>
        %add3A_808 = arith.constant 6 : i32
        %add3A_809 = arith.addi %mul3A_234, %add3A_808 : i32
        %get3A_810 = arith.index_cast %add3A_809 : i32 to index
        %get3A_811 = arith.constant 112 : index
        %get3A_812 = tpu.vector_load %arg7[%get3A_810, %get3A_811] {strides = array<i32>} : memref<400x128xf32, #tpu.memory_space<vmem>>, vector<1x16xf32>,
        %get3A_813 = vector.shape_cast %get3A_812 : vector<1x16xf32> to vector<16xf32>
        %add3A_814 = arith.constant 7 : i32
        %add3A_815 = arith.addi %mul3A_234, %add3A_814 : i32
        %get3A_816 = arith.index_cast %add3A_815 : i32 to index
        %get3A_817 = arith.constant 112 : index
        %get3A_818 = tpu.vector_load %arg7[%get3A_816, %get3A_817] {strides = array<i32>} : memref<400x128xf32, #tpu.memory_space<vmem>>, vector<1x16xf32>,
        %get3A_819 = vector.shape_cast %get3A_818 : vector<1x16xf32> to vector<16xf32>
        %add3A_820 = arith.constant 8 : i32
        %add3A_821 = arith.addi %mul3A_234, %add3A_820 : i32
        %get3A_822 = arith.index_cast %add3A_821 : i32 to index
        %get3A_823 = arith.constant 112 : index
        %get3A_824 = tpu.vector_load %arg7[%get3A_822, %get3A_823] {strides = array<i32>} : memref<400x128xf32, #tpu.memory_space<vmem>>, vector<1x16xf32>,
        %get3A_825 = vector.shape_cast %get3A_824 : vector<1x16xf32> to vector<16xf32>
        %add3A_826 = arith.constant 9 : i32
        %add3A_827 = arith.addi %mul3A_234, %add3A_826 : i32
        %get3A_828 = arith.index_cast %add3A_827 : i32 to index
        %get3A_829 = arith.constant 112 : index
        %get3A_830 = tpu.vector_load %arg7[%get3A_828, %get3A_829] {strides = array<i32>} : memref<400x128xf32, #tpu.memory_space<vmem>>, vector<1x16xf32>,
        %get3A_831 = vector.shape_cast %get3A_830 : vector<1x16xf32> to vector<16xf32>
        %add3A_832 = arith.addf %get3A_777, %get3A_783 : vector<16xf32>
        %add3A_833 = arith.addf %get3A_789, %get3A_795 : vector<16xf32>
        %add3A_834 = arith.addf %get3A_801, %get3A_807 : vector<16xf32>
        %add3A_835 = arith.addf %get3A_813, %get3A_819 : vector<16xf32>
        %add3A_836 = arith.addf %get3A_825, %get3A_831 : vector<16xf32>
        %add3A_837 = arith.addf %add3A_832, %add3A_833 : vector<16xf32>
        %add3A_838 = arith.addf %add3A_834, %add3A_835 : vector<16xf32>
        %add3A_839 = arith.addf %add3A_837, %add3A_838 : vector<16xf32>
        %add3A_840 = arith.addf %add3A_839, %add3A_836 : vector<16xf32>
        %mul3A_841 = arith.constant 1.000000e-01 : f32
        %mul3A_842 = vector.broadcast %mul3A_841 : f32 to vector<16xf32>
        %mul3A_843 = arith.mulf %add3A_840, %mul3A_842 : vector<16xf32>
        %swap3A_844 = arith.index_cast %scan3A_232 : i32 to index
        %swap3A_845 = arith.constant 112 : index
        %swap3A_846 = tpu.vector_load %arg9[%swap3A_844, %swap3A_845] {strides = array<i32>} : memref<40x128xf32, #tpu.memory_space<vmem>>, vector<1x16xf32>,
        %swap3A_847 = vector.shape_cast %swap3A_846 : vector<1x16xf32> to vector<16xf32>
        %swap3A_848 = vector.shape_cast %mul3A_843 : vector<16xf32> to vector<1x16xf32>
        tpu.vector_store %arg9[%swap3A_844, %swap3A_845], %swap3A_848 {strides = array<i32>} : memref<40x128xf32, #tpu.memory_space<vmem>>, vector<1x16xf32>,
      }
      %scan3A_180 = arith.constant 40 : i32
      %add3A_181 = arith.addi %select_n3A_12, %mul3A_161 : i32
      %mul3A_182 = arith.constant 40 : i32
      %mul3A_183 = arith.muli %add3A_181, %mul3A_182 : i32
      %dma_start3A_184 = arith.constant 0 : i32
      %dma_start3A_185 = tpu.memref_slice %arg4[%mul3A_183, %dma_start3A_184] : memref<50000x128xf32, #tpu.memory_space<hbm>> -> memref<40x128xf32, #tpu.memory_space<hbm>>
      %dma_start3A_186 = arith.constant 0 : i32
      %dma_start3A_187 = tpu.memref_slice %arg4[%mul3A_183, %dma_start3A_186] : memref<50000x128xf32, #tpu.memory_space<hbm>> -> memref<40x128xf32, #tpu.memory_space<hbm>>
      tpu.enqueue_dma source(%arg9 : memref<40x128xf32, #tpu.memory_space<vmem>>) target(%dma_start3A_187 : memref<40x128xf32, #tpu.memory_space<hbm>>) target_semaphore(%arg15 : memref<!tpu.dma_semaphore, #tpu.memory_space<semaphore_mem>>)
      %add3A_188 = arith.constant 2 : i32
      %add3A_189 = arith.addi %mul3A_161, %add3A_188 : i32
      %lt3A_190 = arith.cmpi slt, %add3A_189, %select_n3A : i32
      %convert_element_type3A_191 = arith.extui %lt3A_190 : i1 to i32
      %cond3A_192 = arith.constant 0 : i32
      %cond3A_193 = arith.cmpi ne, %convert_element_type3A_191, %cond3A_192 : i32
      scf.if %cond3A_193 {
        %dma_wait3A_232 = arith.constant 0 : i32
        %dma_wait3A_233 = arith.constant 0 : i32
        %dma_wait3A_234 = tpu.memref_slice %arg3[%dma_wait3A_232, %dma_wait3A_233] : memref<5000x100xi32, #tpu.memory_space<hbm>> -> memref<4x100xi32, #tpu.memory_space<hbm>>
        %dma_wait3A_235 = arith.constant 0 : i32
        %dma_wait3A_236 = arith.constant 0 : i32
        %dma_wait3A_237 = tpu.memref_slice %arg3[%dma_wait3A_235, %dma_wait3A_236] : memref<5000x100xi32, #tpu.memory_space<hbm>> -> memref<4x100xi32, #tpu.memory_space<hbm>>
        tpu.wait_dma2 semaphore(%arg11 : memref<!tpu.dma_semaphore, #tpu.memory_space<semaphore_mem>>) src(%dma_wait3A_237 : memref<4x100xi32, #tpu.memory_space<hbm>>) dst(%arg5 : memref<4x100xi32, #tpu.memory_space<vmem>>)
        %dma_start3A_238 = arith.constant 0 : i32
        %dma_start3A_239 = arith.constant 0 : i32
        %dma_start3A_240 = arith.constant 0 : i32
        %dma_start3A_241 = tpu.memref_slice %arg7[%dma_start3A_239, %dma_start3A_240] : memref<400x128xf32, #tpu.memory_space<vmem>> -> memref<100x128xf32, #tpu.memory_space<vmem>>
        %dma_start3A_242 = arith.constant 0 : i32
        %dma_start3A_243 = tpu.memref_slice %arg5[%dma_start3A_238, %dma_start3A_242] : memref<4x100xi32, #tpu.memory_space<vmem>> -> memref<1x100xi32, #tpu.memory_space<vmem>>
        %dma_start3A_244 = tpu.memref_squeeze %dma_start3A_243 : memref<1x100xi32, #tpu.memory_space<vmem>> -> memref<100xi32, #tpu.memory_space<vmem>>
        %dma_start3A_245 = arith.constant 0 : i32
        %dma_start3A_246 = arith.constant 0 : i32
        %dma_start3A_247 = tpu.memref_slice %arg2[%dma_start3A_245, %dma_start3A_246] : memref<50000x128xf32, #tpu.memory_space<hbm>> -> memref<50000x128xf32, #tpu.memory_space<hbm>>
        tpu.enqueue_indirect_dma source(%dma_start3A_247 : memref<50000x128xf32, #tpu.memory_space<hbm>>) target(%dma_start3A_241 : memref<100x128xf32, #tpu.memory_space<vmem>>) offsets(%dma_start3A_244 : memref<100xi32, #tpu.memory_space<vmem>>) semaphore(%arg13 : memref<!tpu.dma_semaphore, #tpu.memory_space<semaphore_mem>>)
        %dma_start3A_248 = arith.constant 1 : i32
        %dma_start3A_249 = arith.constant 100 : i32
        %dma_start3A_250 = arith.constant 0 : i32
        %dma_start3A_251 = tpu.memref_slice %arg7[%dma_start3A_249, %dma_start3A_250] : memref<400x128xf32, #tpu.memory_space<vmem>> -> memref<100x128xf32, #tpu.memory_space<vmem>>
        %dma_start3A_252 = arith.constant 0 : i32
        %dma_start3A_253 = tpu.memref_slice %arg5[%dma_start3A_248, %dma_start3A_252] : memref<4x100xi32, #tpu.memory_space<vmem>> -> memref<1x100xi32, #tpu.memory_space<vmem>>
        %dma_start3A_254 = tpu.memref_squeeze %dma_start3A_253 : memref<1x100xi32, #tpu.memory_space<vmem>> -> memref<100xi32, #tpu.memory_space<vmem>>
        %dma_start3A_255 = arith.constant 0 : i32
        %dma_start3A_256 = arith.constant 0 : i32
        %dma_start3A_257 = tpu.memref_slice %arg2[%dma_start3A_255, %dma_start3A_256] : memref<50000x128xf32, #tpu.memory_space<hbm>> -> memref<50000x128xf32, #tpu.memory_space<hbm>>
        tpu.enqueue_indirect_dma source(%dma_start3A_257 : memref<50000x128xf32, #tpu.memory_space<hbm>>) target(%dma_start3A_251 : memref<100x128xf32, #tpu.memory_space<vmem>>) offsets(%dma_start3A_254 : memref<100xi32, #tpu.memory_space<vmem>>) semaphore(%arg13 : memref<!tpu.dma_semaphore, #tpu.memory_space<semaphore_mem>>)
        %dma_start3A_258 = arith.constant 2 : i32
        %dma_start3A_259 = arith.constant 200 : i32
        %dma_start3A_260 = arith.constant 0 : i32
        %dma_start3A_261 = tpu.memref_slice %arg7[%dma_start3A_259, %dma_start3A_260] : memref<400x128xf32, #tpu.memory_space<vmem>> -> memref<100x128xf32, #tpu.memory_space<vmem>>
        %dma_start3A_262 = arith.constant 0 : i32
        %dma_start3A_263 = tpu.memref_slice %arg5[%dma_start3A_258, %dma_start3A_262] : memref<4x100xi32, #tpu.memory_space<vmem>> -> memref<1x100xi32, #tpu.memory_space<vmem>>
        %dma_start3A_264 = tpu.memref_squeeze %dma_start3A_263 : memref<1x100xi32, #tpu.memory_space<vmem>> -> memref<100xi32, #tpu.memory_space<vmem>>
        %dma_start3A_265 = arith.constant 0 : i32
        %dma_start3A_266 = arith.constant 0 : i32
        %dma_start3A_267 = tpu.memref_slice %arg2[%dma_start3A_265, %dma_start3A_266] : memref<50000x128xf32, #tpu.memory_space<hbm>> -> memref<50000x128xf32, #tpu.memory_space<hbm>>
        tpu.enqueue_indirect_dma source(%dma_start3A_267 : memref<50000x128xf32, #tpu.memory_space<hbm>>) target(%dma_start3A_261 : memref<100x128xf32, #tpu.memory_space<vmem>>) offsets(%dma_start3A_264 : memref<100xi32, #tpu.memory_space<vmem>>) semaphore(%arg13 : memref<!tpu.dma_semaphore, #tpu.memory_space<semaphore_mem>>)
        %dma_start3A_268 = arith.constant 3 : i32
        %dma_start3A_269 = arith.constant 300 : i32
        %dma_start3A_270 = arith.constant 0 : i32
        %dma_start3A_271 = tpu.memref_slice %arg7[%dma_start3A_269, %dma_start3A_270] : memref<400x128xf32, #tpu.memory_space<vmem>> -> memref<100x128xf32, #tpu.memory_space<vmem>>
        %dma_start3A_272 = arith.constant 0 : i32
        %dma_start3A_273 = tpu.memref_slice %arg5[%dma_start3A_268, %dma_start3A_272] : memref<4x100xi32, #tpu.memory_space<vmem>> -> memref<1x100xi32, #tpu.memory_space<vmem>>
        %dma_start3A_274 = tpu.memref_squeeze %dma_start3A_273 : memref<1x100xi32, #tpu.memory_space<vmem>> -> memref<100xi32, #tpu.memory_space<vmem>>
        %dma_start3A_275 = arith.constant 0 : i32
        %dma_start3A_276 = arith.constant 0 : i32
        %dma_start3A_277 = tpu.memref_slice %arg2[%dma_start3A_275, %dma_start3A_276] : memref<50000x128xf32, #tpu.memory_space<hbm>> -> memref<50000x128xf32, #tpu.memory_space<hbm>>
        tpu.enqueue_indirect_dma source(%dma_start3A_277 : memref<50000x128xf32, #tpu.memory_space<hbm>>) target(%dma_start3A_271 : memref<100x128xf32, #tpu.memory_space<vmem>>) offsets(%dma_start3A_274 : memref<100xi32, #tpu.memory_space<vmem>>) semaphore(%arg13 : memref<!tpu.dma_semaphore, #tpu.memory_space<semaphore_mem>>)
      } else {
      }
      %dma_wait3A_194 = arith.constant 0 : i32
      %dma_wait3A_195 = arith.constant 0 : i32
      %dma_wait3A_196 = tpu.memref_slice %arg2[%dma_wait3A_194, %dma_wait3A_195] : memref<50000x128xf32, #tpu.memory_space<hbm>> -> memref<400x128xf32, #tpu.memory_space<hbm>>
      %dma_wait3A_197 = arith.constant 0 : i32
      %dma_wait3A_198 = arith.constant 0 : i32
      %dma_wait3A_199 = tpu.memref_slice %arg2[%dma_wait3A_197, %dma_wait3A_198] : memref<50000x128xf32, #tpu.memory_space<hbm>> -> memref<400x128xf32, #tpu.memory_space<hbm>>
      tpu.wait_dma2 semaphore(%arg14 : memref<!tpu.dma_semaphore, #tpu.memory_space<semaphore_mem>>) src(%dma_wait3A_199 : memref<400x128xf32, #tpu.memory_space<hbm>>) dst(%arg8 : memref<400x128xf32, #tpu.memory_space<vmem>>)
      %add3A_200 = arith.constant 3 : i32
      %add3A_201 = arith.addi %mul3A_161, %add3A_200 : i32
      %lt3A_202 = arith.cmpi slt, %add3A_201, %select_n3A : i32
      %convert_element_type3A_203 = arith.extui %lt3A_202 : i1 to i32
      %cond3A_204 = arith.constant 0 : i32
      %cond3A_205 = arith.cmpi ne, %convert_element_type3A_203, %cond3A_204 : i32
      scf.if %cond3A_205 {
        %add3A_232 = arith.constant 3 : i32
        %add3A_233 = arith.addi %mul3A_161, %add3A_232 : i32
        %add3A_234 = arith.addi %select_n3A_12, %add3A_233 : i32
        %mul3A_235 = arith.constant 4 : i32
        %mul3A_236 = arith.muli %add3A_234, %mul3A_235 : i32
        %dma_start3A_237 = arith.constant 0 : i32
        %dma_start3A_238 = tpu.memref_slice %arg3[%mul3A_236, %dma_start3A_237] : memref<5000x100xi32, #tpu.memory_space<hbm>> -> memref<4x100xi32, #tpu.memory_space<hbm>>
        %dma_start3A_239 = arith.constant 0 : i32
        %dma_start3A_240 = tpu.memref_slice %arg3[%mul3A_236, %dma_start3A_239] : memref<5000x100xi32, #tpu.memory_space<hbm>> -> memref<4x100xi32, #tpu.memory_space<hbm>>
        tpu.enqueue_dma source(%dma_start3A_240 : memref<4x100xi32, #tpu.memory_space<hbm>>) target(%arg6 : memref<4x100xi32, #tpu.memory_space<vmem>>) target_semaphore(%arg12 : memref<!tpu.dma_semaphore, #tpu.memory_space<semaphore_mem>>)
      } else {
      }
      %gt3A_206 = arith.constant 0 : i32
      %gt3A_207 = arith.cmpi sgt, %while3A_159, %gt3A_206 : i32
      %convert_element_type3A_208 = arith.extui %gt3A_207 : i1 to i32
      %cond3A_209 = arith.constant 0 : i32
      %cond3A_210 = arith.cmpi ne, %convert_element_type3A_208, %cond3A_209 : i32
      scf.if %cond3A_210 {
        %dma_wait3A_232 = arith.constant 0 : i32
        %dma_wait3A_233 = arith.constant 0 : i32
        %dma_wait3A_234 = tpu.memref_slice %arg4[%dma_wait3A_232, %dma_wait3A_233] : memref<50000x128xf32, #tpu.memory_space<hbm>> -> memref<40x128xf32, #tpu.memory_space<hbm>>
        %dma_wait3A_235 = arith.constant 0 : i32
        %dma_wait3A_236 = arith.constant 0 : i32
        %dma_wait3A_237 = tpu.memref_slice %arg4[%dma_wait3A_235, %dma_wait3A_236] : memref<50000x128xf32, #tpu.memory_space<hbm>> -> memref<40x128xf32, #tpu.memory_space<hbm>>
        tpu.wait_dma2 semaphore(%arg16 : memref<!tpu.dma_semaphore, #tpu.memory_space<semaphore_mem>>) src(%arg10 : memref<40x128xf32, #tpu.memory_space<vmem>>) dst(%dma_wait3A_237 : memref<40x128xf32, #tpu.memory_space<hbm>>)
      } else {
      }
      %scan3A_211 = arith.constant 0 : i32
      %scan3A_212 = arith.constant 0 : i32
      %scan3A_213 = arith.constant 40 : i32
      %scan3A_214 = arith.addi %scan3A_212, %scan3A_213 : i32
      %scan3A_215 = arith.constant 1 : i32
      scf.for %scan3A_232 = %scan3A_212 to %scan3A_214 step %scan3A_215  : i32 {
        %mul3A_233 = arith.constant 10 : i32
        %mul3A_234 = arith.muli %scan3A_232, %mul3A_233 : i32
        %add3A_235 = arith.constant 0 : i32
        %add3A_236 = arith.addi %mul3A_234, %add3A_235 : i32
        %get3A = arith.index_cast %add3A_236 : i32 to index
        %get3A_237 = arith.constant 0 : index
        %get3A_238 = tpu.vector_load %arg8[%get3A, %get3A_237] {strides = array<i32>} : memref<400x128xf32, #tpu.memory_space<vmem>>, vector<1x16xf32>,
        %get3A_239 = vector.shape_cast %get3A_238 : vector<1x16xf32> to vector<16xf32>
        %add3A_240 = arith.constant 1 : i32
        %add3A_241 = arith.addi %mul3A_234, %add3A_240 : i32
        %get3A_242 = arith.index_cast %add3A_241 : i32 to index
        %get3A_243 = arith.constant 0 : index
        %get3A_244 = tpu.vector_load %arg8[%get3A_242, %get3A_243] {strides = array<i32>} : memref<400x128xf32, #tpu.memory_space<vmem>>, vector<1x16xf32>,
        %get3A_245 = vector.shape_cast %get3A_244 : vector<1x16xf32> to vector<16xf32>
        %add3A_246 = arith.constant 2 : i32
        %add3A_247 = arith.addi %mul3A_234, %add3A_246 : i32
        %get3A_248 = arith.index_cast %add3A_247 : i32 to index
        %get3A_249 = arith.constant 0 : index
        %get3A_250 = tpu.vector_load %arg8[%get3A_248, %get3A_249] {strides = array<i32>} : memref<400x128xf32, #tpu.memory_space<vmem>>, vector<1x16xf32>,
        %get3A_251 = vector.shape_cast %get3A_250 : vector<1x16xf32> to vector<16xf32>
        %add3A_252 = arith.constant 3 : i32
        %add3A_253 = arith.addi %mul3A_234, %add3A_252 : i32
        %get3A_254 = arith.index_cast %add3A_253 : i32 to index
        %get3A_255 = arith.constant 0 : index
        %get3A_256 = tpu.vector_load %arg8[%get3A_254, %get3A_255] {strides = array<i32>} : memref<400x128xf32, #tpu.memory_space<vmem>>, vector<1x16xf32>,
        %get3A_257 = vector.shape_cast %get3A_256 : vector<1x16xf32> to vector<16xf32>
        %add3A_258 = arith.constant 4 : i32
        %add3A_259 = arith.addi %mul3A_234, %add3A_258 : i32
        %get3A_260 = arith.index_cast %add3A_259 : i32 to index
        %get3A_261 = arith.constant 0 : index
        %get3A_262 = tpu.vector_load %arg8[%get3A_260, %get3A_261] {strides = array<i32>} : memref<400x128xf32, #tpu.memory_space<vmem>>, vector<1x16xf32>,
        %get3A_263 = vector.shape_cast %get3A_262 : vector<1x16xf32> to vector<16xf32>
        %add3A_264 = arith.constant 5 : i32
        %add3A_265 = arith.addi %mul3A_234, %add3A_264 : i32
        %get3A_266 = arith.index_cast %add3A_265 : i32 to index
        %get3A_267 = arith.constant 0 : index
        %get3A_268 = tpu.vector_load %arg8[%get3A_266, %get3A_267] {strides = array<i32>} : memref<400x128xf32, #tpu.memory_space<vmem>>, vector<1x16xf32>,
        %get3A_269 = vector.shape_cast %get3A_268 : vector<1x16xf32> to vector<16xf32>
        %add3A_270 = arith.constant 6 : i32
        %add3A_271 = arith.addi %mul3A_234, %add3A_270 : i32
        %get3A_272 = arith.index_cast %add3A_271 : i32 to index
        %get3A_273 = arith.constant 0 : index
        %get3A_274 = tpu.vector_load %arg8[%get3A_272, %get3A_273] {strides = array<i32>} : memref<400x128xf32, #tpu.memory_space<vmem>>, vector<1x16xf32>,
        %get3A_275 = vector.shape_cast %get3A_274 : vector<1x16xf32> to vector<16xf32>
        %add3A_276 = arith.constant 7 : i32
        %add3A_277 = arith.addi %mul3A_234, %add3A_276 : i32
        %get3A_278 = arith.index_cast %add3A_277 : i32 to index
        %get3A_279 = arith.constant 0 : index
        %get3A_280 = tpu.vector_load %arg8[%get3A_278, %get3A_279] {strides = array<i32>} : memref<400x128xf32, #tpu.memory_space<vmem>>, vector<1x16xf32>,
        %get3A_281 = vector.shape_cast %get3A_280 : vector<1x16xf32> to vector<16xf32>
        %add3A_282 = arith.constant 8 : i32
        %add3A_283 = arith.addi %mul3A_234, %add3A_282 : i32
        %get3A_284 = arith.index_cast %add3A_283 : i32 to index
        %get3A_285 = arith.constant 0 : index
        %get3A_286 = tpu.vector_load %arg8[%get3A_284, %get3A_285] {strides = array<i32>} : memref<400x128xf32, #tpu.memory_space<vmem>>, vector<1x16xf32>,
        %get3A_287 = vector.shape_cast %get3A_286 : vector<1x16xf32> to vector<16xf32>
        %add3A_288 = arith.constant 9 : i32
        %add3A_289 = arith.addi %mul3A_234, %add3A_288 : i32
        %get3A_290 = arith.index_cast %add3A_289 : i32 to index
        %get3A_291 = arith.constant 0 : index
        %get3A_292 = tpu.vector_load %arg8[%get3A_290, %get3A_291] {strides = array<i32>} : memref<400x128xf32, #tpu.memory_space<vmem>>, vector<1x16xf32>,
        %get3A_293 = vector.shape_cast %get3A_292 : vector<1x16xf32> to vector<16xf32>
        %add3A_294 = arith.addf %get3A_239, %get3A_245 : vector<16xf32>
        %add3A_295 = arith.addf %get3A_251, %get3A_257 : vector<16xf32>
        %add3A_296 = arith.addf %get3A_263, %get3A_269 : vector<16xf32>
        %add3A_297 = arith.addf %get3A_275, %get3A_281 : vector<16xf32>
        %add3A_298 = arith.addf %get3A_287, %get3A_293 : vector<16xf32>
        %add3A_299 = arith.addf %add3A_294, %add3A_295 : vector<16xf32>
        %add3A_300 = arith.addf %add3A_296, %add3A_297 : vector<16xf32>
        %add3A_301 = arith.addf %add3A_299, %add3A_300 : vector<16xf32>
        %add3A_302 = arith.addf %add3A_301, %add3A_298 : vector<16xf32>
        %mul3A_303 = arith.constant 1.000000e-01 : f32
        %mul3A_304 = vector.broadcast %mul3A_303 : f32 to vector<16xf32>
        %mul3A_305 = arith.mulf %add3A_302, %mul3A_304 : vector<16xf32>
        %swap3A = arith.index_cast %scan3A_232 : i32 to index
        %swap3A_306 = arith.constant 0 : index
        %swap3A_307 = tpu.vector_load %arg10[%swap3A, %swap3A_306] {strides = array<i32>} : memref<40x128xf32, #tpu.memory_space<vmem>>, vector<1x16xf32>,
        %swap3A_308 = vector.shape_cast %swap3A_307 : vector<1x16xf32> to vector<16xf32>
        %swap3A_309 = vector.shape_cast %mul3A_305 : vector<16xf32> to vector<1x16xf32>
        tpu.vector_store %arg10[%swap3A, %swap3A_306], %swap3A_309 {strides = array<i32>} : memref<40x128xf32, #tpu.memory_space<vmem>>, vector<1x16xf32>,
        %add3A_310 = arith.constant 0 : i32
        %add3A_311 = arith.addi %mul3A_234, %add3A_310 : i32
        %get3A_312 = arith.index_cast %add3A_311 : i32 to index
        %get3A_313 = arith.constant 16 : index
        %get3A_314 = tpu.vector_load %arg8[%get3A_312, %get3A_313] {strides = array<i32>} : memref<400x128xf32, #tpu.memory_space<vmem>>, vector<1x16xf32>,
        %get3A_315 = vector.shape_cast %get3A_314 : vector<1x16xf32> to vector<16xf32>
        %add3A_316 = arith.constant 1 : i32
        %add3A_317 = arith.addi %mul3A_234, %add3A_316 : i32
        %get3A_318 = arith.index_cast %add3A_317 : i32 to index
        %get3A_319 = arith.constant 16 : index
        %get3A_320 = tpu.vector_load %arg8[%get3A_318, %get3A_319] {strides = array<i32>} : memref<400x128xf32, #tpu.memory_space<vmem>>, vector<1x16xf32>,
        %get3A_321 = vector.shape_cast %get3A_320 : vector<1x16xf32> to vector<16xf32>
        %add3A_322 = arith.constant 2 : i32
        %add3A_323 = arith.addi %mul3A_234, %add3A_322 : i32
        %get3A_324 = arith.index_cast %add3A_323 : i32 to index
        %get3A_325 = arith.constant 16 : index
        %get3A_326 = tpu.vector_load %arg8[%get3A_324, %get3A_325] {strides = array<i32>} : memref<400x128xf32, #tpu.memory_space<vmem>>, vector<1x16xf32>,
        %get3A_327 = vector.shape_cast %get3A_326 : vector<1x16xf32> to vector<16xf32>
        %add3A_328 = arith.constant 3 : i32
        %add3A_329 = arith.addi %mul3A_234, %add3A_328 : i32
        %get3A_330 = arith.index_cast %add3A_329 : i32 to index
        %get3A_331 = arith.constant 16 : index
        %get3A_332 = tpu.vector_load %arg8[%get3A_330, %get3A_331] {strides = array<i32>} : memref<400x128xf32, #tpu.memory_space<vmem>>, vector<1x16xf32>,
        %get3A_333 = vector.shape_cast %get3A_332 : vector<1x16xf32> to vector<16xf32>
        %add3A_334 = arith.constant 4 : i32
        %add3A_335 = arith.addi %mul3A_234, %add3A_334 : i32
        %get3A_336 = arith.index_cast %add3A_335 : i32 to index
        %get3A_337 = arith.constant 16 : index
        %get3A_338 = tpu.vector_load %arg8[%get3A_336, %get3A_337] {strides = array<i32>} : memref<400x128xf32, #tpu.memory_space<vmem>>, vector<1x16xf32>,
        %get3A_339 = vector.shape_cast %get3A_338 : vector<1x16xf32> to vector<16xf32>
        %add3A_340 = arith.constant 5 : i32
        %add3A_341 = arith.addi %mul3A_234, %add3A_340 : i32
        %get3A_342 = arith.index_cast %add3A_341 : i32 to index
        %get3A_343 = arith.constant 16 : index
        %get3A_344 = tpu.vector_load %arg8[%get3A_342, %get3A_343] {strides = array<i32>} : memref<400x128xf32, #tpu.memory_space<vmem>>, vector<1x16xf32>,
        %get3A_345 = vector.shape_cast %get3A_344 : vector<1x16xf32> to vector<16xf32>
        %add3A_346 = arith.constant 6 : i32
        %add3A_347 = arith.addi %mul3A_234, %add3A_346 : i32
        %get3A_348 = arith.index_cast %add3A_347 : i32 to index
        %get3A_349 = arith.constant 16 : index
        %get3A_350 = tpu.vector_load %arg8[%get3A_348, %get3A_349] {strides = array<i32>} : memref<400x128xf32, #tpu.memory_space<vmem>>, vector<1x16xf32>,
        %get3A_351 = vector.shape_cast %get3A_350 : vector<1x16xf32> to vector<16xf32>
        %add3A_352 = arith.constant 7 : i32
        %add3A_353 = arith.addi %mul3A_234, %add3A_352 : i32
        %get3A_354 = arith.index_cast %add3A_353 : i32 to index
        %get3A_355 = arith.constant 16 : index
        %get3A_356 = tpu.vector_load %arg8[%get3A_354, %get3A_355] {strides = array<i32>} : memref<400x128xf32, #tpu.memory_space<vmem>>, vector<1x16xf32>,
        %get3A_357 = vector.shape_cast %get3A_356 : vector<1x16xf32> to vector<16xf32>
        %add3A_358 = arith.constant 8 : i32
        %add3A_359 = arith.addi %mul3A_234, %add3A_358 : i32
        %get3A_360 = arith.index_cast %add3A_359 : i32 to index
        %get3A_361 = arith.constant 16 : index
        %get3A_362 = tpu.vector_load %arg8[%get3A_360, %get3A_361] {strides = array<i32>} : memref<400x128xf32, #tpu.memory_space<vmem>>, vector<1x16xf32>,
        %get3A_363 = vector.shape_cast %get3A_362 : vector<1x16xf32> to vector<16xf32>
        %add3A_364 = arith.constant 9 : i32
        %add3A_365 = arith.addi %mul3A_234, %add3A_364 : i32
        %get3A_366 = arith.index_cast %add3A_365 : i32 to index
        %get3A_367 = arith.constant 16 : index
        %get3A_368 = tpu.vector_load %arg8[%get3A_366, %get3A_367] {strides = array<i32>} : memref<400x128xf32, #tpu.memory_space<vmem>>, vector<1x16xf32>,
        %get3A_369 = vector.shape_cast %get3A_368 : vector<1x16xf32> to vector<16xf32>
        %add3A_370 = arith.addf %get3A_315, %get3A_321 : vector<16xf32>
        %add3A_371 = arith.addf %get3A_327, %get3A_333 : vector<16xf32>
        %add3A_372 = arith.addf %get3A_339, %get3A_345 : vector<16xf32>
        %add3A_373 = arith.addf %get3A_351, %get3A_357 : vector<16xf32>
        %add3A_374 = arith.addf %get3A_363, %get3A_369 : vector<16xf32>
        %add3A_375 = arith.addf %add3A_370, %add3A_371 : vector<16xf32>
        %add3A_376 = arith.addf %add3A_372, %add3A_373 : vector<16xf32>
        %add3A_377 = arith.addf %add3A_375, %add3A_376 : vector<16xf32>
        %add3A_378 = arith.addf %add3A_377, %add3A_374 : vector<16xf32>
        %mul3A_379 = arith.constant 1.000000e-01 : f32
        %mul3A_380 = vector.broadcast %mul3A_379 : f32 to vector<16xf32>
        %mul3A_381 = arith.mulf %add3A_378, %mul3A_380 : vector<16xf32>
        %swap3A_382 = arith.index_cast %scan3A_232 : i32 to index
        %swap3A_383 = arith.constant 16 : index
        %swap3A_384 = tpu.vector_load %arg10[%swap3A_382, %swap3A_383] {strides = array<i32>} : memref<40x128xf32, #tpu.memory_space<vmem>>, vector<1x16xf32>,
        %swap3A_385 = vector.shape_cast %swap3A_384 : vector<1x16xf32> to vector<16xf32>
        %swap3A_386 = vector.shape_cast %mul3A_381 : vector<16xf32> to vector<1x16xf32>
        tpu.vector_store %arg10[%swap3A_382, %swap3A_383], %swap3A_386 {strides = array<i32>} : memref<40x128xf32, #tpu.memory_space<vmem>>, vector<1x16xf32>,
        %add3A_387 = arith.constant 0 : i32
        %add3A_388 = arith.addi %mul3A_234, %add3A_387 : i32
        %get3A_389 = arith.index_cast %add3A_388 : i32 to index
        %get3A_390 = arith.constant 32 : index
        %get3A_391 = tpu.vector_load %arg8[%get3A_389, %get3A_390] {strides = array<i32>} : memref<400x128xf32, #tpu.memory_space<vmem>>, vector<1x16xf32>,
        %get3A_392 = vector.shape_cast %get3A_391 : vector<1x16xf32> to vector<16xf32>
        %add3A_393 = arith.constant 1 : i32
        %add3A_394 = arith.addi %mul3A_234, %add3A_393 : i32
        %get3A_395 = arith.index_cast %add3A_394 : i32 to index
        %get3A_396 = arith.constant 32 : index
        %get3A_397 = tpu.vector_load %arg8[%get3A_395, %get3A_396] {strides = array<i32>} : memref<400x128xf32, #tpu.memory_space<vmem>>, vector<1x16xf32>,
        %get3A_398 = vector.shape_cast %get3A_397 : vector<1x16xf32> to vector<16xf32>
        %add3A_399 = arith.constant 2 : i32
        %add3A_400 = arith.addi %mul3A_234, %add3A_399 : i32
        %get3A_401 = arith.index_cast %add3A_400 : i32 to index
        %get3A_402 = arith.constant 32 : index
        %get3A_403 = tpu.vector_load %arg8[%get3A_401, %get3A_402] {strides = array<i32>} : memref<400x128xf32, #tpu.memory_space<vmem>>, vector<1x16xf32>,
        %get3A_404 = vector.shape_cast %get3A_403 : vector<1x16xf32> to vector<16xf32>
        %add3A_405 = arith.constant 3 : i32
        %add3A_406 = arith.addi %mul3A_234, %add3A_405 : i32
        %get3A_407 = arith.index_cast %add3A_406 : i32 to index
        %get3A_408 = arith.constant 32 : index
        %get3A_409 = tpu.vector_load %arg8[%get3A_407, %get3A_408] {strides = array<i32>} : memref<400x128xf32, #tpu.memory_space<vmem>>, vector<1x16xf32>,
        %get3A_410 = vector.shape_cast %get3A_409 : vector<1x16xf32> to vector<16xf32>
        %add3A_411 = arith.constant 4 : i32
        %add3A_412 = arith.addi %mul3A_234, %add3A_411 : i32
        %get3A_413 = arith.index_cast %add3A_412 : i32 to index
        %get3A_414 = arith.constant 32 : index
        %get3A_415 = tpu.vector_load %arg8[%get3A_413, %get3A_414] {strides = array<i32>} : memref<400x128xf32, #tpu.memory_space<vmem>>, vector<1x16xf32>,
        %get3A_416 = vector.shape_cast %get3A_415 : vector<1x16xf32> to vector<16xf32>
        %add3A_417 = arith.constant 5 : i32
        %add3A_418 = arith.addi %mul3A_234, %add3A_417 : i32
        %get3A_419 = arith.index_cast %add3A_418 : i32 to index
        %get3A_420 = arith.constant 32 : index
        %get3A_421 = tpu.vector_load %arg8[%get3A_419, %get3A_420] {strides = array<i32>} : memref<400x128xf32, #tpu.memory_space<vmem>>, vector<1x16xf32>,
        %get3A_422 = vector.shape_cast %get3A_421 : vector<1x16xf32> to vector<16xf32>
        %add3A_423 = arith.constant 6 : i32
        %add3A_424 = arith.addi %mul3A_234, %add3A_423 : i32
        %get3A_425 = arith.index_cast %add3A_424 : i32 to index
        %get3A_426 = arith.constant 32 : index
        %get3A_427 = tpu.vector_load %arg8[%get3A_425, %get3A_426] {strides = array<i32>} : memref<400x128xf32, #tpu.memory_space<vmem>>, vector<1x16xf32>,
        %get3A_428 = vector.shape_cast %get3A_427 : vector<1x16xf32> to vector<16xf32>
        %add3A_429 = arith.constant 7 : i32
        %add3A_430 = arith.addi %mul3A_234, %add3A_429 : i32
        %get3A_431 = arith.index_cast %add3A_430 : i32 to index
        %get3A_432 = arith.constant 32 : index
        %get3A_433 = tpu.vector_load %arg8[%get3A_431, %get3A_432] {strides = array<i32>} : memref<400x128xf32, #tpu.memory_space<vmem>>, vector<1x16xf32>,
        %get3A_434 = vector.shape_cast %get3A_433 : vector<1x16xf32> to vector<16xf32>
        %add3A_435 = arith.constant 8 : i32
        %add3A_436 = arith.addi %mul3A_234, %add3A_435 : i32
        %get3A_437 = arith.index_cast %add3A_436 : i32 to index
        %get3A_438 = arith.constant 32 : index
        %get3A_439 = tpu.vector_load %arg8[%get3A_437, %get3A_438] {strides = array<i32>} : memref<400x128xf32, #tpu.memory_space<vmem>>, vector<1x16xf32>,
        %get3A_440 = vector.shape_cast %get3A_439 : vector<1x16xf32> to vector<16xf32>
        %add3A_441 = arith.constant 9 : i32
        %add3A_442 = arith.addi %mul3A_234, %add3A_441 : i32
        %get3A_443 = arith.index_cast %add3A_442 : i32 to index
        %get3A_444 = arith.constant 32 : index
        %get3A_445 = tpu.vector_load %arg8[%get3A_443, %get3A_444] {strides = array<i32>} : memref<400x128xf32, #tpu.memory_space<vmem>>, vector<1x16xf32>,
        %get3A_446 = vector.shape_cast %get3A_445 : vector<1x16xf32> to vector<16xf32>
        %add3A_447 = arith.addf %get3A_392, %get3A_398 : vector<16xf32>
        %add3A_448 = arith.addf %get3A_404, %get3A_410 : vector<16xf32>
        %add3A_449 = arith.addf %get3A_416, %get3A_422 : vector<16xf32>
        %add3A_450 = arith.addf %get3A_428, %get3A_434 : vector<16xf32>
        %add3A_451 = arith.addf %get3A_440, %get3A_446 : vector<16xf32>
        %add3A_452 = arith.addf %add3A_447, %add3A_448 : vector<16xf32>
        %add3A_453 = arith.addf %add3A_449, %add3A_450 : vector<16xf32>
        %add3A_454 = arith.addf %add3A_452, %add3A_453 : vector<16xf32>
        %add3A_455 = arith.addf %add3A_454, %add3A_451 : vector<16xf32>
        %mul3A_456 = arith.constant 1.000000e-01 : f32
        %mul3A_457 = vector.broadcast %mul3A_456 : f32 to vector<16xf32>
        %mul3A_458 = arith.mulf %add3A_455, %mul3A_457 : vector<16xf32>
        %swap3A_459 = arith.index_cast %scan3A_232 : i32 to index
        %swap3A_460 = arith.constant 32 : index
        %swap3A_461 = tpu.vector_load %arg10[%swap3A_459, %swap3A_460] {strides = array<i32>} : memref<40x128xf32, #tpu.memory_space<vmem>>, vector<1x16xf32>,
        %swap3A_462 = vector.shape_cast %swap3A_461 : vector<1x16xf32> to vector<16xf32>
        %swap3A_463 = vector.shape_cast %mul3A_458 : vector<16xf32> to vector<1x16xf32>
        tpu.vector_store %arg10[%swap3A_459, %swap3A_460], %swap3A_463 {strides = array<i32>} : memref<40x128xf32, #tpu.memory_space<vmem>>, vector<1x16xf32>,
        %add3A_464 = arith.constant 0 : i32
        %add3A_465 = arith.addi %mul3A_234, %add3A_464 : i32
        %get3A_466 = arith.index_cast %add3A_465 : i32 to index
        %get3A_467 = arith.constant 48 : index
        %get3A_468 = tpu.vector_load %arg8[%get3A_466, %get3A_467] {strides = array<i32>} : memref<400x128xf32, #tpu.memory_space<vmem>>, vector<1x16xf32>,
        %get3A_469 = vector.shape_cast %get3A_468 : vector<1x16xf32> to vector<16xf32>
        %add3A_470 = arith.constant 1 : i32
        %add3A_471 = arith.addi %mul3A_234, %add3A_470 : i32
        %get3A_472 = arith.index_cast %add3A_471 : i32 to index
        %get3A_473 = arith.constant 48 : index
        %get3A_474 = tpu.vector_load %arg8[%get3A_472, %get3A_473] {strides = array<i32>} : memref<400x128xf32, #tpu.memory_space<vmem>>, vector<1x16xf32>,
        %get3A_475 = vector.shape_cast %get3A_474 : vector<1x16xf32> to vector<16xf32>
        %add3A_476 = arith.constant 2 : i32
        %add3A_477 = arith.addi %mul3A_234, %add3A_476 : i32
        %get3A_478 = arith.index_cast %add3A_477 : i32 to index
        %get3A_479 = arith.constant 48 : index
        %get3A_480 = tpu.vector_load %arg8[%get3A_478, %get3A_479] {strides = array<i32>} : memref<400x128xf32, #tpu.memory_space<vmem>>, vector<1x16xf32>,
        %get3A_481 = vector.shape_cast %get3A_480 : vector<1x16xf32> to vector<16xf32>
        %add3A_482 = arith.constant 3 : i32
        %add3A_483 = arith.addi %mul3A_234, %add3A_482 : i32
        %get3A_484 = arith.index_cast %add3A_483 : i32 to index
        %get3A_485 = arith.constant 48 : index
        %get3A_486 = tpu.vector_load %arg8[%get3A_484, %get3A_485] {strides = array<i32>} : memref<400x128xf32, #tpu.memory_space<vmem>>, vector<1x16xf32>,
        %get3A_487 = vector.shape_cast %get3A_486 : vector<1x16xf32> to vector<16xf32>
        %add3A_488 = arith.constant 4 : i32
        %add3A_489 = arith.addi %mul3A_234, %add3A_488 : i32
        %get3A_490 = arith.index_cast %add3A_489 : i32 to index
        %get3A_491 = arith.constant 48 : index
        %get3A_492 = tpu.vector_load %arg8[%get3A_490, %get3A_491] {strides = array<i32>} : memref<400x128xf32, #tpu.memory_space<vmem>>, vector<1x16xf32>,
        %get3A_493 = vector.shape_cast %get3A_492 : vector<1x16xf32> to vector<16xf32>
        %add3A_494 = arith.constant 5 : i32
        %add3A_495 = arith.addi %mul3A_234, %add3A_494 : i32
        %get3A_496 = arith.index_cast %add3A_495 : i32 to index
        %get3A_497 = arith.constant 48 : index
        %get3A_498 = tpu.vector_load %arg8[%get3A_496, %get3A_497] {strides = array<i32>} : memref<400x128xf32, #tpu.memory_space<vmem>>, vector<1x16xf32>,
        %get3A_499 = vector.shape_cast %get3A_498 : vector<1x16xf32> to vector<16xf32>
        %add3A_500 = arith.constant 6 : i32
        %add3A_501 = arith.addi %mul3A_234, %add3A_500 : i32
        %get3A_502 = arith.index_cast %add3A_501 : i32 to index
        %get3A_503 = arith.constant 48 : index
        %get3A_504 = tpu.vector_load %arg8[%get3A_502, %get3A_503] {strides = array<i32>} : memref<400x128xf32, #tpu.memory_space<vmem>>, vector<1x16xf32>,
        %get3A_505 = vector.shape_cast %get3A_504 : vector<1x16xf32> to vector<16xf32>
        %add3A_506 = arith.constant 7 : i32
        %add3A_507 = arith.addi %mul3A_234, %add3A_506 : i32
        %get3A_508 = arith.index_cast %add3A_507 : i32 to index
        %get3A_509 = arith.constant 48 : index
        %get3A_510 = tpu.vector_load %arg8[%get3A_508, %get3A_509] {strides = array<i32>} : memref<400x128xf32, #tpu.memory_space<vmem>>, vector<1x16xf32>,
        %get3A_511 = vector.shape_cast %get3A_510 : vector<1x16xf32> to vector<16xf32>
        %add3A_512 = arith.constant 8 : i32
        %add3A_513 = arith.addi %mul3A_234, %add3A_512 : i32
        %get3A_514 = arith.index_cast %add3A_513 : i32 to index
        %get3A_515 = arith.constant 48 : index
        %get3A_516 = tpu.vector_load %arg8[%get3A_514, %get3A_515] {strides = array<i32>} : memref<400x128xf32, #tpu.memory_space<vmem>>, vector<1x16xf32>,
        %get3A_517 = vector.shape_cast %get3A_516 : vector<1x16xf32> to vector<16xf32>
        %add3A_518 = arith.constant 9 : i32
        %add3A_519 = arith.addi %mul3A_234, %add3A_518 : i32
        %get3A_520 = arith.index_cast %add3A_519 : i32 to index
        %get3A_521 = arith.constant 48 : index
        %get3A_522 = tpu.vector_load %arg8[%get3A_520, %get3A_521] {strides = array<i32>} : memref<400x128xf32, #tpu.memory_space<vmem>>, vector<1x16xf32>,
        %get3A_523 = vector.shape_cast %get3A_522 : vector<1x16xf32> to vector<16xf32>
        %add3A_524 = arith.addf %get3A_469, %get3A_475 : vector<16xf32>
        %add3A_525 = arith.addf %get3A_481, %get3A_487 : vector<16xf32>
        %add3A_526 = arith.addf %get3A_493, %get3A_499 : vector<16xf32>
        %add3A_527 = arith.addf %get3A_505, %get3A_511 : vector<16xf32>
        %add3A_528 = arith.addf %get3A_517, %get3A_523 : vector<16xf32>
        %add3A_529 = arith.addf %add3A_524, %add3A_525 : vector<16xf32>
        %add3A_530 = arith.addf %add3A_526, %add3A_527 : vector<16xf32>
        %add3A_531 = arith.addf %add3A_529, %add3A_530 : vector<16xf32>
        %add3A_532 = arith.addf %add3A_531, %add3A_528 : vector<16xf32>
        %mul3A_533 = arith.constant 1.000000e-01 : f32
        %mul3A_534 = vector.broadcast %mul3A_533 : f32 to vector<16xf32>
        %mul3A_535 = arith.mulf %add3A_532, %mul3A_534 : vector<16xf32>
        %swap3A_536 = arith.index_cast %scan3A_232 : i32 to index
        %swap3A_537 = arith.constant 48 : index
        %swap3A_538 = tpu.vector_load %arg10[%swap3A_536, %swap3A_537] {strides = array<i32>} : memref<40x128xf32, #tpu.memory_space<vmem>>, vector<1x16xf32>,
        %swap3A_539 = vector.shape_cast %swap3A_538 : vector<1x16xf32> to vector<16xf32>
        %swap3A_540 = vector.shape_cast %mul3A_535 : vector<16xf32> to vector<1x16xf32>
        tpu.vector_store %arg10[%swap3A_536, %swap3A_537], %swap3A_540 {strides = array<i32>} : memref<40x128xf32, #tpu.memory_space<vmem>>, vector<1x16xf32>,
        %add3A_541 = arith.constant 0 : i32
        %add3A_542 = arith.addi %mul3A_234, %add3A_541 : i32
        %get3A_543 = arith.index_cast %add3A_542 : i32 to index
        %get3A_544 = arith.constant 64 : index
        %get3A_545 = tpu.vector_load %arg8[%get3A_543, %get3A_544] {strides = array<i32>} : memref<400x128xf32, #tpu.memory_space<vmem>>, vector<1x16xf32>,
        %get3A_546 = vector.shape_cast %get3A_545 : vector<1x16xf32> to vector<16xf32>
        %add3A_547 = arith.constant 1 : i32
        %add3A_548 = arith.addi %mul3A_234, %add3A_547 : i32
        %get3A_549 = arith.index_cast %add3A_548 : i32 to index
        %get3A_550 = arith.constant 64 : index
        %get3A_551 = tpu.vector_load %arg8[%get3A_549, %get3A_550] {strides = array<i32>} : memref<400x128xf32, #tpu.memory_space<vmem>>, vector<1x16xf32>,
        %get3A_552 = vector.shape_cast %get3A_551 : vector<1x16xf32> to vector<16xf32>
        %add3A_553 = arith.constant 2 : i32
        %add3A_554 = arith.addi %mul3A_234, %add3A_553 : i32
        %get3A_555 = arith.index_cast %add3A_554 : i32 to index
        %get3A_556 = arith.constant 64 : index
        %get3A_557 = tpu.vector_load %arg8[%get3A_555, %get3A_556] {strides = array<i32>} : memref<400x128xf32, #tpu.memory_space<vmem>>, vector<1x16xf32>,
        %get3A_558 = vector.shape_cast %get3A_557 : vector<1x16xf32> to vector<16xf32>
        %add3A_559 = arith.constant 3 : i32
        %add3A_560 = arith.addi %mul3A_234, %add3A_559 : i32
        %get3A_561 = arith.index_cast %add3A_560 : i32 to index
        %get3A_562 = arith.constant 64 : index
        %get3A_563 = tpu.vector_load %arg8[%get3A_561, %get3A_562] {strides = array<i32>} : memref<400x128xf32, #tpu.memory_space<vmem>>, vector<1x16xf32>,
        %get3A_564 = vector.shape_cast %get3A_563 : vector<1x16xf32> to vector<16xf32>
        %add3A_565 = arith.constant 4 : i32
        %add3A_566 = arith.addi %mul3A_234, %add3A_565 : i32
        %get3A_567 = arith.index_cast %add3A_566 : i32 to index
        %get3A_568 = arith.constant 64 : index
        %get3A_569 = tpu.vector_load %arg8[%get3A_567, %get3A_568] {strides = array<i32>} : memref<400x128xf32, #tpu.memory_space<vmem>>, vector<1x16xf32>,
        %get3A_570 = vector.shape_cast %get3A_569 : vector<1x16xf32> to vector<16xf32>
        %add3A_571 = arith.constant 5 : i32
        %add3A_572 = arith.addi %mul3A_234, %add3A_571 : i32
        %get3A_573 = arith.index_cast %add3A_572 : i32 to index
        %get3A_574 = arith.constant 64 : index
        %get3A_575 = tpu.vector_load %arg8[%get3A_573, %get3A_574] {strides = array<i32>} : memref<400x128xf32, #tpu.memory_space<vmem>>, vector<1x16xf32>,
        %get3A_576 = vector.shape_cast %get3A_575 : vector<1x16xf32> to vector<16xf32>
        %add3A_577 = arith.constant 6 : i32
        %add3A_578 = arith.addi %mul3A_234, %add3A_577 : i32
        %get3A_579 = arith.index_cast %add3A_578 : i32 to index
        %get3A_580 = arith.constant 64 : index
        %get3A_581 = tpu.vector_load %arg8[%get3A_579, %get3A_580] {strides = array<i32>} : memref<400x128xf32, #tpu.memory_space<vmem>>, vector<1x16xf32>,
        %get3A_582 = vector.shape_cast %get3A_581 : vector<1x16xf32> to vector<16xf32>
        %add3A_583 = arith.constant 7 : i32
        %add3A_584 = arith.addi %mul3A_234, %add3A_583 : i32
        %get3A_585 = arith.index_cast %add3A_584 : i32 to index
        %get3A_586 = arith.constant 64 : index
        %get3A_587 = tpu.vector_load %arg8[%get3A_585, %get3A_586] {strides = array<i32>} : memref<400x128xf32, #tpu.memory_space<vmem>>, vector<1x16xf32>,
        %get3A_588 = vector.shape_cast %get3A_587 : vector<1x16xf32> to vector<16xf32>
        %add3A_589 = arith.constant 8 : i32
        %add3A_590 = arith.addi %mul3A_234, %add3A_589 : i32
        %get3A_591 = arith.index_cast %add3A_590 : i32 to index
        %get3A_592 = arith.constant 64 : index
        %get3A_593 = tpu.vector_load %arg8[%get3A_591, %get3A_592] {strides = array<i32>} : memref<400x128xf32, #tpu.memory_space<vmem>>, vector<1x16xf32>,
        %get3A_594 = vector.shape_cast %get3A_593 : vector<1x16xf32> to vector<16xf32>
        %add3A_595 = arith.constant 9 : i32
        %add3A_596 = arith.addi %mul3A_234, %add3A_595 : i32
        %get3A_597 = arith.index_cast %add3A_596 : i32 to index
        %get3A_598 = arith.constant 64 : index
        %get3A_599 = tpu.vector_load %arg8[%get3A_597, %get3A_598] {strides = array<i32>} : memref<400x128xf32, #tpu.memory_space<vmem>>, vector<1x16xf32>,
        %get3A_600 = vector.shape_cast %get3A_599 : vector<1x16xf32> to vector<16xf32>
        %add3A_601 = arith.addf %get3A_546, %get3A_552 : vector<16xf32>
        %add3A_602 = arith.addf %get3A_558, %get3A_564 : vector<16xf32>
        %add3A_603 = arith.addf %get3A_570, %get3A_576 : vector<16xf32>
        %add3A_604 = arith.addf %get3A_582, %get3A_588 : vector<16xf32>
        %add3A_605 = arith.addf %get3A_594, %get3A_600 : vector<16xf32>
        %add3A_606 = arith.addf %add3A_601, %add3A_602 : vector<16xf32>
        %add3A_607 = arith.addf %add3A_603, %add3A_604 : vector<16xf32>
        %add3A_608 = arith.addf %add3A_606, %add3A_607 : vector<16xf32>
        %add3A_609 = arith.addf %add3A_608, %add3A_605 : vector<16xf32>
        %mul3A_610 = arith.constant 1.000000e-01 : f32
        %mul3A_611 = vector.broadcast %mul3A_610 : f32 to vector<16xf32>
        %mul3A_612 = arith.mulf %add3A_609, %mul3A_611 : vector<16xf32>
        %swap3A_613 = arith.index_cast %scan3A_232 : i32 to index
        %swap3A_614 = arith.constant 64 : index
        %swap3A_615 = tpu.vector_load %arg10[%swap3A_613, %swap3A_614] {strides = array<i32>} : memref<40x128xf32, #tpu.memory_space<vmem>>, vector<1x16xf32>,
        %swap3A_616 = vector.shape_cast %swap3A_615 : vector<1x16xf32> to vector<16xf32>
        %swap3A_617 = vector.shape_cast %mul3A_612 : vector<16xf32> to vector<1x16xf32>
        tpu.vector_store %arg10[%swap3A_613, %swap3A_614], %swap3A_617 {strides = array<i32>} : memref<40x128xf32, #tpu.memory_space<vmem>>, vector<1x16xf32>,
        %add3A_618 = arith.constant 0 : i32
        %add3A_619 = arith.addi %mul3A_234, %add3A_618 : i32
        %get3A_620 = arith.index_cast %add3A_619 : i32 to index
        %get3A_621 = arith.constant 80 : index
        %get3A_622 = tpu.vector_load %arg8[%get3A_620, %get3A_621] {strides = array<i32>} : memref<400x128xf32, #tpu.memory_space<vmem>>, vector<1x16xf32>,
        %get3A_623 = vector.shape_cast %get3A_622 : vector<1x16xf32> to vector<16xf32>
        %add3A_624 = arith.constant 1 : i32
        %add3A_625 = arith.addi %mul3A_234, %add3A_624 : i32
        %get3A_626 = arith.index_cast %add3A_625 : i32 to index
        %get3A_627 = arith.constant 80 : index
        %get3A_628 = tpu.vector_load %arg8[%get3A_626, %get3A_627] {strides = array<i32>} : memref<400x128xf32, #tpu.memory_space<vmem>>, vector<1x16xf32>,
        %get3A_629 = vector.shape_cast %get3A_628 : vector<1x16xf32> to vector<16xf32>
        %add3A_630 = arith.constant 2 : i32
        %add3A_631 = arith.addi %mul3A_234, %add3A_630 : i32
        %get3A_632 = arith.index_cast %add3A_631 : i32 to index
        %get3A_633 = arith.constant 80 : index
        %get3A_634 = tpu.vector_load %arg8[%get3A_632, %get3A_633] {strides = array<i32>} : memref<400x128xf32, #tpu.memory_space<vmem>>, vector<1x16xf32>,
        %get3A_635 = vector.shape_cast %get3A_634 : vector<1x16xf32> to vector<16xf32>
        %add3A_636 = arith.constant 3 : i32
        %add3A_637 = arith.addi %mul3A_234, %add3A_636 : i32
        %get3A_638 = arith.index_cast %add3A_637 : i32 to index
        %get3A_639 = arith.constant 80 : index
        %get3A_640 = tpu.vector_load %arg8[%get3A_638, %get3A_639] {strides = array<i32>} : memref<400x128xf32, #tpu.memory_space<vmem>>, vector<1x16xf32>,
        %get3A_641 = vector.shape_cast %get3A_640 : vector<1x16xf32> to vector<16xf32>
        %add3A_642 = arith.constant 4 : i32
        %add3A_643 = arith.addi %mul3A_234, %add3A_642 : i32
        %get3A_644 = arith.index_cast %add3A_643 : i32 to index
        %get3A_645 = arith.constant 80 : index
        %get3A_646 = tpu.vector_load %arg8[%get3A_644, %get3A_645] {strides = array<i32>} : memref<400x128xf32, #tpu.memory_space<vmem>>, vector<1x16xf32>,
        %get3A_647 = vector.shape_cast %get3A_646 : vector<1x16xf32> to vector<16xf32>
        %add3A_648 = arith.constant 5 : i32
        %add3A_649 = arith.addi %mul3A_234, %add3A_648 : i32
        %get3A_650 = arith.index_cast %add3A_649 : i32 to index
        %get3A_651 = arith.constant 80 : index
        %get3A_652 = tpu.vector_load %arg8[%get3A_650, %get3A_651] {strides = array<i32>} : memref<400x128xf32, #tpu.memory_space<vmem>>, vector<1x16xf32>,
        %get3A_653 = vector.shape_cast %get3A_652 : vector<1x16xf32> to vector<16xf32>
        %add3A_654 = arith.constant 6 : i32
        %add3A_655 = arith.addi %mul3A_234, %add3A_654 : i32
        %get3A_656 = arith.index_cast %add3A_655 : i32 to index
        %get3A_657 = arith.constant 80 : index
        %get3A_658 = tpu.vector_load %arg8[%get3A_656, %get3A_657] {strides = array<i32>} : memref<400x128xf32, #tpu.memory_space<vmem>>, vector<1x16xf32>,
        %get3A_659 = vector.shape_cast %get3A_658 : vector<1x16xf32> to vector<16xf32>
        %add3A_660 = arith.constant 7 : i32
        %add3A_661 = arith.addi %mul3A_234, %add3A_660 : i32
        %get3A_662 = arith.index_cast %add3A_661 : i32 to index
        %get3A_663 = arith.constant 80 : index
        %get3A_664 = tpu.vector_load %arg8[%get3A_662, %get3A_663] {strides = array<i32>} : memref<400x128xf32, #tpu.memory_space<vmem>>, vector<1x16xf32>,
        %get3A_665 = vector.shape_cast %get3A_664 : vector<1x16xf32> to vector<16xf32>
        %add3A_666 = arith.constant 8 : i32
        %add3A_667 = arith.addi %mul3A_234, %add3A_666 : i32
        %get3A_668 = arith.index_cast %add3A_667 : i32 to index
        %get3A_669 = arith.constant 80 : index
        %get3A_670 = tpu.vector_load %arg8[%get3A_668, %get3A_669] {strides = array<i32>} : memref<400x128xf32, #tpu.memory_space<vmem>>, vector<1x16xf32>,
        %get3A_671 = vector.shape_cast %get3A_670 : vector<1x16xf32> to vector<16xf32>
        %add3A_672 = arith.constant 9 : i32
        %add3A_673 = arith.addi %mul3A_234, %add3A_672 : i32
        %get3A_674 = arith.index_cast %add3A_673 : i32 to index
        %get3A_675 = arith.constant 80 : index
        %get3A_676 = tpu.vector_load %arg8[%get3A_674, %get3A_675] {strides = array<i32>} : memref<400x128xf32, #tpu.memory_space<vmem>>, vector<1x16xf32>,
        %get3A_677 = vector.shape_cast %get3A_676 : vector<1x16xf32> to vector<16xf32>
        %add3A_678 = arith.addf %get3A_623, %get3A_629 : vector<16xf32>
        %add3A_679 = arith.addf %get3A_635, %get3A_641 : vector<16xf32>
        %add3A_680 = arith.addf %get3A_647, %get3A_653 : vector<16xf32>
        %add3A_681 = arith.addf %get3A_659, %get3A_665 : vector<16xf32>
        %add3A_682 = arith.addf %get3A_671, %get3A_677 : vector<16xf32>
        %add3A_683 = arith.addf %add3A_678, %add3A_679 : vector<16xf32>
        %add3A_684 = arith.addf %add3A_680, %add3A_681 : vector<16xf32>
        %add3A_685 = arith.addf %add3A_683, %add3A_684 : vector<16xf32>
        %add3A_686 = arith.addf %add3A_685, %add3A_682 : vector<16xf32>
        %mul3A_687 = arith.constant 1.000000e-01 : f32
        %mul3A_688 = vector.broadcast %mul3A_687 : f32 to vector<16xf32>
        %mul3A_689 = arith.mulf %add3A_686, %mul3A_688 : vector<16xf32>
        %swap3A_690 = arith.index_cast %scan3A_232 : i32 to index
        %swap3A_691 = arith.constant 80 : index
        %swap3A_692 = tpu.vector_load %arg10[%swap3A_690, %swap3A_691] {strides = array<i32>} : memref<40x128xf32, #tpu.memory_space<vmem>>, vector<1x16xf32>,
        %swap3A_693 = vector.shape_cast %swap3A_692 : vector<1x16xf32> to vector<16xf32>
        %swap3A_694 = vector.shape_cast %mul3A_689 : vector<16xf32> to vector<1x16xf32>
        tpu.vector_store %arg10[%swap3A_690, %swap3A_691], %swap3A_694 {strides = array<i32>} : memref<40x128xf32, #tpu.memory_space<vmem>>, vector<1x16xf32>,
        %add3A_695 = arith.constant 0 : i32
        %add3A_696 = arith.addi %mul3A_234, %add3A_695 : i32
        %get3A_697 = arith.index_cast %add3A_696 : i32 to index
        %get3A_698 = arith.constant 96 : index
        %get3A_699 = tpu.vector_load %arg8[%get3A_697, %get3A_698] {strides = array<i32>} : memref<400x128xf32, #tpu.memory_space<vmem>>, vector<1x16xf32>,
        %get3A_700 = vector.shape_cast %get3A_699 : vector<1x16xf32> to vector<16xf32>
        %add3A_701 = arith.constant 1 : i32
        %add3A_702 = arith.addi %mul3A_234, %add3A_701 : i32
        %get3A_703 = arith.index_cast %add3A_702 : i32 to index
        %get3A_704 = arith.constant 96 : index
        %get3A_705 = tpu.vector_load %arg8[%get3A_703, %get3A_704] {strides = array<i32>} : memref<400x128xf32, #tpu.memory_space<vmem>>, vector<1x16xf32>,
        %get3A_706 = vector.shape_cast %get3A_705 : vector<1x16xf32> to vector<16xf32>
        %add3A_707 = arith.constant 2 : i32
        %add3A_708 = arith.addi %mul3A_234, %add3A_707 : i32
        %get3A_709 = arith.index_cast %add3A_708 : i32 to index
        %get3A_710 = arith.constant 96 : index
        %get3A_711 = tpu.vector_load %arg8[%get3A_709, %get3A_710] {strides = array<i32>} : memref<400x128xf32, #tpu.memory_space<vmem>>, vector<1x16xf32>,
        %get3A_712 = vector.shape_cast %get3A_711 : vector<1x16xf32> to vector<16xf32>
        %add3A_713 = arith.constant 3 : i32
        %add3A_714 = arith.addi %mul3A_234, %add3A_713 : i32
        %get3A_715 = arith.index_cast %add3A_714 : i32 to index
        %get3A_716 = arith.constant 96 : index
        %get3A_717 = tpu.vector_load %arg8[%get3A_715, %get3A_716] {strides = array<i32>} : memref<400x128xf32, #tpu.memory_space<vmem>>, vector<1x16xf32>,
        %get3A_718 = vector.shape_cast %get3A_717 : vector<1x16xf32> to vector<16xf32>
        %add3A_719 = arith.constant 4 : i32
        %add3A_720 = arith.addi %mul3A_234, %add3A_719 : i32
        %get3A_721 = arith.index_cast %add3A_720 : i32 to index
        %get3A_722 = arith.constant 96 : index
        %get3A_723 = tpu.vector_load %arg8[%get3A_721, %get3A_722] {strides = array<i32>} : memref<400x128xf32, #tpu.memory_space<vmem>>, vector<1x16xf32>,
        %get3A_724 = vector.shape_cast %get3A_723 : vector<1x16xf32> to vector<16xf32>
        %add3A_725 = arith.constant 5 : i32
        %add3A_726 = arith.addi %mul3A_234, %add3A_725 : i32
        %get3A_727 = arith.index_cast %add3A_726 : i32 to index
        %get3A_728 = arith.constant 96 : index
        %get3A_729 = tpu.vector_load %arg8[%get3A_727, %get3A_728] {strides = array<i32>} : memref<400x128xf32, #tpu.memory_space<vmem>>, vector<1x16xf32>,
        %get3A_730 = vector.shape_cast %get3A_729 : vector<1x16xf32> to vector<16xf32>
        %add3A_731 = arith.constant 6 : i32
        %add3A_732 = arith.addi %mul3A_234, %add3A_731 : i32
        %get3A_733 = arith.index_cast %add3A_732 : i32 to index
        %get3A_734 = arith.constant 96 : index
        %get3A_735 = tpu.vector_load %arg8[%get3A_733, %get3A_734] {strides = array<i32>} : memref<400x128xf32, #tpu.memory_space<vmem>>, vector<1x16xf32>,
        %get3A_736 = vector.shape_cast %get3A_735 : vector<1x16xf32> to vector<16xf32>
        %add3A_737 = arith.constant 7 : i32
        %add3A_738 = arith.addi %mul3A_234, %add3A_737 : i32
        %get3A_739 = arith.index_cast %add3A_738 : i32 to index
        %get3A_740 = arith.constant 96 : index
        %get3A_741 = tpu.vector_load %arg8[%get3A_739, %get3A_740] {strides = array<i32>} : memref<400x128xf32, #tpu.memory_space<vmem>>, vector<1x16xf32>,
        %get3A_742 = vector.shape_cast %get3A_741 : vector<1x16xf32> to vector<16xf32>
        %add3A_743 = arith.constant 8 : i32
        %add3A_744 = arith.addi %mul3A_234, %add3A_743 : i32
        %get3A_745 = arith.index_cast %add3A_744 : i32 to index
        %get3A_746 = arith.constant 96 : index
        %get3A_747 = tpu.vector_load %arg8[%get3A_745, %get3A_746] {strides = array<i32>} : memref<400x128xf32, #tpu.memory_space<vmem>>, vector<1x16xf32>,
        %get3A_748 = vector.shape_cast %get3A_747 : vector<1x16xf32> to vector<16xf32>
        %add3A_749 = arith.constant 9 : i32
        %add3A_750 = arith.addi %mul3A_234, %add3A_749 : i32
        %get3A_751 = arith.index_cast %add3A_750 : i32 to index
        %get3A_752 = arith.constant 96 : index
        %get3A_753 = tpu.vector_load %arg8[%get3A_751, %get3A_752] {strides = array<i32>} : memref<400x128xf32, #tpu.memory_space<vmem>>, vector<1x16xf32>,
        %get3A_754 = vector.shape_cast %get3A_753 : vector<1x16xf32> to vector<16xf32>
        %add3A_755 = arith.addf %get3A_700, %get3A_706 : vector<16xf32>
        %add3A_756 = arith.addf %get3A_712, %get3A_718 : vector<16xf32>
        %add3A_757 = arith.addf %get3A_724, %get3A_730 : vector<16xf32>
        %add3A_758 = arith.addf %get3A_736, %get3A_742 : vector<16xf32>
        %add3A_759 = arith.addf %get3A_748, %get3A_754 : vector<16xf32>
        %add3A_760 = arith.addf %add3A_755, %add3A_756 : vector<16xf32>
        %add3A_761 = arith.addf %add3A_757, %add3A_758 : vector<16xf32>
        %add3A_762 = arith.addf %add3A_760, %add3A_761 : vector<16xf32>
        %add3A_763 = arith.addf %add3A_762, %add3A_759 : vector<16xf32>
        %mul3A_764 = arith.constant 1.000000e-01 : f32
        %mul3A_765 = vector.broadcast %mul3A_764 : f32 to vector<16xf32>
        %mul3A_766 = arith.mulf %add3A_763, %mul3A_765 : vector<16xf32>
        %swap3A_767 = arith.index_cast %scan3A_232 : i32 to index
        %swap3A_768 = arith.constant 96 : index
        %swap3A_769 = tpu.vector_load %arg10[%swap3A_767, %swap3A_768] {strides = array<i32>} : memref<40x128xf32, #tpu.memory_space<vmem>>, vector<1x16xf32>,
        %swap3A_770 = vector.shape_cast %swap3A_769 : vector<1x16xf32> to vector<16xf32>
        %swap3A_771 = vector.shape_cast %mul3A_766 : vector<16xf32> to vector<1x16xf32>
        tpu.vector_store %arg10[%swap3A_767, %swap3A_768], %swap3A_771 {strides = array<i32>} : memref<40x128xf32, #tpu.memory_space<vmem>>, vector<1x16xf32>,
        %add3A_772 = arith.constant 0 : i32
        %add3A_773 = arith.addi %mul3A_234, %add3A_772 : i32
        %get3A_774 = arith.index_cast %add3A_773 : i32 to index
        %get3A_775 = arith.constant 112 : index
        %get3A_776 = tpu.vector_load %arg8[%get3A_774, %get3A_775] {strides = array<i32>} : memref<400x128xf32, #tpu.memory_space<vmem>>, vector<1x16xf32>,
        %get3A_777 = vector.shape_cast %get3A_776 : vector<1x16xf32> to vector<16xf32>
        %add3A_778 = arith.constant 1 : i32
        %add3A_779 = arith.addi %mul3A_234, %add3A_778 : i32
        %get3A_780 = arith.index_cast %add3A_779 : i32 to index
        %get3A_781 = arith.constant 112 : index
        %get3A_782 = tpu.vector_load %arg8[%get3A_780, %get3A_781] {strides = array<i32>} : memref<400x128xf32, #tpu.memory_space<vmem>>, vector<1x16xf32>,
        %get3A_783 = vector.shape_cast %get3A_782 : vector<1x16xf32> to vector<16xf32>
        %add3A_784 = arith.constant 2 : i32
        %add3A_785 = arith.addi %mul3A_234, %add3A_784 : i32
        %get3A_786 = arith.index_cast %add3A_785 : i32 to index
        %get3A_787 = arith.constant 112 : index
        %get3A_788 = tpu.vector_load %arg8[%get3A_786, %get3A_787] {strides = array<i32>} : memref<400x128xf32, #tpu.memory_space<vmem>>, vector<1x16xf32>,
        %get3A_789 = vector.shape_cast %get3A_788 : vector<1x16xf32> to vector<16xf32>
        %add3A_790 = arith.constant 3 : i32
        %add3A_791 = arith.addi %mul3A_234, %add3A_790 : i32
        %get3A_792 = arith.index_cast %add3A_791 : i32 to index
        %get3A_793 = arith.constant 112 : index
        %get3A_794 = tpu.vector_load %arg8[%get3A_792, %get3A_793] {strides = array<i32>} : memref<400x128xf32, #tpu.memory_space<vmem>>, vector<1x16xf32>,
        %get3A_795 = vector.shape_cast %get3A_794 : vector<1x16xf32> to vector<16xf32>
        %add3A_796 = arith.constant 4 : i32
        %add3A_797 = arith.addi %mul3A_234, %add3A_796 : i32
        %get3A_798 = arith.index_cast %add3A_797 : i32 to index
        %get3A_799 = arith.constant 112 : index
        %get3A_800 = tpu.vector_load %arg8[%get3A_798, %get3A_799] {strides = array<i32>} : memref<400x128xf32, #tpu.memory_space<vmem>>, vector<1x16xf32>,
        %get3A_801 = vector.shape_cast %get3A_800 : vector<1x16xf32> to vector<16xf32>
        %add3A_802 = arith.constant 5 : i32
        %add3A_803 = arith.addi %mul3A_234, %add3A_802 : i32
        %get3A_804 = arith.index_cast %add3A_803 : i32 to index
        %get3A_805 = arith.constant 112 : index
        %get3A_806 = tpu.vector_load %arg8[%get3A_804, %get3A_805] {strides = array<i32>} : memref<400x128xf32, #tpu.memory_space<vmem>>, vector<1x16xf32>,
        %get3A_807 = vector.shape_cast %get3A_806 : vector<1x16xf32> to vector<16xf32>
        %add3A_808 = arith.constant 6 : i32
        %add3A_809 = arith.addi %mul3A_234, %add3A_808 : i32
        %get3A_810 = arith.index_cast %add3A_809 : i32 to index
        %get3A_811 = arith.constant 112 : index
        %get3A_812 = tpu.vector_load %arg8[%get3A_810, %get3A_811] {strides = array<i32>} : memref<400x128xf32, #tpu.memory_space<vmem>>, vector<1x16xf32>,
        %get3A_813 = vector.shape_cast %get3A_812 : vector<1x16xf32> to vector<16xf32>
        %add3A_814 = arith.constant 7 : i32
        %add3A_815 = arith.addi %mul3A_234, %add3A_814 : i32
        %get3A_816 = arith.index_cast %add3A_815 : i32 to index
        %get3A_817 = arith.constant 112 : index
        %get3A_818 = tpu.vector_load %arg8[%get3A_816, %get3A_817] {strides = array<i32>} : memref<400x128xf32, #tpu.memory_space<vmem>>, vector<1x16xf32>,
        %get3A_819 = vector.shape_cast %get3A_818 : vector<1x16xf32> to vector<16xf32>
        %add3A_820 = arith.constant 8 : i32
        %add3A_821 = arith.addi %mul3A_234, %add3A_820 : i32
        %get3A_822 = arith.index_cast %add3A_821 : i32 to index
        %get3A_823 = arith.constant 112 : index
        %get3A_824 = tpu.vector_load %arg8[%get3A_822, %get3A_823] {strides = array<i32>} : memref<400x128xf32, #tpu.memory_space<vmem>>, vector<1x16xf32>,
        %get3A_825 = vector.shape_cast %get3A_824 : vector<1x16xf32> to vector<16xf32>
        %add3A_826 = arith.constant 9 : i32
        %add3A_827 = arith.addi %mul3A_234, %add3A_826 : i32
        %get3A_828 = arith.index_cast %add3A_827 : i32 to index
        %get3A_829 = arith.constant 112 : index
        %get3A_830 = tpu.vector_load %arg8[%get3A_828, %get3A_829] {strides = array<i32>} : memref<400x128xf32, #tpu.memory_space<vmem>>, vector<1x16xf32>,
        %get3A_831 = vector.shape_cast %get3A_830 : vector<1x16xf32> to vector<16xf32>
        %add3A_832 = arith.addf %get3A_777, %get3A_783 : vector<16xf32>
        %add3A_833 = arith.addf %get3A_789, %get3A_795 : vector<16xf32>
        %add3A_834 = arith.addf %get3A_801, %get3A_807 : vector<16xf32>
        %add3A_835 = arith.addf %get3A_813, %get3A_819 : vector<16xf32>
        %add3A_836 = arith.addf %get3A_825, %get3A_831 : vector<16xf32>
        %add3A_837 = arith.addf %add3A_832, %add3A_833 : vector<16xf32>
        %add3A_838 = arith.addf %add3A_834, %add3A_835 : vector<16xf32>
        %add3A_839 = arith.addf %add3A_837, %add3A_838 : vector<16xf32>
        %add3A_840 = arith.addf %add3A_839, %add3A_836 : vector<16xf32>
        %mul3A_841 = arith.constant 1.000000e-01 : f32
        %mul3A_842 = vector.broadcast %mul3A_841 : f32 to vector<16xf32>
        %mul3A_843 = arith.mulf %add3A_840, %mul3A_842 : vector<16xf32>
        %swap3A_844 = arith.index_cast %scan3A_232 : i32 to index
        %swap3A_845 = arith.constant 112 : index
        %swap3A_846 = tpu.vector_load %arg10[%swap3A_844, %swap3A_845] {strides = array<i32>} : memref<40x128xf32, #tpu.memory_space<vmem>>, vector<1x16xf32>,
        %swap3A_847 = vector.shape_cast %swap3A_846 : vector<1x16xf32> to vector<16xf32>
        %swap3A_848 = vector.shape_cast %mul3A_843 : vector<16xf32> to vector<1x16xf32>
        tpu.vector_store %arg10[%swap3A_844, %swap3A_845], %swap3A_848 {strides = array<i32>} : memref<40x128xf32, #tpu.memory_space<vmem>>, vector<1x16xf32>,
      }
      %scan3A_216 = arith.constant 40 : i32
      %add3A_217 = arith.addi %select_n3A_12, %mul3A_161 : i32
      %add3A_218 = arith.constant 1 : i32
      %add3A_219 = arith.addi %add3A_217, %add3A_218 : i32
      %mul3A_220 = arith.constant 40 : i32
      %mul3A_221 = arith.muli %add3A_219, %mul3A_220 : i32
      %dma_start3A_222 = arith.constant 0 : i32
      %dma_start3A_223 = tpu.memref_slice %arg4[%mul3A_221, %dma_start3A_222] : memref<50000x128xf32, #tpu.memory_space<hbm>> -> memref<40x128xf32, #tpu.memory_space<hbm>>
      %dma_start3A_224 = arith.constant 0 : i32
      %dma_start3A_225 = tpu.memref_slice %arg4[%mul3A_221, %dma_start3A_224] : memref<50000x128xf32, #tpu.memory_space<hbm>> -> memref<40x128xf32, #tpu.memory_space<hbm>>
      tpu.enqueue_dma source(%arg10 : memref<40x128xf32, #tpu.memory_space<vmem>>) target(%dma_start3A_225 : memref<40x128xf32, #tpu.memory_space<hbm>>) target_semaphore(%arg16 : memref<!tpu.dma_semaphore, #tpu.memory_space<semaphore_mem>>)
      %add3A_226 = arith.constant 3 : i32
      %add3A_227 = arith.addi %mul3A_161, %add3A_226 : i32
      %lt3A_228 = arith.cmpi slt, %add3A_227, %select_n3A : i32
      %convert_element_type3A_229 = arith.extui %lt3A_228 : i1 to i32
      %cond3A_230 = arith.constant 0 : i32
      %cond3A_231 = arith.cmpi ne, %convert_element_type3A_229, %cond3A_230 : i32
      scf.if %cond3A_231 {
        %dma_wait3A_232 = arith.constant 0 : i32
        %dma_wait3A_233 = arith.constant 0 : i32
        %dma_wait3A_234 = tpu.memref_slice %arg3[%dma_wait3A_232, %dma_wait3A_233] : memref<5000x100xi32, #tpu.memory_space<hbm>> -> memref<4x100xi32, #tpu.memory_space<hbm>>
        %dma_wait3A_235 = arith.constant 0 : i32
        %dma_wait3A_236 = arith.constant 0 : i32
        %dma_wait3A_237 = tpu.memref_slice %arg3[%dma_wait3A_235, %dma_wait3A_236] : memref<5000x100xi32, #tpu.memory_space<hbm>> -> memref<4x100xi32, #tpu.memory_space<hbm>>
        tpu.wait_dma2 semaphore(%arg12 : memref<!tpu.dma_semaphore, #tpu.memory_space<semaphore_mem>>) src(%dma_wait3A_237 : memref<4x100xi32, #tpu.memory_space<hbm>>) dst(%arg6 : memref<4x100xi32, #tpu.memory_space<vmem>>)
        %dma_start3A_238 = arith.constant 0 : i32
        %dma_start3A_239 = arith.constant 0 : i32
        %dma_start3A_240 = arith.constant 0 : i32
        %dma_start3A_241 = tpu.memref_slice %arg8[%dma_start3A_239, %dma_start3A_240] : memref<400x128xf32, #tpu.memory_space<vmem>> -> memref<100x128xf32, #tpu.memory_space<vmem>>
        %dma_start3A_242 = arith.constant 0 : i32
        %dma_start3A_243 = tpu.memref_slice %arg6[%dma_start3A_238, %dma_start3A_242] : memref<4x100xi32, #tpu.memory_space<vmem>> -> memref<1x100xi32, #tpu.memory_space<vmem>>
        %dma_start3A_244 = tpu.memref_squeeze %dma_start3A_243 : memref<1x100xi32, #tpu.memory_space<vmem>> -> memref<100xi32, #tpu.memory_space<vmem>>
        %dma_start3A_245 = arith.constant 0 : i32
        %dma_start3A_246 = arith.constant 0 : i32
        %dma_start3A_247 = tpu.memref_slice %arg2[%dma_start3A_245, %dma_start3A_246] : memref<50000x128xf32, #tpu.memory_space<hbm>> -> memref<50000x128xf32, #tpu.memory_space<hbm>>
        tpu.enqueue_indirect_dma source(%dma_start3A_247 : memref<50000x128xf32, #tpu.memory_space<hbm>>) target(%dma_start3A_241 : memref<100x128xf32, #tpu.memory_space<vmem>>) offsets(%dma_start3A_244 : memref<100xi32, #tpu.memory_space<vmem>>) semaphore(%arg14 : memref<!tpu.dma_semaphore, #tpu.memory_space<semaphore_mem>>)
        %dma_start3A_248 = arith.constant 1 : i32
        %dma_start3A_249 = arith.constant 100 : i32
        %dma_start3A_250 = arith.constant 0 : i32
        %dma_start3A_251 = tpu.memref_slice %arg8[%dma_start3A_249, %dma_start3A_250] : memref<400x128xf32, #tpu.memory_space<vmem>> -> memref<100x128xf32, #tpu.memory_space<vmem>>
        %dma_start3A_252 = arith.constant 0 : i32
        %dma_start3A_253 = tpu.memref_slice %arg6[%dma_start3A_248, %dma_start3A_252] : memref<4x100xi32, #tpu.memory_space<vmem>> -> memref<1x100xi32, #tpu.memory_space<vmem>>
        %dma_start3A_254 = tpu.memref_squeeze %dma_start3A_253 : memref<1x100xi32, #tpu.memory_space<vmem>> -> memref<100xi32, #tpu.memory_space<vmem>>
        %dma_start3A_255 = arith.constant 0 : i32
        %dma_start3A_256 = arith.constant 0 : i32
        %dma_start3A_257 = tpu.memref_slice %arg2[%dma_start3A_255, %dma_start3A_256] : memref<50000x128xf32, #tpu.memory_space<hbm>> -> memref<50000x128xf32, #tpu.memory_space<hbm>>
        tpu.enqueue_indirect_dma source(%dma_start3A_257 : memref<50000x128xf32, #tpu.memory_space<hbm>>) target(%dma_start3A_251 : memref<100x128xf32, #tpu.memory_space<vmem>>) offsets(%dma_start3A_254 : memref<100xi32, #tpu.memory_space<vmem>>) semaphore(%arg14 : memref<!tpu.dma_semaphore, #tpu.memory_space<semaphore_mem>>)
        %dma_start3A_258 = arith.constant 2 : i32
        %dma_start3A_259 = arith.constant 200 : i32
        %dma_start3A_260 = arith.constant 0 : i32
        %dma_start3A_261 = tpu.memref_slice %arg8[%dma_start3A_259, %dma_start3A_260] : memref<400x128xf32, #tpu.memory_space<vmem>> -> memref<100x128xf32, #tpu.memory_space<vmem>>
        %dma_start3A_262 = arith.constant 0 : i32
        %dma_start3A_263 = tpu.memref_slice %arg6[%dma_start3A_258, %dma_start3A_262] : memref<4x100xi32, #tpu.memory_space<vmem>> -> memref<1x100xi32, #tpu.memory_space<vmem>>
        %dma_start3A_264 = tpu.memref_squeeze %dma_start3A_263 : memref<1x100xi32, #tpu.memory_space<vmem>> -> memref<100xi32, #tpu.memory_space<vmem>>
        %dma_start3A_265 = arith.constant 0 : i32
        %dma_start3A_266 = arith.constant 0 : i32
        %dma_start3A_267 = tpu.memref_slice %arg2[%dma_start3A_265, %dma_start3A_266] : memref<50000x128xf32, #tpu.memory_space<hbm>> -> memref<50000x128xf32, #tpu.memory_space<hbm>>
        tpu.enqueue_indirect_dma source(%dma_start3A_267 : memref<50000x128xf32, #tpu.memory_space<hbm>>) target(%dma_start3A_261 : memref<100x128xf32, #tpu.memory_space<vmem>>) offsets(%dma_start3A_264 : memref<100xi32, #tpu.memory_space<vmem>>) semaphore(%arg14 : memref<!tpu.dma_semaphore, #tpu.memory_space<semaphore_mem>>)
        %dma_start3A_268 = arith.constant 3 : i32
        %dma_start3A_269 = arith.constant 300 : i32
        %dma_start3A_270 = arith.constant 0 : i32
        %dma_start3A_271 = tpu.memref_slice %arg8[%dma_start3A_269, %dma_start3A_270] : memref<400x128xf32, #tpu.memory_space<vmem>> -> memref<100x128xf32, #tpu.memory_space<vmem>>
        %dma_start3A_272 = arith.constant 0 : i32
        %dma_start3A_273 = tpu.memref_slice %arg6[%dma_start3A_268, %dma_start3A_272] : memref<4x100xi32, #tpu.memory_space<vmem>> -> memref<1x100xi32, #tpu.memory_space<vmem>>
        %dma_start3A_274 = tpu.memref_squeeze %dma_start3A_273 : memref<1x100xi32, #tpu.memory_space<vmem>> -> memref<100xi32, #tpu.memory_space<vmem>>
        %dma_start3A_275 = arith.constant 0 : i32
        %dma_start3A_276 = arith.constant 0 : i32
        %dma_start3A_277 = tpu.memref_slice %arg2[%dma_start3A_275, %dma_start3A_276] : memref<50000x128xf32, #tpu.memory_space<hbm>> -> memref<50000x128xf32, #tpu.memory_space<hbm>>
        tpu.enqueue_indirect_dma source(%dma_start3A_277 : memref<50000x128xf32, #tpu.memory_space<hbm>>) target(%dma_start3A_271 : memref<100x128xf32, #tpu.memory_space<vmem>>) offsets(%dma_start3A_274 : memref<100xi32, #tpu.memory_space<vmem>>) semaphore(%arg14 : memref<!tpu.dma_semaphore, #tpu.memory_space<semaphore_mem>>)
      } else {
      }
    }
    %while3A_146 = arith.constant 1 : i32
    scf.for %while3A_159 = %while3A_144 to %while3A_140 step %while3A_146  : i32 {
      %mul3A_160 = arith.constant 2 : i32
      %mul3A_161 = arith.muli %while3A_159, %mul3A_160 : i32
      %dma_wait3A_162 = arith.constant 0 : i32
      %dma_wait3A_163 = arith.constant 0 : i32
      %dma_wait3A_164 = tpu.memref_slice %arg2[%dma_wait3A_162, %dma_wait3A_163] : memref<50000x128xf32, #tpu.memory_space<hbm>> -> memref<400x128xf32, #tpu.memory_space<hbm>>
      %dma_wait3A_165 = arith.constant 0 : i32
      %dma_wait3A_166 = arith.constant 0 : i32
      %dma_wait3A_167 = tpu.memref_slice %arg2[%dma_wait3A_165, %dma_wait3A_166] : memref<50000x128xf32, #tpu.memory_space<hbm>> -> memref<400x128xf32, #tpu.memory_space<hbm>>
      tpu.wait_dma2 semaphore(%arg13 : memref<!tpu.dma_semaphore, #tpu.memory_space<semaphore_mem>>) src(%dma_wait3A_167 : memref<400x128xf32, #tpu.memory_space<hbm>>) dst(%arg7 : memref<400x128xf32, #tpu.memory_space<vmem>>)
      %add3A_168 = arith.constant 2 : i32
      %add3A_169 = arith.addi %mul3A_161, %add3A_168 : i32
      %lt3A_170 = arith.cmpi slt, %add3A_169, %select_n3A : i32
      %convert_element_type3A = arith.extui %lt3A_170 : i1 to i32
      %cond3A = arith.constant 0 : i32
      %cond3A_171 = arith.cmpi ne, %convert_element_type3A, %cond3A : i32
      scf.if %cond3A_171 {
        %add3A_232 = arith.constant 2 : i32
        %add3A_233 = arith.addi %mul3A_161, %add3A_232 : i32
        %add3A_234 = arith.addi %select_n3A_12, %add3A_233 : i32
        %mul3A_235 = arith.constant 4 : i32
        %mul3A_236 = arith.muli %add3A_234, %mul3A_235 : i32
        %dma_start3A_237 = arith.constant 0 : i32
        %dma_start3A_238 = tpu.memref_slice %arg3[%mul3A_236, %dma_start3A_237] : memref<5000x100xi32, #tpu.memory_space<hbm>> -> memref<4x100xi32, #tpu.memory_space<hbm>>
        %dma_start3A_239 = arith.constant 0 : i32
        %dma_start3A_240 = tpu.memref_slice %arg3[%mul3A_236, %dma_start3A_239] : memref<5000x100xi32, #tpu.memory_space<hbm>> -> memref<4x100xi32, #tpu.memory_space<hbm>>
        tpu.enqueue_dma source(%dma_start3A_240 : memref<4x100xi32, #tpu.memory_space<hbm>>) target(%arg5 : memref<4x100xi32, #tpu.memory_space<vmem>>) target_semaphore(%arg11 : memref<!tpu.dma_semaphore, #tpu.memory_space<semaphore_mem>>)
      } else {
      }
      %gt3A = arith.constant 0 : i32
      %gt3A_172 = arith.cmpi sgt, %while3A_159, %gt3A : i32
      %convert_element_type3A_173 = arith.extui %gt3A_172 : i1 to i32
      %cond3A_174 = arith.constant 0 : i32
      %cond3A_175 = arith.cmpi ne, %convert_element_type3A_173, %cond3A_174 : i32
      scf.if %cond3A_175 {
        %dma_wait3A_232 = arith.constant 0 : i32
        %dma_wait3A_233 = arith.constant 0 : i32
        %dma_wait3A_234 = tpu.memref_slice %arg4[%dma_wait3A_232, %dma_wait3A_233] : memref<50000x128xf32, #tpu.memory_space<hbm>> -> memref<40x128xf32, #tpu.memory_space<hbm>>
        %dma_wait3A_235 = arith.constant 0 : i32
        %dma_wait3A_236 = arith.constant 0 : i32
        %dma_wait3A_237 = tpu.memref_slice %arg4[%dma_wait3A_235, %dma_wait3A_236] : memref<50000x128xf32, #tpu.memory_space<hbm>> -> memref<40x128xf32, #tpu.memory_space<hbm>>
        tpu.wait_dma2 semaphore(%arg15 : memref<!tpu.dma_semaphore, #tpu.memory_space<semaphore_mem>>) src(%arg9 : memref<40x128xf32, #tpu.memory_space<vmem>>) dst(%dma_wait3A_237 : memref<40x128xf32, #tpu.memory_space<hbm>>)
      } else {
      }
      %scan3A = arith.constant 0 : i32
      %scan3A_176 = arith.constant 0 : i32
      %scan3A_177 = arith.constant 40 : i32
      %scan3A_178 = arith.addi %scan3A_176, %scan3A_177 : i32
      %scan3A_179 = arith.constant 1 : i32
      scf.for %scan3A_232 = %scan3A_176 to %scan3A_178 step %scan3A_179  : i32 {
        %mul3A_233 = arith.constant 10 : i32
        %mul3A_234 = arith.muli %scan3A_232, %mul3A_233 : i32
        %add3A_235 = arith.constant 0 : i32
        %add3A_236 = arith.addi %mul3A_234, %add3A_235 : i32
        %get3A = arith.index_cast %add3A_236 : i32 to index
        %get3A_237 = arith.constant 0 : index
        %get3A_238 = tpu.vector_load %arg7[%get3A, %get3A_237] {strides = array<i32>} : memref<400x128xf32, #tpu.memory_space<vmem>>, vector<1x16xf32>,
        %get3A_239 = vector.shape_cast %get3A_238 : vector<1x16xf32> to vector<16xf32>
        %add3A_240 = arith.constant 1 : i32
        %add3A_241 = arith.addi %mul3A_234, %add3A_240 : i32
        %get3A_242 = arith.index_cast %add3A_241 : i32 to index
        %get3A_243 = arith.constant 0 : index
        %get3A_244 = tpu.vector_load %arg7[%get3A_242, %get3A_243] {strides = array<i32>} : memref<400x128xf32, #tpu.memory_space<vmem>>, vector<1x16xf32>,
        %get3A_245 = vector.shape_cast %get3A_244 : vector<1x16xf32> to vector<16xf32>
        %add3A_246 = arith.constant 2 : i32
        %add3A_247 = arith.addi %mul3A_234, %add3A_246 : i32
        %get3A_248 = arith.index_cast %add3A_247 : i32 to index
        %get3A_249 = arith.constant 0 : index
        %get3A_250 = tpu.vector_load %arg7[%get3A_248, %get3A_249] {strides = array<i32>} : memref<400x128xf32, #tpu.memory_space<vmem>>, vector<1x16xf32>,
        %get3A_251 = vector.shape_cast %get3A_250 : vector<1x16xf32> to vector<16xf32>
        %add3A_252 = arith.constant 3 : i32
        %add3A_253 = arith.addi %mul3A_234, %add3A_252 : i32
        %get3A_254 = arith.index_cast %add3A_253 : i32 to index
        %get3A_255 = arith.constant 0 : index
        %get3A_256 = tpu.vector_load %arg7[%get3A_254, %get3A_255] {strides = array<i32>} : memref<400x128xf32, #tpu.memory_space<vmem>>, vector<1x16xf32>,
        %get3A_257 = vector.shape_cast %get3A_256 : vector<1x16xf32> to vector<16xf32>
        %add3A_258 = arith.constant 4 : i32
        %add3A_259 = arith.addi %mul3A_234, %add3A_258 : i32
        %get3A_260 = arith.index_cast %add3A_259 : i32 to index
        %get3A_261 = arith.constant 0 : index
        %get3A_262 = tpu.vector_load %arg7[%get3A_260, %get3A_261] {strides = array<i32>} : memref<400x128xf32, #tpu.memory_space<vmem>>, vector<1x16xf32>,
        %get3A_263 = vector.shape_cast %get3A_262 : vector<1x16xf32> to vector<16xf32>
        %add3A_264 = arith.constant 5 : i32
        %add3A_265 = arith.addi %mul3A_234, %add3A_264 : i32
        %get3A_266 = arith.index_cast %add3A_265 : i32 to index
        %get3A_267 = arith.constant 0 : index
        %get3A_268 = tpu.vector_load %arg7[%get3A_266, %get3A_267] {strides = array<i32>} : memref<400x128xf32, #tpu.memory_space<vmem>>, vector<1x16xf32>,
        %get3A_269 = vector.shape_cast %get3A_268 : vector<1x16xf32> to vector<16xf32>
        %add3A_270 = arith.constant 6 : i32
        %add3A_271 = arith.addi %mul3A_234, %add3A_270 : i32
        %get3A_272 = arith.index_cast %add3A_271 : i32 to index
        %get3A_273 = arith.constant 0 : index
        %get3A_274 = tpu.vector_load %arg7[%get3A_272, %get3A_273] {strides = array<i32>} : memref<400x128xf32, #tpu.memory_space<vmem>>, vector<1x16xf32>,
        %get3A_275 = vector.shape_cast %get3A_274 : vector<1x16xf32> to vector<16xf32>
        %add3A_276 = arith.constant 7 : i32
        %add3A_277 = arith.addi %mul3A_234, %add3A_276 : i32
        %get3A_278 = arith.index_cast %add3A_277 : i32 to index
        %get3A_279 = arith.constant 0 : index
        %get3A_280 = tpu.vector_load %arg7[%get3A_278, %get3A_279] {strides = array<i32>} : memref<400x128xf32, #tpu.memory_space<vmem>>, vector<1x16xf32>,
        %get3A_281 = vector.shape_cast %get3A_280 : vector<1x16xf32> to vector<16xf32>
        %add3A_282 = arith.constant 8 : i32
        %add3A_283 = arith.addi %mul3A_234, %add3A_282 : i32
        %get3A_284 = arith.index_cast %add3A_283 : i32 to index
        %get3A_285 = arith.constant 0 : index
        %get3A_286 = tpu.vector_load %arg7[%get3A_284, %get3A_285] {strides = array<i32>} : memref<400x128xf32, #tpu.memory_space<vmem>>, vector<1x16xf32>,
        %get3A_287 = vector.shape_cast %get3A_286 : vector<1x16xf32> to vector<16xf32>
        %add3A_288 = arith.constant 9 : i32
        %add3A_289 = arith.addi %mul3A_234, %add3A_288 : i32
        %get3A_290 = arith.index_cast %add3A_289 : i32 to index
        %get3A_291 = arith.constant 0 : index
        %get3A_292 = tpu.vector_load %arg7[%get3A_290, %get3A_291] {strides = array<i32>} : memref<400x128xf32, #tpu.memory_space<vmem>>, vector<1x16xf32>,
        %get3A_293 = vector.shape_cast %get3A_292 : vector<1x16xf32> to vector<16xf32>
        %add3A_294 = arith.addf %get3A_239, %get3A_245 : vector<16xf32>
        %add3A_295 = arith.addf %get3A_251, %get3A_257 : vector<16xf32>
        %add3A_296 = arith.addf %get3A_263, %get3A_269 : vector<16xf32>
        %add3A_297 = arith.addf %get3A_275, %get3A_281 : vector<16xf32>
        %add3A_298 = arith.addf %get3A_287, %get3A_293 : vector<16xf32>
        %add3A_299 = arith.addf %add3A_294, %add3A_295 : vector<16xf32>
        %add3A_300 = arith.addf %add3A_296, %add3A_297 : vector<16xf32>
        %add3A_301 = arith.addf %add3A_299, %add3A_300 : vector<16xf32>
        %add3A_302 = arith.addf %add3A_301, %add3A_298 : vector<16xf32>
        %mul3A_303 = arith.constant 1.000000e-01 : f32
        %mul3A_304 = vector.broadcast %mul3A_303 : f32 to vector<16xf32>
        %mul3A_305 = arith.mulf %add3A_302, %mul3A_304 : vector<16xf32>
        %swap3A = arith.index_cast %scan3A_232 : i32 to index
        %swap3A_306 = arith.constant 0 : index
        %swap3A_307 = tpu.vector_load %arg9[%swap3A, %swap3A_306] {strides = array<i32>} : memref<40x128xf32, #tpu.memory_space<vmem>>, vector<1x16xf32>,
        %swap3A_308 = vector.shape_cast %swap3A_307 : vector<1x16xf32> to vector<16xf32>
        %swap3A_309 = vector.shape_cast %mul3A_305 : vector<16xf32> to vector<1x16xf32>
        tpu.vector_store %arg9[%swap3A, %swap3A_306], %swap3A_309 {strides = array<i32>} : memref<40x128xf32, #tpu.memory_space<vmem>>, vector<1x16xf32>,
        %add3A_310 = arith.constant 0 : i32
        %add3A_311 = arith.addi %mul3A_234, %add3A_310 : i32
        %get3A_312 = arith.index_cast %add3A_311 : i32 to index
        %get3A_313 = arith.constant 16 : index
        %get3A_314 = tpu.vector_load %arg7[%get3A_312, %get3A_313] {strides = array<i32>} : memref<400x128xf32, #tpu.memory_space<vmem>>, vector<1x16xf32>,
        %get3A_315 = vector.shape_cast %get3A_314 : vector<1x16xf32> to vector<16xf32>
        %add3A_316 = arith.constant 1 : i32
        %add3A_317 = arith.addi %mul3A_234, %add3A_316 : i32
        %get3A_318 = arith.index_cast %add3A_317 : i32 to index
        %get3A_319 = arith.constant 16 : index
        %get3A_320 = tpu.vector_load %arg7[%get3A_318, %get3A_319] {strides = array<i32>} : memref<400x128xf32, #tpu.memory_space<vmem>>, vector<1x16xf32>,
        %get3A_321 = vector.shape_cast %get3A_320 : vector<1x16xf32> to vector<16xf32>
        %add3A_322 = arith.constant 2 : i32
        %add3A_323 = arith.addi %mul3A_234, %add3A_322 : i32
        %get3A_324 = arith.index_cast %add3A_323 : i32 to index
        %get3A_325 = arith.constant 16 : index
        %get3A_326 = tpu.vector_load %arg7[%get3A_324, %get3A_325] {strides = array<i32>} : memref<400x128xf32, #tpu.memory_space<vmem>>, vector<1x16xf32>,
        %get3A_327 = vector.shape_cast %get3A_326 : vector<1x16xf32> to vector<16xf32>
        %add3A_328 = arith.constant 3 : i32
        %add3A_329 = arith.addi %mul3A_234, %add3A_328 : i32
        %get3A_330 = arith.index_cast %add3A_329 : i32 to index
        %get3A_331 = arith.constant 16 : index
        %get3A_332 = tpu.vector_load %arg7[%get3A_330, %get3A_331] {strides = array<i32>} : memref<400x128xf32, #tpu.memory_space<vmem>>, vector<1x16xf32>,
        %get3A_333 = vector.shape_cast %get3A_332 : vector<1x16xf32> to vector<16xf32>
        %add3A_334 = arith.constant 4 : i32
        %add3A_335 = arith.addi %mul3A_234, %add3A_334 : i32
        %get3A_336 = arith.index_cast %add3A_335 : i32 to index
        %get3A_337 = arith.constant 16 : index
        %get3A_338 = tpu.vector_load %arg7[%get3A_336, %get3A_337] {strides = array<i32>} : memref<400x128xf32, #tpu.memory_space<vmem>>, vector<1x16xf32>,
        %get3A_339 = vector.shape_cast %get3A_338 : vector<1x16xf32> to vector<16xf32>
        %add3A_340 = arith.constant 5 : i32
        %add3A_341 = arith.addi %mul3A_234, %add3A_340 : i32
        %get3A_342 = arith.index_cast %add3A_341 : i32 to index
        %get3A_343 = arith.constant 16 : index
        %get3A_344 = tpu.vector_load %arg7[%get3A_342, %get3A_343] {strides = array<i32>} : memref<400x128xf32, #tpu.memory_space<vmem>>, vector<1x16xf32>,
        %get3A_345 = vector.shape_cast %get3A_344 : vector<1x16xf32> to vector<16xf32>
        %add3A_346 = arith.constant 6 : i32
        %add3A_347 = arith.addi %mul3A_234, %add3A_346 : i32
        %get3A_348 = arith.index_cast %add3A_347 : i32 to index
        %get3A_349 = arith.constant 16 : index
        %get3A_350 = tpu.vector_load %arg7[%get3A_348, %get3A_349] {strides = array<i32>} : memref<400x128xf32, #tpu.memory_space<vmem>>, vector<1x16xf32>,
        %get3A_351 = vector.shape_cast %get3A_350 : vector<1x16xf32> to vector<16xf32>
        %add3A_352 = arith.constant 7 : i32
        %add3A_353 = arith.addi %mul3A_234, %add3A_352 : i32
        %get3A_354 = arith.index_cast %add3A_353 : i32 to index
        %get3A_355 = arith.constant 16 : index
        %get3A_356 = tpu.vector_load %arg7[%get3A_354, %get3A_355] {strides = array<i32>} : memref<400x128xf32, #tpu.memory_space<vmem>>, vector<1x16xf32>,
        %get3A_357 = vector.shape_cast %get3A_356 : vector<1x16xf32> to vector<16xf32>
        %add3A_358 = arith.constant 8 : i32
        %add3A_359 = arith.addi %mul3A_234, %add3A_358 : i32
        %get3A_360 = arith.index_cast %add3A_359 : i32 to index
        %get3A_361 = arith.constant 16 : index
        %get3A_362 = tpu.vector_load %arg7[%get3A_360, %get3A_361] {strides = array<i32>} : memref<400x128xf32, #tpu.memory_space<vmem>>, vector<1x16xf32>,
        %get3A_363 = vector.shape_cast %get3A_362 : vector<1x16xf32> to vector<16xf32>
        %add3A_364 = arith.constant 9 : i32
        %add3A_365 = arith.addi %mul3A_234, %add3A_364 : i32
        %get3A_366 = arith.index_cast %add3A_365 : i32 to index
        %get3A_367 = arith.constant 16 : index
        %get3A_368 = tpu.vector_load %arg7[%get3A_366, %get3A_367] {strides = array<i32>} : memref<400x128xf32, #tpu.memory_space<vmem>>, vector<1x16xf32>,
        %get3A_369 = vector.shape_cast %get3A_368 : vector<1x16xf32> to vector<16xf32>
        %add3A_370 = arith.addf %get3A_315, %get3A_321 : vector<16xf32>
        %add3A_371 = arith.addf %get3A_327, %get3A_333 : vector<16xf32>
        %add3A_372 = arith.addf %get3A_339, %get3A_345 : vector<16xf32>
        %add3A_373 = arith.addf %get3A_351, %get3A_357 : vector<16xf32>
        %add3A_374 = arith.addf %get3A_363, %get3A_369 : vector<16xf32>
        %add3A_375 = arith.addf %add3A_370, %add3A_371 : vector<16xf32>
        %add3A_376 = arith.addf %add3A_372, %add3A_373 : vector<16xf32>
        %add3A_377 = arith.addf %add3A_375, %add3A_376 : vector<16xf32>
        %add3A_378 = arith.addf %add3A_377, %add3A_374 : vector<16xf32>
        %mul3A_379 = arith.constant 1.000000e-01 : f32
        %mul3A_380 = vector.broadcast %mul3A_379 : f32 to vector<16xf32>
        %mul3A_381 = arith.mulf %add3A_378, %mul3A_380 : vector<16xf32>
        %swap3A_382 = arith.index_cast %scan3A_232 : i32 to index
        %swap3A_383 = arith.constant 16 : index
        %swap3A_384 = tpu.vector_load %arg9[%swap3A_382, %swap3A_383] {strides = array<i32>} : memref<40x128xf32, #tpu.memory_space<vmem>>, vector<1x16xf32>,
        %swap3A_385 = vector.shape_cast %swap3A_384 : vector<1x16xf32> to vector<16xf32>
        %swap3A_386 = vector.shape_cast %mul3A_381 : vector<16xf32> to vector<1x16xf32>
        tpu.vector_store %arg9[%swap3A_382, %swap3A_383], %swap3A_386 {strides = array<i32>} : memref<40x128xf32, #tpu.memory_space<vmem>>, vector<1x16xf32>,
        %add3A_387 = arith.constant 0 : i32
        %add3A_388 = arith.addi %mul3A_234, %add3A_387 : i32
        %get3A_389 = arith.index_cast %add3A_388 : i32 to index
        %get3A_390 = arith.constant 32 : index
        %get3A_391 = tpu.vector_load %arg7[%get3A_389, %get3A_390] {strides = array<i32>} : memref<400x128xf32, #tpu.memory_space<vmem>>, vector<1x16xf32>,
        %get3A_392 = vector.shape_cast %get3A_391 : vector<1x16xf32> to vector<16xf32>
        %add3A_393 = arith.constant 1 : i32
        %add3A_394 = arith.addi %mul3A_234, %add3A_393 : i32
        %get3A_395 = arith.index_cast %add3A_394 : i32 to index
        %get3A_396 = arith.constant 32 : index
        %get3A_397 = tpu.vector_load %arg7[%get3A_395, %get3A_396] {strides = array<i32>} : memref<400x128xf32, #tpu.memory_space<vmem>>, vector<1x16xf32>,
        %get3A_398 = vector.shape_cast %get3A_397 : vector<1x16xf32> to vector<16xf32>
        %add3A_399 = arith.constant 2 : i32
        %add3A_400 = arith.addi %mul3A_234, %add3A_399 : i32
        %get3A_401 = arith.index_cast %add3A_400 : i32 to index
        %get3A_402 = arith.constant 32 : index
        %get3A_403 = tpu.vector_load %arg7[%get3A_401, %get3A_402] {strides = array<i32>} : memref<400x128xf32, #tpu.memory_space<vmem>>, vector<1x16xf32>,
        %get3A_404 = vector.shape_cast %get3A_403 : vector<1x16xf32> to vector<16xf32>
        %add3A_405 = arith.constant 3 : i32
        %add3A_406 = arith.addi %mul3A_234, %add3A_405 : i32
        %get3A_407 = arith.index_cast %add3A_406 : i32 to index
        %get3A_408 = arith.constant 32 : index
        %get3A_409 = tpu.vector_load %arg7[%get3A_407, %get3A_408] {strides = array<i32>} : memref<400x128xf32, #tpu.memory_space<vmem>>, vector<1x16xf32>,
        %get3A_410 = vector.shape_cast %get3A_409 : vector<1x16xf32> to vector<16xf32>
        %add3A_411 = arith.constant 4 : i32
        %add3A_412 = arith.addi %mul3A_234, %add3A_411 : i32
        %get3A_413 = arith.index_cast %add3A_412 : i32 to index
        %get3A_414 = arith.constant 32 : index
        %get3A_415 = tpu.vector_load %arg7[%get3A_413, %get3A_414] {strides = array<i32>} : memref<400x128xf32, #tpu.memory_space<vmem>>, vector<1x16xf32>,
        %get3A_416 = vector.shape_cast %get3A_415 : vector<1x16xf32> to vector<16xf32>
        %add3A_417 = arith.constant 5 : i32
        %add3A_418 = arith.addi %mul3A_234, %add3A_417 : i32
        %get3A_419 = arith.index_cast %add3A_418 : i32 to index
        %get3A_420 = arith.constant 32 : index
        %get3A_421 = tpu.vector_load %arg7[%get3A_419, %get3A_420] {strides = array<i32>} : memref<400x128xf32, #tpu.memory_space<vmem>>, vector<1x16xf32>,
        %get3A_422 = vector.shape_cast %get3A_421 : vector<1x16xf32> to vector<16xf32>
        %add3A_423 = arith.constant 6 : i32
        %add3A_424 = arith.addi %mul3A_234, %add3A_423 : i32
        %get3A_425 = arith.index_cast %add3A_424 : i32 to index
        %get3A_426 = arith.constant 32 : index
        %get3A_427 = tpu.vector_load %arg7[%get3A_425, %get3A_426] {strides = array<i32>} : memref<400x128xf32, #tpu.memory_space<vmem>>, vector<1x16xf32>,
        %get3A_428 = vector.shape_cast %get3A_427 : vector<1x16xf32> to vector<16xf32>
        %add3A_429 = arith.constant 7 : i32
        %add3A_430 = arith.addi %mul3A_234, %add3A_429 : i32
        %get3A_431 = arith.index_cast %add3A_430 : i32 to index
        %get3A_432 = arith.constant 32 : index
        %get3A_433 = tpu.vector_load %arg7[%get3A_431, %get3A_432] {strides = array<i32>} : memref<400x128xf32, #tpu.memory_space<vmem>>, vector<1x16xf32>,
        %get3A_434 = vector.shape_cast %get3A_433 : vector<1x16xf32> to vector<16xf32>
        %add3A_435 = arith.constant 8 : i32
        %add3A_436 = arith.addi %mul3A_234, %add3A_435 : i32
        %get3A_437 = arith.index_cast %add3A_436 : i32 to index
        %get3A_438 = arith.constant 32 : index
        %get3A_439 = tpu.vector_load %arg7[%get3A_437, %get3A_438] {strides = array<i32>} : memref<400x128xf32, #tpu.memory_space<vmem>>, vector<1x16xf32>,
        %get3A_440 = vector.shape_cast %get3A_439 : vector<1x16xf32> to vector<16xf32>
        %add3A_441 = arith.constant 9 : i32
        %add3A_442 = arith.addi %mul3A_234, %add3A_441 : i32
        %get3A_443 = arith.index_cast %add3A_442 : i32 to index
        %get3A_444 = arith.constant 32 : index
        %get3A_445 = tpu.vector_load %arg7[%get3A_443, %get3A_444] {strides = array<i32>} : memref<400x128xf32, #tpu.memory_space<vmem>>, vector<1x16xf32>,
        %get3A_446 = vector.shape_cast %get3A_445 : vector<1x16xf32> to vector<16xf32>
        %add3A_447 = arith.addf %get3A_392, %get3A_398 : vector<16xf32>
        %add3A_448 = arith.addf %get3A_404, %get3A_410 : vector<16xf32>
        %add3A_449 = arith.addf %get3A_416, %get3A_422 : vector<16xf32>
        %add3A_450 = arith.addf %get3A_428, %get3A_434 : vector<16xf32>
        %add3A_451 = arith.addf %get3A_440, %get3A_446 : vector<16xf32>
        %add3A_452 = arith.addf %add3A_447, %add3A_448 : vector<16xf32>
        %add3A_453 = arith.addf %add3A_449, %add3A_450 : vector<16xf32>
        %add3A_454 = arith.addf %add3A_452, %add3A_453 : vector<16xf32>
        %add3A_455 = arith.addf %add3A_454, %add3A_451 : vector<16xf32>
        %mul3A_456 = arith.constant 1.000000e-01 : f32
        %mul3A_457 = vector.broadcast %mul3A_456 : f32 to vector<16xf32>
        %mul3A_458 = arith.mulf %add3A_455, %mul3A_457 : vector<16xf32>
        %swap3A_459 = arith.index_cast %scan3A_232 : i32 to index
        %swap3A_460 = arith.constant 32 : index
        %swap3A_461 = tpu.vector_load %arg9[%swap3A_459, %swap3A_460] {strides = array<i32>} : memref<40x128xf32, #tpu.memory_space<vmem>>, vector<1x16xf32>,
        %swap3A_462 = vector.shape_cast %swap3A_461 : vector<1x16xf32> to vector<16xf32>
        %swap3A_463 = vector.shape_cast %mul3A_458 : vector<16xf32> to vector<1x16xf32>
        tpu.vector_store %arg9[%swap3A_459, %swap3A_460], %swap3A_463 {strides = array<i32>} : memref<40x128xf32, #tpu.memory_space<vmem>>, vector<1x16xf32>,
        %add3A_464 = arith.constant 0 : i32
        %add3A_465 = arith.addi %mul3A_234, %add3A_464 : i32
        %get3A_466 = arith.index_cast %add3A_465 : i32 to index
        %get3A_467 = arith.constant 48 : index
        %get3A_468 = tpu.vector_load %arg7[%get3A_466, %get3A_467] {strides = array<i32>} : memref<400x128xf32, #tpu.memory_space<vmem>>, vector<1x16xf32>,
        %get3A_469 = vector.shape_cast %get3A_468 : vector<1x16xf32> to vector<16xf32>
        %add3A_470 = arith.constant 1 : i32
        %add3A_471 = arith.addi %mul3A_234, %add3A_470 : i32
        %get3A_472 = arith.index_cast %add3A_471 : i32 to index
        %get3A_473 = arith.constant 48 : index
        %get3A_474 = tpu.vector_load %arg7[%get3A_472, %get3A_473] {strides = array<i32>} : memref<400x128xf32, #tpu.memory_space<vmem>>, vector<1x16xf32>,
        %get3A_475 = vector.shape_cast %get3A_474 : vector<1x16xf32> to vector<16xf32>
        %add3A_476 = arith.constant 2 : i32
        %add3A_477 = arith.addi %mul3A_234, %add3A_476 : i32
        %get3A_478 = arith.index_cast %add3A_477 : i32 to index
        %get3A_479 = arith.constant 48 : index
        %get3A_480 = tpu.vector_load %arg7[%get3A_478, %get3A_479] {strides = array<i32>} : memref<400x128xf32, #tpu.memory_space<vmem>>, vector<1x16xf32>,
        %get3A_481 = vector.shape_cast %get3A_480 : vector<1x16xf32> to vector<16xf32>
        %add3A_482 = arith.constant 3 : i32
        %add3A_483 = arith.addi %mul3A_234, %add3A_482 : i32
        %get3A_484 = arith.index_cast %add3A_483 : i32 to index
        %get3A_485 = arith.constant 48 : index
        %get3A_486 = tpu.vector_load %arg7[%get3A_484, %get3A_485] {strides = array<i32>} : memref<400x128xf32, #tpu.memory_space<vmem>>, vector<1x16xf32>,
        %get3A_487 = vector.shape_cast %get3A_486 : vector<1x16xf32> to vector<16xf32>
        %add3A_488 = arith.constant 4 : i32
        %add3A_489 = arith.addi %mul3A_234, %add3A_488 : i32
        %get3A_490 = arith.index_cast %add3A_489 : i32 to index
        %get3A_491 = arith.constant 48 : index
        %get3A_492 = tpu.vector_load %arg7[%get3A_490, %get3A_491] {strides = array<i32>} : memref<400x128xf32, #tpu.memory_space<vmem>>, vector<1x16xf32>,
        %get3A_493 = vector.shape_cast %get3A_492 : vector<1x16xf32> to vector<16xf32>
        %add3A_494 = arith.constant 5 : i32
        %add3A_495 = arith.addi %mul3A_234, %add3A_494 : i32
        %get3A_496 = arith.index_cast %add3A_495 : i32 to index
        %get3A_497 = arith.constant 48 : index
        %get3A_498 = tpu.vector_load %arg7[%get3A_496, %get3A_497] {strides = array<i32>} : memref<400x128xf32, #tpu.memory_space<vmem>>, vector<1x16xf32>,
        %get3A_499 = vector.shape_cast %get3A_498 : vector<1x16xf32> to vector<16xf32>
        %add3A_500 = arith.constant 6 : i32
        %add3A_501 = arith.addi %mul3A_234, %add3A_500 : i32
        %get3A_502 = arith.index_cast %add3A_501 : i32 to index
        %get3A_503 = arith.constant 48 : index
        %get3A_504 = tpu.vector_load %arg7[%get3A_502, %get3A_503] {strides = array<i32>} : memref<400x128xf32, #tpu.memory_space<vmem>>, vector<1x16xf32>,
        %get3A_505 = vector.shape_cast %get3A_504 : vector<1x16xf32> to vector<16xf32>
        %add3A_506 = arith.constant 7 : i32
        %add3A_507 = arith.addi %mul3A_234, %add3A_506 : i32
        %get3A_508 = arith.index_cast %add3A_507 : i32 to index
        %get3A_509 = arith.constant 48 : index
        %get3A_510 = tpu.vector_load %arg7[%get3A_508, %get3A_509] {strides = array<i32>} : memref<400x128xf32, #tpu.memory_space<vmem>>, vector<1x16xf32>,
        %get3A_511 = vector.shape_cast %get3A_510 : vector<1x16xf32> to vector<16xf32>
        %add3A_512 = arith.constant 8 : i32
        %add3A_513 = arith.addi %mul3A_234, %add3A_512 : i32
        %get3A_514 = arith.index_cast %add3A_513 : i32 to index
        %get3A_515 = arith.constant 48 : index
        %get3A_516 = tpu.vector_load %arg7[%get3A_514, %get3A_515] {strides = array<i32>} : memref<400x128xf32, #tpu.memory_space<vmem>>, vector<1x16xf32>,
        %get3A_517 = vector.shape_cast %get3A_516 : vector<1x16xf32> to vector<16xf32>
        %add3A_518 = arith.constant 9 : i32
        %add3A_519 = arith.addi %mul3A_234, %add3A_518 : i32
        %get3A_520 = arith.index_cast %add3A_519 : i32 to index
        %get3A_521 = arith.constant 48 : index
        %get3A_522 = tpu.vector_load %arg7[%get3A_520, %get3A_521] {strides = array<i32>} : memref<400x128xf32, #tpu.memory_space<vmem>>, vector<1x16xf32>,
        %get3A_523 = vector.shape_cast %get3A_522 : vector<1x16xf32> to vector<16xf32>
        %add3A_524 = arith.addf %get3A_469, %get3A_475 : vector<16xf32>
        %add3A_525 = arith.addf %get3A_481, %get3A_487 : vector<16xf32>
        %add3A_526 = arith.addf %get3A_493, %get3A_499 : vector<16xf32>
        %add3A_527 = arith.addf %get3A_505, %get3A_511 : vector<16xf32>
        %add3A_528 = arith.addf %get3A_517, %get3A_523 : vector<16xf32>
        %add3A_529 = arith.addf %add3A_524, %add3A_525 : vector<16xf32>
        %add3A_530 = arith.addf %add3A_526, %add3A_527 : vector<16xf32>
        %add3A_531 = arith.addf %add3A_529, %add3A_530 : vector<16xf32>
        %add3A_532 = arith.addf %add3A_531, %add3A_528 : vector<16xf32>
        %mul3A_533 = arith.constant 1.000000e-01 : f32
        %mul3A_534 = vector.broadcast %mul3A_533 : f32 to vector<16xf32>
        %mul3A_535 = arith.mulf %add3A_532, %mul3A_534 : vector<16xf32>
        %swap3A_536 = arith.index_cast %scan3A_232 : i32 to index
        %swap3A_537 = arith.constant 48 : index
        %swap3A_538 = tpu.vector_load %arg9[%swap3A_536, %swap3A_537] {strides = array<i32>} : memref<40x128xf32, #tpu.memory_space<vmem>>, vector<1x16xf32>,
        %swap3A_539 = vector.shape_cast %swap3A_538 : vector<1x16xf32> to vector<16xf32>
        %swap3A_540 = vector.shape_cast %mul3A_535 : vector<16xf32> to vector<1x16xf32>
        tpu.vector_store %arg9[%swap3A_536, %swap3A_537], %swap3A_540 {strides = array<i32>} : memref<40x128xf32, #tpu.memory_space<vmem>>, vector<1x16xf32>,
        %add3A_541 = arith.constant 0 : i32
        %add3A_542 = arith.addi %mul3A_234, %add3A_541 : i32
        %get3A_543 = arith.index_cast %add3A_542 : i32 to index
        %get3A_544 = arith.constant 64 : index
        %get3A_545 = tpu.vector_load %arg7[%get3A_543, %get3A_544] {strides = array<i32>} : memref<400x128xf32, #tpu.memory_space<vmem>>, vector<1x16xf32>,
        %get3A_546 = vector.shape_cast %get3A_545 : vector<1x16xf32> to vector<16xf32>
        %add3A_547 = arith.constant 1 : i32
        %add3A_548 = arith.addi %mul3A_234, %add3A_547 : i32
        %get3A_549 = arith.index_cast %add3A_548 : i32 to index
        %get3A_550 = arith.constant 64 : index
        %get3A_551 = tpu.vector_load %arg7[%get3A_549, %get3A_550] {strides = array<i32>} : memref<400x128xf32, #tpu.memory_space<vmem>>, vector<1x16xf32>,
        %get3A_552 = vector.shape_cast %get3A_551 : vector<1x16xf32> to vector<16xf32>
        %add3A_553 = arith.constant 2 : i32
        %add3A_554 = arith.addi %mul3A_234, %add3A_553 : i32
        %get3A_555 = arith.index_cast %add3A_554 : i32 to index
        %get3A_556 = arith.constant 64 : index
        %get3A_557 = tpu.vector_load %arg7[%get3A_555, %get3A_556] {strides = array<i32>} : memref<400x128xf32, #tpu.memory_space<vmem>>, vector<1x16xf32>,
        %get3A_558 = vector.shape_cast %get3A_557 : vector<1x16xf32> to vector<16xf32>
        %add3A_559 = arith.constant 3 : i32
        %add3A_560 = arith.addi %mul3A_234, %add3A_559 : i32
        %get3A_561 = arith.index_cast %add3A_560 : i32 to index
        %get3A_562 = arith.constant 64 : index
        %get3A_563 = tpu.vector_load %arg7[%get3A_561, %get3A_562] {strides = array<i32>} : memref<400x128xf32, #tpu.memory_space<vmem>>, vector<1x16xf32>,
        %get3A_564 = vector.shape_cast %get3A_563 : vector<1x16xf32> to vector<16xf32>
        %add3A_565 = arith.constant 4 : i32
        %add3A_566 = arith.addi %mul3A_234, %add3A_565 : i32
        %get3A_567 = arith.index_cast %add3A_566 : i32 to index
        %get3A_568 = arith.constant 64 : index
        %get3A_569 = tpu.vector_load %arg7[%get3A_567, %get3A_568] {strides = array<i32>} : memref<400x128xf32, #tpu.memory_space<vmem>>, vector<1x16xf32>,
        %get3A_570 = vector.shape_cast %get3A_569 : vector<1x16xf32> to vector<16xf32>
        %add3A_571 = arith.constant 5 : i32
        %add3A_572 = arith.addi %mul3A_234, %add3A_571 : i32
        %get3A_573 = arith.index_cast %add3A_572 : i32 to index
        %get3A_574 = arith.constant 64 : index
        %get3A_575 = tpu.vector_load %arg7[%get3A_573, %get3A_574] {strides = array<i32>} : memref<400x128xf32, #tpu.memory_space<vmem>>, vector<1x16xf32>,
        %get3A_576 = vector.shape_cast %get3A_575 : vector<1x16xf32> to vector<16xf32>
        %add3A_577 = arith.constant 6 : i32
        %add3A_578 = arith.addi %mul3A_234, %add3A_577 : i32
        %get3A_579 = arith.index_cast %add3A_578 : i32 to index
        %get3A_580 = arith.constant 64 : index
        %get3A_581 = tpu.vector_load %arg7[%get3A_579, %get3A_580] {strides = array<i32>} : memref<400x128xf32, #tpu.memory_space<vmem>>, vector<1x16xf32>,
        %get3A_582 = vector.shape_cast %get3A_581 : vector<1x16xf32> to vector<16xf32>
        %add3A_583 = arith.constant 7 : i32
        %add3A_584 = arith.addi %mul3A_234, %add3A_583 : i32
        %get3A_585 = arith.index_cast %add3A_584 : i32 to index
        %get3A_586 = arith.constant 64 : index
        %get3A_587 = tpu.vector_load %arg7[%get3A_585, %get3A_586] {strides = array<i32>} : memref<400x128xf32, #tpu.memory_space<vmem>>, vector<1x16xf32>,
        %get3A_588 = vector.shape_cast %get3A_587 : vector<1x16xf32> to vector<16xf32>
        %add3A_589 = arith.constant 8 : i32
        %add3A_590 = arith.addi %mul3A_234, %add3A_589 : i32
        %get3A_591 = arith.index_cast %add3A_590 : i32 to index
        %get3A_592 = arith.constant 64 : index
        %get3A_593 = tpu.vector_load %arg7[%get3A_591, %get3A_592] {strides = array<i32>} : memref<400x128xf32, #tpu.memory_space<vmem>>, vector<1x16xf32>,
        %get3A_594 = vector.shape_cast %get3A_593 : vector<1x16xf32> to vector<16xf32>
        %add3A_595 = arith.constant 9 : i32
        %add3A_596 = arith.addi %mul3A_234, %add3A_595 : i32
        %get3A_597 = arith.index_cast %add3A_596 : i32 to index
        %get3A_598 = arith.constant 64 : index
        %get3A_599 = tpu.vector_load %arg7[%get3A_597, %get3A_598] {strides = array<i32>} : memref<400x128xf32, #tpu.memory_space<vmem>>, vector<1x16xf32>,
        %get3A_600 = vector.shape_cast %get3A_599 : vector<1x16xf32> to vector<16xf32>
        %add3A_601 = arith.addf %get3A_546, %get3A_552 : vector<16xf32>
        %add3A_602 = arith.addf %get3A_558, %get3A_564 : vector<16xf32>
        %add3A_603 = arith.addf %get3A_570, %get3A_576 : vector<16xf32>
        %add3A_604 = arith.addf %get3A_582, %get3A_588 : vector<16xf32>
        %add3A_605 = arith.addf %get3A_594, %get3A_600 : vector<16xf32>
        %add3A_606 = arith.addf %add3A_601, %add3A_602 : vector<16xf32>
        %add3A_607 = arith.addf %add3A_603, %add3A_604 : vector<16xf32>
        %add3A_608 = arith.addf %add3A_606, %add3A_607 : vector<16xf32>
        %add3A_609 = arith.addf %add3A_608, %add3A_605 : vector<16xf32>
        %mul3A_610 = arith.constant 1.000000e-01 : f32
        %mul3A_611 = vector.broadcast %mul3A_610 : f32 to vector<16xf32>
        %mul3A_612 = arith.mulf %add3A_609, %mul3A_611 : vector<16xf32>
        %swap3A_613 = arith.index_cast %scan3A_232 : i32 to index
        %swap3A_614 = arith.constant 64 : index
        %swap3A_615 = tpu.vector_load %arg9[%swap3A_613, %swap3A_614] {strides = array<i32>} : memref<40x128xf32, #tpu.memory_space<vmem>>, vector<1x16xf32>,
        %swap3A_616 = vector.shape_cast %swap3A_615 : vector<1x16xf32> to vector<16xf32>
        %swap3A_617 = vector.shape_cast %mul3A_612 : vector<16xf32> to vector<1x16xf32>
        tpu.vector_store %arg9[%swap3A_613, %swap3A_614], %swap3A_617 {strides = array<i32>} : memref<40x128xf32, #tpu.memory_space<vmem>>, vector<1x16xf32>,
        %add3A_618 = arith.constant 0 : i32
        %add3A_619 = arith.addi %mul3A_234, %add3A_618 : i32
        %get3A_620 = arith.index_cast %add3A_619 : i32 to index
        %get3A_621 = arith.constant 80 : index
        %get3A_622 = tpu.vector_load %arg7[%get3A_620, %get3A_621] {strides = array<i32>} : memref<400x128xf32, #tpu.memory_space<vmem>>, vector<1x16xf32>,
        %get3A_623 = vector.shape_cast %get3A_622 : vector<1x16xf32> to vector<16xf32>
        %add3A_624 = arith.constant 1 : i32
        %add3A_625 = arith.addi %mul3A_234, %add3A_624 : i32
        %get3A_626 = arith.index_cast %add3A_625 : i32 to index
        %get3A_627 = arith.constant 80 : index
        %get3A_628 = tpu.vector_load %arg7[%get3A_626, %get3A_627] {strides = array<i32>} : memref<400x128xf32, #tpu.memory_space<vmem>>, vector<1x16xf32>,
        %get3A_629 = vector.shape_cast %get3A_628 : vector<1x16xf32> to vector<16xf32>
        %add3A_630 = arith.constant 2 : i32
        %add3A_631 = arith.addi %mul3A_234, %add3A_630 : i32
        %get3A_632 = arith.index_cast %add3A_631 : i32 to index
        %get3A_633 = arith.constant 80 : index
        %get3A_634 = tpu.vector_load %arg7[%get3A_632, %get3A_633] {strides = array<i32>} : memref<400x128xf32, #tpu.memory_space<vmem>>, vector<1x16xf32>,
        %get3A_635 = vector.shape_cast %get3A_634 : vector<1x16xf32> to vector<16xf32>
        %add3A_636 = arith.constant 3 : i32
        %add3A_637 = arith.addi %mul3A_234, %add3A_636 : i32
        %get3A_638 = arith.index_cast %add3A_637 : i32 to index
        %get3A_639 = arith.constant 80 : index
        %get3A_640 = tpu.vector_load %arg7[%get3A_638, %get3A_639] {strides = array<i32>} : memref<400x128xf32, #tpu.memory_space<vmem>>, vector<1x16xf32>,
        %get3A_641 = vector.shape_cast %get3A_640 : vector<1x16xf32> to vector<16xf32>
        %add3A_642 = arith.constant 4 : i32
        %add3A_643 = arith.addi %mul3A_234, %add3A_642 : i32
        %get3A_644 = arith.index_cast %add3A_643 : i32 to index
        %get3A_645 = arith.constant 80 : index
        %get3A_646 = tpu.vector_load %arg7[%get3A_644, %get3A_645] {strides = array<i32>} : memref<400x128xf32, #tpu.memory_space<vmem>>, vector<1x16xf32>,
        %get3A_647 = vector.shape_cast %get3A_646 : vector<1x16xf32> to vector<16xf32>
        %add3A_648 = arith.constant 5 : i32
        %add3A_649 = arith.addi %mul3A_234, %add3A_648 : i32
        %get3A_650 = arith.index_cast %add3A_649 : i32 to index
        %get3A_651 = arith.constant 80 : index
        %get3A_652 = tpu.vector_load %arg7[%get3A_650, %get3A_651] {strides = array<i32>} : memref<400x128xf32, #tpu.memory_space<vmem>>, vector<1x16xf32>,
        %get3A_653 = vector.shape_cast %get3A_652 : vector<1x16xf32> to vector<16xf32>
        %add3A_654 = arith.constant 6 : i32
        %add3A_655 = arith.addi %mul3A_234, %add3A_654 : i32
        %get3A_656 = arith.index_cast %add3A_655 : i32 to index
        %get3A_657 = arith.constant 80 : index
        %get3A_658 = tpu.vector_load %arg7[%get3A_656, %get3A_657] {strides = array<i32>} : memref<400x128xf32, #tpu.memory_space<vmem>>, vector<1x16xf32>,
        %get3A_659 = vector.shape_cast %get3A_658 : vector<1x16xf32> to vector<16xf32>
        %add3A_660 = arith.constant 7 : i32
        %add3A_661 = arith.addi %mul3A_234, %add3A_660 : i32
        %get3A_662 = arith.index_cast %add3A_661 : i32 to index
        %get3A_663 = arith.constant 80 : index
        %get3A_664 = tpu.vector_load %arg7[%get3A_662, %get3A_663] {strides = array<i32>} : memref<400x128xf32, #tpu.memory_space<vmem>>, vector<1x16xf32>,
        %get3A_665 = vector.shape_cast %get3A_664 : vector<1x16xf32> to vector<16xf32>
        %add3A_666 = arith.constant 8 : i32
        %add3A_667 = arith.addi %mul3A_234, %add3A_666 : i32
        %get3A_668 = arith.index_cast %add3A_667 : i32 to index
        %get3A_669 = arith.constant 80 : index
        %get3A_670 = tpu.vector_load %arg7[%get3A_668, %get3A_669] {strides = array<i32>} : memref<400x128xf32, #tpu.memory_space<vmem>>, vector<1x16xf32>,
        %get3A_671 = vector.shape_cast %get3A_670 : vector<1x16xf32> to vector<16xf32>
        %add3A_672 = arith.constant 9 : i32
        %add3A_673 = arith.addi %mul3A_234, %add3A_672 : i32
        %get3A_674 = arith.index_cast %add3A_673 : i32 to index
        %get3A_675 = arith.constant 80 : index
        %get3A_676 = tpu.vector_load %arg7[%get3A_674, %get3A_675] {strides = array<i32>} : memref<400x128xf32, #tpu.memory_space<vmem>>, vector<1x16xf32>,
        %get3A_677 = vector.shape_cast %get3A_676 : vector<1x16xf32> to vector<16xf32>
        %add3A_678 = arith.addf %get3A_623, %get3A_629 : vector<16xf32>
        %add3A_679 = arith.addf %get3A_635, %get3A_641 : vector<16xf32>
        %add3A_680 = arith.addf %get3A_647, %get3A_653 : vector<16xf32>
        %add3A_681 = arith.addf %get3A_659, %get3A_665 : vector<16xf32>
        %add3A_682 = arith.addf %get3A_671, %get3A_677 : vector<16xf32>
        %add3A_683 = arith.addf %add3A_678, %add3A_679 : vector<16xf32>
        %add3A_684 = arith.addf %add3A_680, %add3A_681 : vector<16xf32>
        %add3A_685 = arith.addf %add3A_683, %add3A_684 : vector<16xf32>
        %add3A_686 = arith.addf %add3A_685, %add3A_682 : vector<16xf32>
        %mul3A_687 = arith.constant 1.000000e-01 : f32
        %mul3A_688 = vector.broadcast %mul3A_687 : f32 to vector<16xf32>
        %mul3A_689 = arith.mulf %add3A_686, %mul3A_688 : vector<16xf32>
        %swap3A_690 = arith.index_cast %scan3A_232 : i32 to index
        %swap3A_691 = arith.constant 80 : index
        %swap3A_692 = tpu.vector_load %arg9[%swap3A_690, %swap3A_691] {strides = array<i32>} : memref<40x128xf32, #tpu.memory_space<vmem>>, vector<1x16xf32>,
        %swap3A_693 = vector.shape_cast %swap3A_692 : vector<1x16xf32> to vector<16xf32>
        %swap3A_694 = vector.shape_cast %mul3A_689 : vector<16xf32> to vector<1x16xf32>
        tpu.vector_store %arg9[%swap3A_690, %swap3A_691], %swap3A_694 {strides = array<i32>} : memref<40x128xf32, #tpu.memory_space<vmem>>, vector<1x16xf32>,
        %add3A_695 = arith.constant 0 : i32
        %add3A_696 = arith.addi %mul3A_234, %add3A_695 : i32
        %get3A_697 = arith.index_cast %add3A_696 : i32 to index
        %get3A_698 = arith.constant 96 : index
        %get3A_699 = tpu.vector_load %arg7[%get3A_697, %get3A_698] {strides = array<i32>} : memref<400x128xf32, #tpu.memory_space<vmem>>, vector<1x16xf32>,
        %get3A_700 = vector.shape_cast %get3A_699 : vector<1x16xf32> to vector<16xf32>
        %add3A_701 = arith.constant 1 : i32
        %add3A_702 = arith.addi %mul3A_234, %add3A_701 : i32
        %get3A_703 = arith.index_cast %add3A_702 : i32 to index
        %get3A_704 = arith.constant 96 : index
        %get3A_705 = tpu.vector_load %arg7[%get3A_703, %get3A_704] {strides = array<i32>} : memref<400x128xf32, #tpu.memory_space<vmem>>, vector<1x16xf32>,
        %get3A_706 = vector.shape_cast %get3A_705 : vector<1x16xf32> to vector<16xf32>
        %add3A_707 = arith.constant 2 : i32
        %add3A_708 = arith.addi %mul3A_234, %add3A_707 : i32
        %get3A_709 = arith.index_cast %add3A_708 : i32 to index
        %get3A_710 = arith.constant 96 : index
        %get3A_711 = tpu.vector_load %arg7[%get3A_709, %get3A_710] {strides = array<i32>} : memref<400x128xf32, #tpu.memory_space<vmem>>, vector<1x16xf32>,
        %get3A_712 = vector.shape_cast %get3A_711 : vector<1x16xf32> to vector<16xf32>
        %add3A_713 = arith.constant 3 : i32
        %add3A_714 = arith.addi %mul3A_234, %add3A_713 : i32
        %get3A_715 = arith.index_cast %add3A_714 : i32 to index
        %get3A_716 = arith.constant 96 : index
        %get3A_717 = tpu.vector_load %arg7[%get3A_715, %get3A_716] {strides = array<i32>} : memref<400x128xf32, #tpu.memory_space<vmem>>, vector<1x16xf32>,
        %get3A_718 = vector.shape_cast %get3A_717 : vector<1x16xf32> to vector<16xf32>
        %add3A_719 = arith.constant 4 : i32
        %add3A_720 = arith.addi %mul3A_234, %add3A_719 : i32
        %get3A_721 = arith.index_cast %add3A_720 : i32 to index
        %get3A_722 = arith.constant 96 : index
        %get3A_723 = tpu.vector_load %arg7[%get3A_721, %get3A_722] {strides = array<i32>} : memref<400x128xf32, #tpu.memory_space<vmem>>, vector<1x16xf32>,
        %get3A_724 = vector.shape_cast %get3A_723 : vector<1x16xf32> to vector<16xf32>
        %add3A_725 = arith.constant 5 : i32
        %add3A_726 = arith.addi %mul3A_234, %add3A_725 : i32
        %get3A_727 = arith.index_cast %add3A_726 : i32 to index
        %get3A_728 = arith.constant 96 : index
        %get3A_729 = tpu.vector_load %arg7[%get3A_727, %get3A_728] {strides = array<i32>} : memref<400x128xf32, #tpu.memory_space<vmem>>, vector<1x16xf32>,
        %get3A_730 = vector.shape_cast %get3A_729 : vector<1x16xf32> to vector<16xf32>
        %add3A_731 = arith.constant 6 : i32
        %add3A_732 = arith.addi %mul3A_234, %add3A_731 : i32
        %get3A_733 = arith.index_cast %add3A_732 : i32 to index
        %get3A_734 = arith.constant 96 : index
        %get3A_735 = tpu.vector_load %arg7[%get3A_733, %get3A_734] {strides = array<i32>} : memref<400x128xf32, #tpu.memory_space<vmem>>, vector<1x16xf32>,
        %get3A_736 = vector.shape_cast %get3A_735 : vector<1x16xf32> to vector<16xf32>
        %add3A_737 = arith.constant 7 : i32
        %add3A_738 = arith.addi %mul3A_234, %add3A_737 : i32
        %get3A_739 = arith.index_cast %add3A_738 : i32 to index
        %get3A_740 = arith.constant 96 : index
        %get3A_741 = tpu.vector_load %arg7[%get3A_739, %get3A_740] {strides = array<i32>} : memref<400x128xf32, #tpu.memory_space<vmem>>, vector<1x16xf32>,
        %get3A_742 = vector.shape_cast %get3A_741 : vector<1x16xf32> to vector<16xf32>
        %add3A_743 = arith.constant 8 : i32
        %add3A_744 = arith.addi %mul3A_234, %add3A_743 : i32
        %get3A_745 = arith.index_cast %add3A_744 : i32 to index
        %get3A_746 = arith.constant 96 : index
        %get3A_747 = tpu.vector_load %arg7[%get3A_745, %get3A_746] {strides = array<i32>} : memref<400x128xf32, #tpu.memory_space<vmem>>, vector<1x16xf32>,
        %get3A_748 = vector.shape_cast %get3A_747 : vector<1x16xf32> to vector<16xf32>
        %add3A_749 = arith.constant 9 : i32
        %add3A_750 = arith.addi %mul3A_234, %add3A_749 : i32
        %get3A_751 = arith.index_cast %add3A_750 : i32 to index
        %get3A_752 = arith.constant 96 : index
        %get3A_753 = tpu.vector_load %arg7[%get3A_751, %get3A_752] {strides = array<i32>} : memref<400x128xf32, #tpu.memory_space<vmem>>, vector<1x16xf32>,
        %get3A_754 = vector.shape_cast %get3A_753 : vector<1x16xf32> to vector<16xf32>
        %add3A_755 = arith.addf %get3A_700, %get3A_706 : vector<16xf32>
        %add3A_756 = arith.addf %get3A_712, %get3A_718 : vector<16xf32>
        %add3A_757 = arith.addf %get3A_724, %get3A_730 : vector<16xf32>
        %add3A_758 = arith.addf %get3A_736, %get3A_742 : vector<16xf32>
        %add3A_759 = arith.addf %get3A_748, %get3A_754 : vector<16xf32>
        %add3A_760 = arith.addf %add3A_755, %add3A_756 : vector<16xf32>
        %add3A_761 = arith.addf %add3A_757, %add3A_758 : vector<16xf32>
        %add3A_762 = arith.addf %add3A_760, %add3A_761 : vector<16xf32>
        %add3A_763 = arith.addf %add3A_762, %add3A_759 : vector<16xf32>
        %mul3A_764 = arith.constant 1.000000e-01 : f32
        %mul3A_765 = vector.broadcast %mul3A_764 : f32 to vector<16xf32>
        %mul3A_766 = arith.mulf %add3A_763, %mul3A_765 : vector<16xf32>
        %swap3A_767 = arith.index_cast %scan3A_232 : i32 to index
        %swap3A_768 = arith.constant 96 : index
        %swap3A_769 = tpu.vector_load %arg9[%swap3A_767, %swap3A_768] {strides = array<i32>} : memref<40x128xf32, #tpu.memory_space<vmem>>, vector<1x16xf32>,
        %swap3A_770 = vector.shape_cast %swap3A_769 : vector<1x16xf32> to vector<16xf32>
        %swap3A_771 = vector.shape_cast %mul3A_766 : vector<16xf32> to vector<1x16xf32>
        tpu.vector_store %arg9[%swap3A_767, %swap3A_768], %swap3A_771 {strides = array<i32>} : memref<40x128xf32, #tpu.memory_space<vmem>>, vector<1x16xf32>,
        %add3A_772 = arith.constant 0 : i32
        %add3A_773 = arith.addi %mul3A_234, %add3A_772 : i32
        %get3A_774 = arith.index_cast %add3A_773 : i32 to index
        %get3A_775 = arith.constant 112 : index
        %get3A_776 = tpu.vector_load %arg7[%get3A_774, %get3A_775] {strides = array<i32>} : memref<400x128xf32, #tpu.memory_space<vmem>>, vector<1x16xf32>,
        %get3A_777 = vector.shape_cast %get3A_776 : vector<1x16xf32> to vector<16xf32>
        %add3A_778 = arith.constant 1 : i32
        %add3A_779 = arith.addi %mul3A_234, %add3A_778 : i32
        %get3A_780 = arith.index_cast %add3A_779 : i32 to index
        %get3A_781 = arith.constant 112 : index
        %get3A_782 = tpu.vector_load %arg7[%get3A_780, %get3A_781] {strides = array<i32>} : memref<400x128xf32, #tpu.memory_space<vmem>>, vector<1x16xf32>,
        %get3A_783 = vector.shape_cast %get3A_782 : vector<1x16xf32> to vector<16xf32>
        %add3A_784 = arith.constant 2 : i32
        %add3A_785 = arith.addi %mul3A_234, %add3A_784 : i32
        %get3A_786 = arith.index_cast %add3A_785 : i32 to index
        %get3A_787 = arith.constant 112 : index
        %get3A_788 = tpu.vector_load %arg7[%get3A_786, %get3A_787] {strides = array<i32>} : memref<400x128xf32, #tpu.memory_space<vmem>>, vector<1x16xf32>,
        %get3A_789 = vector.shape_cast %get3A_788 : vector<1x16xf32> to vector<16xf32>
        %add3A_790 = arith.constant 3 : i32
        %add3A_791 = arith.addi %mul3A_234, %add3A_790 : i32
        %get3A_792 = arith.index_cast %add3A_791 : i32 to index
        %get3A_793 = arith.constant 112 : index
        %get3A_794 = tpu.vector_load %arg7[%get3A_792, %get3A_793] {strides = array<i32>} : memref<400x128xf32, #tpu.memory_space<vmem>>, vector<1x16xf32>,
        %get3A_795 = vector.shape_cast %get3A_794 : vector<1x16xf32> to vector<16xf32>
        %add3A_796 = arith.constant 4 : i32
        %add3A_797 = arith.addi %mul3A_234, %add3A_796 : i32
        %get3A_798 = arith.index_cast %add3A_797 : i32 to index
        %get3A_799 = arith.constant 112 : index
        %get3A_800 = tpu.vector_load %arg7[%get3A_798, %get3A_799] {strides = array<i32>} : memref<400x128xf32, #tpu.memory_space<vmem>>, vector<1x16xf32>,
        %get3A_801 = vector.shape_cast %get3A_800 : vector<1x16xf32> to vector<16xf32>
        %add3A_802 = arith.constant 5 : i32
        %add3A_803 = arith.addi %mul3A_234, %add3A_802 : i32
        %get3A_804 = arith.index_cast %add3A_803 : i32 to index
        %get3A_805 = arith.constant 112 : index
        %get3A_806 = tpu.vector_load %arg7[%get3A_804, %get3A_805] {strides = array<i32>} : memref<400x128xf32, #tpu.memory_space<vmem>>, vector<1x16xf32>,
        %get3A_807 = vector.shape_cast %get3A_806 : vector<1x16xf32> to vector<16xf32>
        %add3A_808 = arith.constant 6 : i32
        %add3A_809 = arith.addi %mul3A_234, %add3A_808 : i32
        %get3A_810 = arith.index_cast %add3A_809 : i32 to index
        %get3A_811 = arith.constant 112 : index
        %get3A_812 = tpu.vector_load %arg7[%get3A_810, %get3A_811] {strides = array<i32>} : memref<400x128xf32, #tpu.memory_space<vmem>>, vector<1x16xf32>,
        %get3A_813 = vector.shape_cast %get3A_812 : vector<1x16xf32> to vector<16xf32>
        %add3A_814 = arith.constant 7 : i32
        %add3A_815 = arith.addi %mul3A_234, %add3A_814 : i32
        %get3A_816 = arith.index_cast %add3A_815 : i32 to index
        %get3A_817 = arith.constant 112 : index
        %get3A_818 = tpu.vector_load %arg7[%get3A_816, %get3A_817] {strides = array<i32>} : memref<400x128xf32, #tpu.memory_space<vmem>>, vector<1x16xf32>,
        %get3A_819 = vector.shape_cast %get3A_818 : vector<1x16xf32> to vector<16xf32>
        %add3A_820 = arith.constant 8 : i32
        %add3A_821 = arith.addi %mul3A_234, %add3A_820 : i32
        %get3A_822 = arith.index_cast %add3A_821 : i32 to index
        %get3A_823 = arith.constant 112 : index
        %get3A_824 = tpu.vector_load %arg7[%get3A_822, %get3A_823] {strides = array<i32>} : memref<400x128xf32, #tpu.memory_space<vmem>>, vector<1x16xf32>,
        %get3A_825 = vector.shape_cast %get3A_824 : vector<1x16xf32> to vector<16xf32>
        %add3A_826 = arith.constant 9 : i32
        %add3A_827 = arith.addi %mul3A_234, %add3A_826 : i32
        %get3A_828 = arith.index_cast %add3A_827 : i32 to index
        %get3A_829 = arith.constant 112 : index
        %get3A_830 = tpu.vector_load %arg7[%get3A_828, %get3A_829] {strides = array<i32>} : memref<400x128xf32, #tpu.memory_space<vmem>>, vector<1x16xf32>,
        %get3A_831 = vector.shape_cast %get3A_830 : vector<1x16xf32> to vector<16xf32>
        %add3A_832 = arith.addf %get3A_777, %get3A_783 : vector<16xf32>
        %add3A_833 = arith.addf %get3A_789, %get3A_795 : vector<16xf32>
        %add3A_834 = arith.addf %get3A_801, %get3A_807 : vector<16xf32>
        %add3A_835 = arith.addf %get3A_813, %get3A_819 : vector<16xf32>
        %add3A_836 = arith.addf %get3A_825, %get3A_831 : vector<16xf32>
        %add3A_837 = arith.addf %add3A_832, %add3A_833 : vector<16xf32>
        %add3A_838 = arith.addf %add3A_834, %add3A_835 : vector<16xf32>
        %add3A_839 = arith.addf %add3A_837, %add3A_838 : vector<16xf32>
        %add3A_840 = arith.addf %add3A_839, %add3A_836 : vector<16xf32>
        %mul3A_841 = arith.constant 1.000000e-01 : f32
        %mul3A_842 = vector.broadcast %mul3A_841 : f32 to vector<16xf32>
        %mul3A_843 = arith.mulf %add3A_840, %mul3A_842 : vector<16xf32>
        %swap3A_844 = arith.index_cast %scan3A_232 : i32 to index
        %swap3A_845 = arith.constant 112 : index
        %swap3A_846 = tpu.vector_load %arg9[%swap3A_844, %swap3A_845] {strides = array<i32>} : memref<40x128xf32, #tpu.memory_space<vmem>>, vector<1x16xf32>,
        %swap3A_847 = vector.shape_cast %swap3A_846 : vector<1x16xf32> to vector<16xf32>
        %swap3A_848 = vector.shape_cast %mul3A_843 : vector<16xf32> to vector<1x16xf32>
        tpu.vector_store %arg9[%swap3A_844, %swap3A_845], %swap3A_848 {strides = array<i32>} : memref<40x128xf32, #tpu.memory_space<vmem>>, vector<1x16xf32>,
      }
      %scan3A_180 = arith.constant 40 : i32
      %add3A_181 = arith.addi %select_n3A_12, %mul3A_161 : i32
      %mul3A_182 = arith.constant 40 : i32
      %mul3A_183 = arith.muli %add3A_181, %mul3A_182 : i32
      %dma_start3A_184 = arith.constant 0 : i32
      %dma_start3A_185 = tpu.memref_slice %arg4[%mul3A_183, %dma_start3A_184] : memref<50000x128xf32, #tpu.memory_space<hbm>> -> memref<40x128xf32, #tpu.memory_space<hbm>>
      %dma_start3A_186 = arith.constant 0 : i32
      %dma_start3A_187 = tpu.memref_slice %arg4[%mul3A_183, %dma_start3A_186] : memref<50000x128xf32, #tpu.memory_space<hbm>> -> memref<40x128xf32, #tpu.memory_space<hbm>>
      tpu.enqueue_dma source(%arg9 : memref<40x128xf32, #tpu.memory_space<vmem>>) target(%dma_start3A_187 : memref<40x128xf32, #tpu.memory_space<hbm>>) target_semaphore(%arg15 : memref<!tpu.dma_semaphore, #tpu.memory_space<semaphore_mem>>)
      %add3A_188 = arith.constant 2 : i32
      %add3A_189 = arith.addi %mul3A_161, %add3A_188 : i32
      %lt3A_190 = arith.cmpi slt, %add3A_189, %select_n3A : i32
      %convert_element_type3A_191 = arith.extui %lt3A_190 : i1 to i32
      %cond3A_192 = arith.constant 0 : i32
      %cond3A_193 = arith.cmpi ne, %convert_element_type3A_191, %cond3A_192 : i32
      scf.if %cond3A_193 {
        %dma_wait3A_232 = arith.constant 0 : i32
        %dma_wait3A_233 = arith.constant 0 : i32
        %dma_wait3A_234 = tpu.memref_slice %arg3[%dma_wait3A_232, %dma_wait3A_233] : memref<5000x100xi32, #tpu.memory_space<hbm>> -> memref<4x100xi32, #tpu.memory_space<hbm>>
        %dma_wait3A_235 = arith.constant 0 : i32
        %dma_wait3A_236 = arith.constant 0 : i32
        %dma_wait3A_237 = tpu.memref_slice %arg3[%dma_wait3A_235, %dma_wait3A_236] : memref<5000x100xi32, #tpu.memory_space<hbm>> -> memref<4x100xi32, #tpu.memory_space<hbm>>
        tpu.wait_dma2 semaphore(%arg11 : memref<!tpu.dma_semaphore, #tpu.memory_space<semaphore_mem>>) src(%dma_wait3A_237 : memref<4x100xi32, #tpu.memory_space<hbm>>) dst(%arg5 : memref<4x100xi32, #tpu.memory_space<vmem>>)
        %dma_start3A_238 = arith.constant 0 : i32
        %dma_start3A_239 = arith.constant 0 : i32
        %dma_start3A_240 = arith.constant 0 : i32
        %dma_start3A_241 = tpu.memref_slice %arg7[%dma_start3A_239, %dma_start3A_240] : memref<400x128xf32, #tpu.memory_space<vmem>> -> memref<100x128xf32, #tpu.memory_space<vmem>>
        %dma_start3A_242 = arith.constant 0 : i32
        %dma_start3A_243 = tpu.memref_slice %arg5[%dma_start3A_238, %dma_start3A_242] : memref<4x100xi32, #tpu.memory_space<vmem>> -> memref<1x100xi32, #tpu.memory_space<vmem>>
        %dma_start3A_244 = tpu.memref_squeeze %dma_start3A_243 : memref<1x100xi32, #tpu.memory_space<vmem>> -> memref<100xi32, #tpu.memory_space<vmem>>
        %dma_start3A_245 = arith.constant 0 : i32
        %dma_start3A_246 = arith.constant 0 : i32
        %dma_start3A_247 = tpu.memref_slice %arg2[%dma_start3A_245, %dma_start3A_246] : memref<50000x128xf32, #tpu.memory_space<hbm>> -> memref<50000x128xf32, #tpu.memory_space<hbm>>
        tpu.enqueue_indirect_dma source(%dma_start3A_247 : memref<50000x128xf32, #tpu.memory_space<hbm>>) target(%dma_start3A_241 : memref<100x128xf32, #tpu.memory_space<vmem>>) offsets(%dma_start3A_244 : memref<100xi32, #tpu.memory_space<vmem>>) semaphore(%arg13 : memref<!tpu.dma_semaphore, #tpu.memory_space<semaphore_mem>>)
        %dma_start3A_248 = arith.constant 1 : i32
        %dma_start3A_249 = arith.constant 100 : i32
        %dma_start3A_250 = arith.constant 0 : i32
        %dma_start3A_251 = tpu.memref_slice %arg7[%dma_start3A_249, %dma_start3A_250] : memref<400x128xf32, #tpu.memory_space<vmem>> -> memref<100x128xf32, #tpu.memory_space<vmem>>
        %dma_start3A_252 = arith.constant 0 : i32
        %dma_start3A_253 = tpu.memref_slice %arg5[%dma_start3A_248, %dma_start3A_252] : memref<4x100xi32, #tpu.memory_space<vmem>> -> memref<1x100xi32, #tpu.memory_space<vmem>>
        %dma_start3A_254 = tpu.memref_squeeze %dma_start3A_253 : memref<1x100xi32, #tpu.memory_space<vmem>> -> memref<100xi32, #tpu.memory_space<vmem>>
        %dma_start3A_255 = arith.constant 0 : i32
        %dma_start3A_256 = arith.constant 0 : i32
        %dma_start3A_257 = tpu.memref_slice %arg2[%dma_start3A_255, %dma_start3A_256] : memref<50000x128xf32, #tpu.memory_space<hbm>> -> memref<50000x128xf32, #tpu.memory_space<hbm>>
        tpu.enqueue_indirect_dma source(%dma_start3A_257 : memref<50000x128xf32, #tpu.memory_space<hbm>>) target(%dma_start3A_251 : memref<100x128xf32, #tpu.memory_space<vmem>>) offsets(%dma_start3A_254 : memref<100xi32, #tpu.memory_space<vmem>>) semaphore(%arg13 : memref<!tpu.dma_semaphore, #tpu.memory_space<semaphore_mem>>)
        %dma_start3A_258 = arith.constant 2 : i32
        %dma_start3A_259 = arith.constant 200 : i32
        %dma_start3A_260 = arith.constant 0 : i32
        %dma_start3A_261 = tpu.memref_slice %arg7[%dma_start3A_259, %dma_start3A_260] : memref<400x128xf32, #tpu.memory_space<vmem>> -> memref<100x128xf32, #tpu.memory_space<vmem>>
        %dma_start3A_262 = arith.constant 0 : i32
        %dma_start3A_263 = tpu.memref_slice %arg5[%dma_start3A_258, %dma_start3A_262] : memref<4x100xi32, #tpu.memory_space<vmem>> -> memref<1x100xi32, #tpu.memory_space<vmem>>
        %dma_start3A_264 = tpu.memref_squeeze %dma_start3A_263 : memref<1x100xi32, #tpu.memory_space<vmem>> -> memref<100xi32, #tpu.memory_space<vmem>>
        %dma_start3A_265 = arith.constant 0 : i32
        %dma_start3A_266 = arith.constant 0 : i32
        %dma_start3A_267 = tpu.memref_slice %arg2[%dma_start3A_265, %dma_start3A_266] : memref<50000x128xf32, #tpu.memory_space<hbm>> -> memref<50000x128xf32, #tpu.memory_space<hbm>>
        tpu.enqueue_indirect_dma source(%dma_start3A_267 : memref<50000x128xf32, #tpu.memory_space<hbm>>) target(%dma_start3A_261 : memref<100x128xf32, #tpu.memory_space<vmem>>) offsets(%dma_start3A_264 : memref<100xi32, #tpu.memory_space<vmem>>) semaphore(%arg13 : memref<!tpu.dma_semaphore, #tpu.memory_space<semaphore_mem>>)
        %dma_start3A_268 = arith.constant 3 : i32
        %dma_start3A_269 = arith.constant 300 : i32
        %dma_start3A_270 = arith.constant 0 : i32
        %dma_start3A_271 = tpu.memref_slice %arg7[%dma_start3A_269, %dma_start3A_270] : memref<400x128xf32, #tpu.memory_space<vmem>> -> memref<100x128xf32, #tpu.memory_space<vmem>>
        %dma_start3A_272 = arith.constant 0 : i32
        %dma_start3A_273 = tpu.memref_slice %arg5[%dma_start3A_268, %dma_start3A_272] : memref<4x100xi32, #tpu.memory_space<vmem>> -> memref<1x100xi32, #tpu.memory_space<vmem>>
        %dma_start3A_274 = tpu.memref_squeeze %dma_start3A_273 : memref<1x100xi32, #tpu.memory_space<vmem>> -> memref<100xi32, #tpu.memory_space<vmem>>
        %dma_start3A_275 = arith.constant 0 : i32
        %dma_start3A_276 = arith.constant 0 : i32
        %dma_start3A_277 = tpu.memref_slice %arg2[%dma_start3A_275, %dma_start3A_276] : memref<50000x128xf32, #tpu.memory_space<hbm>> -> memref<50000x128xf32, #tpu.memory_space<hbm>>
        tpu.enqueue_indirect_dma source(%dma_start3A_277 : memref<50000x128xf32, #tpu.memory_space<hbm>>) target(%dma_start3A_271 : memref<100x128xf32, #tpu.memory_space<vmem>>) offsets(%dma_start3A_274 : memref<100xi32, #tpu.memory_space<vmem>>) semaphore(%arg13 : memref<!tpu.dma_semaphore, #tpu.memory_space<semaphore_mem>>)
      } else {
      }
      %dma_wait3A_194 = arith.constant 0 : i32
      %dma_wait3A_195 = arith.constant 0 : i32
      %dma_wait3A_196 = tpu.memref_slice %arg2[%dma_wait3A_194, %dma_wait3A_195] : memref<50000x128xf32, #tpu.memory_space<hbm>> -> memref<400x128xf32, #tpu.memory_space<hbm>>
      %dma_wait3A_197 = arith.constant 0 : i32
      %dma_wait3A_198 = arith.constant 0 : i32
      %dma_wait3A_199 = tpu.memref_slice %arg2[%dma_wait3A_197, %dma_wait3A_198] : memref<50000x128xf32, #tpu.memory_space<hbm>> -> memref<400x128xf32, #tpu.memory_space<hbm>>
      tpu.wait_dma2 semaphore(%arg14 : memref<!tpu.dma_semaphore, #tpu.memory_space<semaphore_mem>>) src(%dma_wait3A_199 : memref<400x128xf32, #tpu.memory_space<hbm>>) dst(%arg8 : memref<400x128xf32, #tpu.memory_space<vmem>>)
      %add3A_200 = arith.constant 3 : i32
      %add3A_201 = arith.addi %mul3A_161, %add3A_200 : i32
      %lt3A_202 = arith.cmpi slt, %add3A_201, %select_n3A : i32
      %convert_element_type3A_203 = arith.extui %lt3A_202 : i1 to i32
      %cond3A_204 = arith.constant 0 : i32
      %cond3A_205 = arith.cmpi ne, %convert_element_type3A_203, %cond3A_204 : i32
      scf.if %cond3A_205 {
        %add3A_232 = arith.constant 3 : i32
        %add3A_233 = arith.addi %mul3A_161, %add3A_232 : i32
        %add3A_234 = arith.addi %select_n3A_12, %add3A_233 : i32
        %mul3A_235 = arith.constant 4 : i32
        %mul3A_236 = arith.muli %add3A_234, %mul3A_235 : i32
        %dma_start3A_237 = arith.constant 0 : i32
        %dma_start3A_238 = tpu.memref_slice %arg3[%mul3A_236, %dma_start3A_237] : memref<5000x100xi32, #tpu.memory_space<hbm>> -> memref<4x100xi32, #tpu.memory_space<hbm>>
        %dma_start3A_239 = arith.constant 0 : i32
        %dma_start3A_240 = tpu.memref_slice %arg3[%mul3A_236, %dma_start3A_239] : memref<5000x100xi32, #tpu.memory_space<hbm>> -> memref<4x100xi32, #tpu.memory_space<hbm>>
        tpu.enqueue_dma source(%dma_start3A_240 : memref<4x100xi32, #tpu.memory_space<hbm>>) target(%arg6 : memref<4x100xi32, #tpu.memory_space<vmem>>) target_semaphore(%arg12 : memref<!tpu.dma_semaphore, #tpu.memory_space<semaphore_mem>>)
      } else {
      }
      %gt3A_206 = arith.constant 0 : i32
      %gt3A_207 = arith.cmpi sgt, %while3A_159, %gt3A_206 : i32
      %convert_element_type3A_208 = arith.extui %gt3A_207 : i1 to i32
      %cond3A_209 = arith.constant 0 : i32
      %cond3A_210 = arith.cmpi ne, %convert_element_type3A_208, %cond3A_209 : i32
      scf.if %cond3A_210 {
        %dma_wait3A_232 = arith.constant 0 : i32
        %dma_wait3A_233 = arith.constant 0 : i32
        %dma_wait3A_234 = tpu.memref_slice %arg4[%dma_wait3A_232, %dma_wait3A_233] : memref<50000x128xf32, #tpu.memory_space<hbm>> -> memref<40x128xf32, #tpu.memory_space<hbm>>
        %dma_wait3A_235 = arith.constant 0 : i32
        %dma_wait3A_236 = arith.constant 0 : i32
        %dma_wait3A_237 = tpu.memref_slice %arg4[%dma_wait3A_235, %dma_wait3A_236] : memref<50000x128xf32, #tpu.memory_space<hbm>> -> memref<40x128xf32, #tpu.memory_space<hbm>>
        tpu.wait_dma2 semaphore(%arg16 : memref<!tpu.dma_semaphore, #tpu.memory_space<semaphore_mem>>) src(%arg10 : memref<40x128xf32, #tpu.memory_space<vmem>>) dst(%dma_wait3A_237 : memref<40x128xf32, #tpu.memory_space<hbm>>)
      } else {
      }
      %scan3A_211 = arith.constant 0 : i32
      %scan3A_212 = arith.constant 0 : i32
      %scan3A_213 = arith.constant 40 : i32
      %scan3A_214 = arith.addi %scan3A_212, %scan3A_213 : i32
      %scan3A_215 = arith.constant 1 : i32
      scf.for %scan3A_232 = %scan3A_212 to %scan3A_214 step %scan3A_215  : i32 {
        %mul3A_233 = arith.constant 10 : i32
        %mul3A_234 = arith.muli %scan3A_232, %mul3A_233 : i32
        %add3A_235 = arith.constant 0 : i32
        %add3A_236 = arith.addi %mul3A_234, %add3A_235 : i32
        %get3A = arith.index_cast %add3A_236 : i32 to index
        %get3A_237 = arith.constant 0 : index
        %get3A_238 = tpu.vector_load %arg8[%get3A, %get3A_237] {strides = array<i32>} : memref<400x128xf32, #tpu.memory_space<vmem>>, vector<1x16xf32>,
        %get3A_239 = vector.shape_cast %get3A_238 : vector<1x16xf32> to vector<16xf32>
        %add3A_240 = arith.constant 1 : i32
        %add3A_241 = arith.addi %mul3A_234, %add3A_240 : i32
        %get3A_242 = arith.index_cast %add3A_241 : i32 to index
        %get3A_243 = arith.constant 0 : index
        %get3A_244 = tpu.vector_load %arg8[%get3A_242, %get3A_243] {strides = array<i32>} : memref<400x128xf32, #tpu.memory_space<vmem>>, vector<1x16xf32>,
        %get3A_245 = vector.shape_cast %get3A_244 : vector<1x16xf32> to vector<16xf32>
        %add3A_246 = arith.constant 2 : i32
        %add3A_247 = arith.addi %mul3A_234, %add3A_246 : i32
        %get3A_248 = arith.index_cast %add3A_247 : i32 to index
        %get3A_249 = arith.constant 0 : index
        %get3A_250 = tpu.vector_load %arg8[%get3A_248, %get3A_249] {strides = array<i32>} : memref<400x128xf32, #tpu.memory_space<vmem>>, vector<1x16xf32>,
        %get3A_251 = vector.shape_cast %get3A_250 : vector<1x16xf32> to vector<16xf32>
        %add3A_252 = arith.constant 3 : i32
        %add3A_253 = arith.addi %mul3A_234, %add3A_252 : i32
        %get3A_254 = arith.index_cast %add3A_253 : i32 to index
        %get3A_255 = arith.constant 0 : index
        %get3A_256 = tpu.vector_load %arg8[%get3A_254, %get3A_255] {strides = array<i32>} : memref<400x128xf32, #tpu.memory_space<vmem>>, vector<1x16xf32>,
        %get3A_257 = vector.shape_cast %get3A_256 : vector<1x16xf32> to vector<16xf32>
        %add3A_258 = arith.constant 4 : i32
        %add3A_259 = arith.addi %mul3A_234, %add3A_258 : i32
        %get3A_260 = arith.index_cast %add3A_259 : i32 to index
        %get3A_261 = arith.constant 0 : index
        %get3A_262 = tpu.vector_load %arg8[%get3A_260, %get3A_261] {strides = array<i32>} : memref<400x128xf32, #tpu.memory_space<vmem>>, vector<1x16xf32>,
        %get3A_263 = vector.shape_cast %get3A_262 : vector<1x16xf32> to vector<16xf32>
        %add3A_264 = arith.constant 5 : i32
        %add3A_265 = arith.addi %mul3A_234, %add3A_264 : i32
        %get3A_266 = arith.index_cast %add3A_265 : i32 to index
        %get3A_267 = arith.constant 0 : index
        %get3A_268 = tpu.vector_load %arg8[%get3A_266, %get3A_267] {strides = array<i32>} : memref<400x128xf32, #tpu.memory_space<vmem>>, vector<1x16xf32>,
        %get3A_269 = vector.shape_cast %get3A_268 : vector<1x16xf32> to vector<16xf32>
        %add3A_270 = arith.constant 6 : i32
        %add3A_271 = arith.addi %mul3A_234, %add3A_270 : i32
        %get3A_272 = arith.index_cast %add3A_271 : i32 to index
        %get3A_273 = arith.constant 0 : index
        %get3A_274 = tpu.vector_load %arg8[%get3A_272, %get3A_273] {strides = array<i32>} : memref<400x128xf32, #tpu.memory_space<vmem>>, vector<1x16xf32>,
        %get3A_275 = vector.shape_cast %get3A_274 : vector<1x16xf32> to vector<16xf32>
        %add3A_276 = arith.constant 7 : i32
        %add3A_277 = arith.addi %mul3A_234, %add3A_276 : i32
        %get3A_278 = arith.index_cast %add3A_277 : i32 to index
        %get3A_279 = arith.constant 0 : index
        %get3A_280 = tpu.vector_load %arg8[%get3A_278, %get3A_279] {strides = array<i32>} : memref<400x128xf32, #tpu.memory_space<vmem>>, vector<1x16xf32>,
        %get3A_281 = vector.shape_cast %get3A_280 : vector<1x16xf32> to vector<16xf32>
        %add3A_282 = arith.constant 8 : i32
        %add3A_283 = arith.addi %mul3A_234, %add3A_282 : i32
        %get3A_284 = arith.index_cast %add3A_283 : i32 to index
        %get3A_285 = arith.constant 0 : index
        %get3A_286 = tpu.vector_load %arg8[%get3A_284, %get3A_285] {strides = array<i32>} : memref<400x128xf32, #tpu.memory_space<vmem>>, vector<1x16xf32>,
        %get3A_287 = vector.shape_cast %get3A_286 : vector<1x16xf32> to vector<16xf32>
        %add3A_288 = arith.constant 9 : i32
        %add3A_289 = arith.addi %mul3A_234, %add3A_288 : i32
        %get3A_290 = arith.index_cast %add3A_289 : i32 to index
        %get3A_291 = arith.constant 0 : index
        %get3A_292 = tpu.vector_load %arg8[%get3A_290, %get3A_291] {strides = array<i32>} : memref<400x128xf32, #tpu.memory_space<vmem>>, vector<1x16xf32>,
        %get3A_293 = vector.shape_cast %get3A_292 : vector<1x16xf32> to vector<16xf32>
        %add3A_294 = arith.addf %get3A_239, %get3A_245 : vector<16xf32>
        %add3A_295 = arith.addf %get3A_251, %get3A_257 : vector<16xf32>
        %add3A_296 = arith.addf %get3A_263, %get3A_269 : vector<16xf32>
        %add3A_297 = arith.addf %get3A_275, %get3A_281 : vector<16xf32>
        %add3A_298 = arith.addf %get3A_287, %get3A_293 : vector<16xf32>
        %add3A_299 = arith.addf %add3A_294, %add3A_295 : vector<16xf32>
        %add3A_300 = arith.addf %add3A_296, %add3A_297 : vector<16xf32>
        %add3A_301 = arith.addf %add3A_299, %add3A_300 : vector<16xf32>
        %add3A_302 = arith.addf %add3A_301, %add3A_298 : vector<16xf32>
        %mul3A_303 = arith.constant 1.000000e-01 : f32
        %mul3A_304 = vector.broadcast %mul3A_303 : f32 to vector<16xf32>
        %mul3A_305 = arith.mulf %add3A_302, %mul3A_304 : vector<16xf32>
        %swap3A = arith.index_cast %scan3A_232 : i32 to index
        %swap3A_306 = arith.constant 0 : index
        %swap3A_307 = tpu.vector_load %arg10[%swap3A, %swap3A_306] {strides = array<i32>} : memref<40x128xf32, #tpu.memory_space<vmem>>, vector<1x16xf32>,
        %swap3A_308 = vector.shape_cast %swap3A_307 : vector<1x16xf32> to vector<16xf32>
        %swap3A_309 = vector.shape_cast %mul3A_305 : vector<16xf32> to vector<1x16xf32>
        tpu.vector_store %arg10[%swap3A, %swap3A_306], %swap3A_309 {strides = array<i32>} : memref<40x128xf32, #tpu.memory_space<vmem>>, vector<1x16xf32>,
        %add3A_310 = arith.constant 0 : i32
        %add3A_311 = arith.addi %mul3A_234, %add3A_310 : i32
        %get3A_312 = arith.index_cast %add3A_311 : i32 to index
        %get3A_313 = arith.constant 16 : index
        %get3A_314 = tpu.vector_load %arg8[%get3A_312, %get3A_313] {strides = array<i32>} : memref<400x128xf32, #tpu.memory_space<vmem>>, vector<1x16xf32>,
        %get3A_315 = vector.shape_cast %get3A_314 : vector<1x16xf32> to vector<16xf32>
        %add3A_316 = arith.constant 1 : i32
        %add3A_317 = arith.addi %mul3A_234, %add3A_316 : i32
        %get3A_318 = arith.index_cast %add3A_317 : i32 to index
        %get3A_319 = arith.constant 16 : index
        %get3A_320 = tpu.vector_load %arg8[%get3A_318, %get3A_319] {strides = array<i32>} : memref<400x128xf32, #tpu.memory_space<vmem>>, vector<1x16xf32>,
        %get3A_321 = vector.shape_cast %get3A_320 : vector<1x16xf32> to vector<16xf32>
        %add3A_322 = arith.constant 2 : i32
        %add3A_323 = arith.addi %mul3A_234, %add3A_322 : i32
        %get3A_324 = arith.index_cast %add3A_323 : i32 to index
        %get3A_325 = arith.constant 16 : index
        %get3A_326 = tpu.vector_load %arg8[%get3A_324, %get3A_325] {strides = array<i32>} : memref<400x128xf32, #tpu.memory_space<vmem>>, vector<1x16xf32>,
        %get3A_327 = vector.shape_cast %get3A_326 : vector<1x16xf32> to vector<16xf32>
        %add3A_328 = arith.constant 3 : i32
        %add3A_329 = arith.addi %mul3A_234, %add3A_328 : i32
        %get3A_330 = arith.index_cast %add3A_329 : i32 to index
        %get3A_331 = arith.constant 16 : index
        %get3A_332 = tpu.vector_load %arg8[%get3A_330, %get3A_331] {strides = array<i32>} : memref<400x128xf32, #tpu.memory_space<vmem>>, vector<1x16xf32>,
        %get3A_333 = vector.shape_cast %get3A_332 : vector<1x16xf32> to vector<16xf32>
        %add3A_334 = arith.constant 4 : i32
        %add3A_335 = arith.addi %mul3A_234, %add3A_334 : i32
        %get3A_336 = arith.index_cast %add3A_335 : i32 to index
        %get3A_337 = arith.constant 16 : index
        %get3A_338 = tpu.vector_load %arg8[%get3A_336, %get3A_337] {strides = array<i32>} : memref<400x128xf32, #tpu.memory_space<vmem>>, vector<1x16xf32>,
        %get3A_339 = vector.shape_cast %get3A_338 : vector<1x16xf32> to vector<16xf32>
        %add3A_340 = arith.constant 5 : i32
        %add3A_341 = arith.addi %mul3A_234, %add3A_340 : i32
        %get3A_342 = arith.index_cast %add3A_341 : i32 to index
        %get3A_343 = arith.constant 16 : index
        %get3A_344 = tpu.vector_load %arg8[%get3A_342, %get3A_343] {strides = array<i32>} : memref<400x128xf32, #tpu.memory_space<vmem>>, vector<1x16xf32>,
        %get3A_345 = vector.shape_cast %get3A_344 : vector<1x16xf32> to vector<16xf32>
        %add3A_346 = arith.constant 6 : i32
        %add3A_347 = arith.addi %mul3A_234, %add3A_346 : i32
        %get3A_348 = arith.index_cast %add3A_347 : i32 to index
        %get3A_349 = arith.constant 16 : index
        %get3A_350 = tpu.vector_load %arg8[%get3A_348, %get3A_349] {strides = array<i32>} : memref<400x128xf32, #tpu.memory_space<vmem>>, vector<1x16xf32>,
        %get3A_351 = vector.shape_cast %get3A_350 : vector<1x16xf32> to vector<16xf32>
        %add3A_352 = arith.constant 7 : i32
        %add3A_353 = arith.addi %mul3A_234, %add3A_352 : i32
        %get3A_354 = arith.index_cast %add3A_353 : i32 to index
        %get3A_355 = arith.constant 16 : index
        %get3A_356 = tpu.vector_load %arg8[%get3A_354, %get3A_355] {strides = array<i32>} : memref<400x128xf32, #tpu.memory_space<vmem>>, vector<1x16xf32>,
        %get3A_357 = vector.shape_cast %get3A_356 : vector<1x16xf32> to vector<16xf32>
        %add3A_358 = arith.constant 8 : i32
        %add3A_359 = arith.addi %mul3A_234, %add3A_358 : i32
        %get3A_360 = arith.index_cast %add3A_359 : i32 to index
        %get3A_361 = arith.constant 16 : index
        %get3A_362 = tpu.vector_load %arg8[%get3A_360, %get3A_361] {strides = array<i32>} : memref<400x128xf32, #tpu.memory_space<vmem>>, vector<1x16xf32>,
        %get3A_363 = vector.shape_cast %get3A_362 : vector<1x16xf32> to vector<16xf32>
        %add3A_364 = arith.constant 9 : i32
        %add3A_365 = arith.addi %mul3A_234, %add3A_364 : i32
        %get3A_366 = arith.index_cast %add3A_365 : i32 to index
        %get3A_367 = arith.constant 16 : index
        %get3A_368 = tpu.vector_load %arg8[%get3A_366, %get3A_367] {strides = array<i32>} : memref<400x128xf32, #tpu.memory_space<vmem>>, vector<1x16xf32>,
        %get3A_369 = vector.shape_cast %get3A_368 : vector<1x16xf32> to vector<16xf32>
        %add3A_370 = arith.addf %get3A_315, %get3A_321 : vector<16xf32>
        %add3A_371 = arith.addf %get3A_327, %get3A_333 : vector<16xf32>
        %add3A_372 = arith.addf %get3A_339, %get3A_345 : vector<16xf32>
        %add3A_373 = arith.addf %get3A_351, %get3A_357 : vector<16xf32>
        %add3A_374 = arith.addf %get3A_363, %get3A_369 : vector<16xf32>
        %add3A_375 = arith.addf %add3A_370, %add3A_371 : vector<16xf32>
        %add3A_376 = arith.addf %add3A_372, %add3A_373 : vector<16xf32>
        %add3A_377 = arith.addf %add3A_375, %add3A_376 : vector<16xf32>
        %add3A_378 = arith.addf %add3A_377, %add3A_374 : vector<16xf32>
        %mul3A_379 = arith.constant 1.000000e-01 : f32
        %mul3A_380 = vector.broadcast %mul3A_379 : f32 to vector<16xf32>
        %mul3A_381 = arith.mulf %add3A_378, %mul3A_380 : vector<16xf32>
        %swap3A_382 = arith.index_cast %scan3A_232 : i32 to index
        %swap3A_383 = arith.constant 16 : index
        %swap3A_384 = tpu.vector_load %arg10[%swap3A_382, %swap3A_383] {strides = array<i32>} : memref<40x128xf32, #tpu.memory_space<vmem>>, vector<1x16xf32>,
        %swap3A_385 = vector.shape_cast %swap3A_384 : vector<1x16xf32> to vector<16xf32>
        %swap3A_386 = vector.shape_cast %mul3A_381 : vector<16xf32> to vector<1x16xf32>
        tpu.vector_store %arg10[%swap3A_382, %swap3A_383], %swap3A_386 {strides = array<i32>} : memref<40x128xf32, #tpu.memory_space<vmem>>, vector<1x16xf32>,
        %add3A_387 = arith.constant 0 : i32
        %add3A_388 = arith.addi %mul3A_234, %add3A_387 : i32
        %get3A_389 = arith.index_cast %add3A_388 : i32 to index
        %get3A_390 = arith.constant 32 : index
        %get3A_391 = tpu.vector_load %arg8[%get3A_389, %get3A_390] {strides = array<i32>} : memref<400x128xf32, #tpu.memory_space<vmem>>, vector<1x16xf32>,
        %get3A_392 = vector.shape_cast %get3A_391 : vector<1x16xf32> to vector<16xf32>
        %add3A_393 = arith.constant 1 : i32
        %add3A_394 = arith.addi %mul3A_234, %add3A_393 : i32
        %get3A_395 = arith.index_cast %add3A_394 : i32 to index
        %get3A_396 = arith.constant 32 : index
        %get3A_397 = tpu.vector_load %arg8[%get3A_395, %get3A_396] {strides = array<i32>} : memref<400x128xf32, #tpu.memory_space<vmem>>, vector<1x16xf32>,
        %get3A_398 = vector.shape_cast %get3A_397 : vector<1x16xf32> to vector<16xf32>
        %add3A_399 = arith.constant 2 : i32
        %add3A_400 = arith.addi %mul3A_234, %add3A_399 : i32
        %get3A_401 = arith.index_cast %add3A_400 : i32 to index
        %get3A_402 = arith.constant 32 : index
        %get3A_403 = tpu.vector_load %arg8[%get3A_401, %get3A_402] {strides = array<i32>} : memref<400x128xf32, #tpu.memory_space<vmem>>, vector<1x16xf32>,
        %get3A_404 = vector.shape_cast %get3A_403 : vector<1x16xf32> to vector<16xf32>
        %add3A_405 = arith.constant 3 : i32
        %add3A_406 = arith.addi %mul3A_234, %add3A_405 : i32
        %get3A_407 = arith.index_cast %add3A_406 : i32 to index
        %get3A_408 = arith.constant 32 : index
        %get3A_409 = tpu.vector_load %arg8[%get3A_407, %get3A_408] {strides = array<i32>} : memref<400x128xf32, #tpu.memory_space<vmem>>, vector<1x16xf32>,
        %get3A_410 = vector.shape_cast %get3A_409 : vector<1x16xf32> to vector<16xf32>
        %add3A_411 = arith.constant 4 : i32
        %add3A_412 = arith.addi %mul3A_234, %add3A_411 : i32
        %get3A_413 = arith.index_cast %add3A_412 : i32 to index
        %get3A_414 = arith.constant 32 : index
        %get3A_415 = tpu.vector_load %arg8[%get3A_413, %get3A_414] {strides = array<i32>} : memref<400x128xf32, #tpu.memory_space<vmem>>, vector<1x16xf32>,
        %get3A_416 = vector.shape_cast %get3A_415 : vector<1x16xf32> to vector<16xf32>
        %add3A_417 = arith.constant 5 : i32
        %add3A_418 = arith.addi %mul3A_234, %add3A_417 : i32
        %get3A_419 = arith.index_cast %add3A_418 : i32 to index
        %get3A_420 = arith.constant 32 : index
        %get3A_421 = tpu.vector_load %arg8[%get3A_419, %get3A_420] {strides = array<i32>} : memref<400x128xf32, #tpu.memory_space<vmem>>, vector<1x16xf32>,
        %get3A_422 = vector.shape_cast %get3A_421 : vector<1x16xf32> to vector<16xf32>
        %add3A_423 = arith.constant 6 : i32
        %add3A_424 = arith.addi %mul3A_234, %add3A_423 : i32
        %get3A_425 = arith.index_cast %add3A_424 : i32 to index
        %get3A_426 = arith.constant 32 : index
        %get3A_427 = tpu.vector_load %arg8[%get3A_425, %get3A_426] {strides = array<i32>} : memref<400x128xf32, #tpu.memory_space<vmem>>, vector<1x16xf32>,
        %get3A_428 = vector.shape_cast %get3A_427 : vector<1x16xf32> to vector<16xf32>
        %add3A_429 = arith.constant 7 : i32
        %add3A_430 = arith.addi %mul3A_234, %add3A_429 : i32
        %get3A_431 = arith.index_cast %add3A_430 : i32 to index
        %get3A_432 = arith.constant 32 : index
        %get3A_433 = tpu.vector_load %arg8[%get3A_431, %get3A_432] {strides = array<i32>} : memref<400x128xf32, #tpu.memory_space<vmem>>, vector<1x16xf32>,
        %get3A_434 = vector.shape_cast %get3A_433 : vector<1x16xf32> to vector<16xf32>
        %add3A_435 = arith.constant 8 : i32
        %add3A_436 = arith.addi %mul3A_234, %add3A_435 : i32
        %get3A_437 = arith.index_cast %add3A_436 : i32 to index
        %get3A_438 = arith.constant 32 : index
        %get3A_439 = tpu.vector_load %arg8[%get3A_437, %get3A_438] {strides = array<i32>} : memref<400x128xf32, #tpu.memory_space<vmem>>, vector<1x16xf32>,
        %get3A_440 = vector.shape_cast %get3A_439 : vector<1x16xf32> to vector<16xf32>
        %add3A_441 = arith.constant 9 : i32
        %add3A_442 = arith.addi %mul3A_234, %add3A_441 : i32
        %get3A_443 = arith.index_cast %add3A_442 : i32 to index
        %get3A_444 = arith.constant 32 : index
        %get3A_445 = tpu.vector_load %arg8[%get3A_443, %get3A_444] {strides = array<i32>} : memref<400x128xf32, #tpu.memory_space<vmem>>, vector<1x16xf32>,
        %get3A_446 = vector.shape_cast %get3A_445 : vector<1x16xf32> to vector<16xf32>
        %add3A_447 = arith.addf %get3A_392, %get3A_398 : vector<16xf32>
        %add3A_448 = arith.addf %get3A_404, %get3A_410 : vector<16xf32>
        %add3A_449 = arith.addf %get3A_416, %get3A_422 : vector<16xf32>
        %add3A_450 = arith.addf %get3A_428, %get3A_434 : vector<16xf32>
        %add3A_451 = arith.addf %get3A_440, %get3A_446 : vector<16xf32>
        %add3A_452 = arith.addf %add3A_447, %add3A_448 : vector<16xf32>
        %add3A_453 = arith.addf %add3A_449, %add3A_450 : vector<16xf32>
        %add3A_454 = arith.addf %add3A_452, %add3A_453 : vector<16xf32>
        %add3A_455 = arith.addf %add3A_454, %add3A_451 : vector<16xf32>
        %mul3A_456 = arith.constant 1.000000e-01 : f32
        %mul3A_457 = vector.broadcast %mul3A_456 : f32 to vector<16xf32>
        %mul3A_458 = arith.mulf %add3A_455, %mul3A_457 : vector<16xf32>
        %swap3A_459 = arith.index_cast %scan3A_232 : i32 to index
        %swap3A_460 = arith.constant 32 : index
        %swap3A_461 = tpu.vector_load %arg10[%swap3A_459, %swap3A_460] {strides = array<i32>} : memref<40x128xf32, #tpu.memory_space<vmem>>, vector<1x16xf32>,
        %swap3A_462 = vector.shape_cast %swap3A_461 : vector<1x16xf32> to vector<16xf32>
        %swap3A_463 = vector.shape_cast %mul3A_458 : vector<16xf32> to vector<1x16xf32>
        tpu.vector_store %arg10[%swap3A_459, %swap3A_460], %swap3A_463 {strides = array<i32>} : memref<40x128xf32, #tpu.memory_space<vmem>>, vector<1x16xf32>,
        %add3A_464 = arith.constant 0 : i32
        %add3A_465 = arith.addi %mul3A_234, %add3A_464 : i32
        %get3A_466 = arith.index_cast %add3A_465 : i32 to index
        %get3A_467 = arith.constant 48 : index
        %get3A_468 = tpu.vector_load %arg8[%get3A_466, %get3A_467] {strides = array<i32>} : memref<400x128xf32, #tpu.memory_space<vmem>>, vector<1x16xf32>,
        %get3A_469 = vector.shape_cast %get3A_468 : vector<1x16xf32> to vector<16xf32>
        %add3A_470 = arith.constant 1 : i32
        %add3A_471 = arith.addi %mul3A_234, %add3A_470 : i32
        %get3A_472 = arith.index_cast %add3A_471 : i32 to index
        %get3A_473 = arith.constant 48 : index
        %get3A_474 = tpu.vector_load %arg8[%get3A_472, %get3A_473] {strides = array<i32>} : memref<400x128xf32, #tpu.memory_space<vmem>>, vector<1x16xf32>,
        %get3A_475 = vector.shape_cast %get3A_474 : vector<1x16xf32> to vector<16xf32>
        %add3A_476 = arith.constant 2 : i32
        %add3A_477 = arith.addi %mul3A_234, %add3A_476 : i32
        %get3A_478 = arith.index_cast %add3A_477 : i32 to index
        %get3A_479 = arith.constant 48 : index
        %get3A_480 = tpu.vector_load %arg8[%get3A_478, %get3A_479] {strides = array<i32>} : memref<400x128xf32, #tpu.memory_space<vmem>>, vector<1x16xf32>,
        %get3A_481 = vector.shape_cast %get3A_480 : vector<1x16xf32> to vector<16xf32>
        %add3A_482 = arith.constant 3 : i32
        %add3A_483 = arith.addi %mul3A_234, %add3A_482 : i32
        %get3A_484 = arith.index_cast %add3A_483 : i32 to index
        %get3A_485 = arith.constant 48 : index
        %get3A_486 = tpu.vector_load %arg8[%get3A_484, %get3A_485] {strides = array<i32>} : memref<400x128xf32, #tpu.memory_space<vmem>>, vector<1x16xf32>,
        %get3A_487 = vector.shape_cast %get3A_486 : vector<1x16xf32> to vector<16xf32>
        %add3A_488 = arith.constant 4 : i32
        %add3A_489 = arith.addi %mul3A_234, %add3A_488 : i32
        %get3A_490 = arith.index_cast %add3A_489 : i32 to index
        %get3A_491 = arith.constant 48 : index
        %get3A_492 = tpu.vector_load %arg8[%get3A_490, %get3A_491] {strides = array<i32>} : memref<400x128xf32, #tpu.memory_space<vmem>>, vector<1x16xf32>,
        %get3A_493 = vector.shape_cast %get3A_492 : vector<1x16xf32> to vector<16xf32>
        %add3A_494 = arith.constant 5 : i32
        %add3A_495 = arith.addi %mul3A_234, %add3A_494 : i32
        %get3A_496 = arith.index_cast %add3A_495 : i32 to index
        %get3A_497 = arith.constant 48 : index
        %get3A_498 = tpu.vector_load %arg8[%get3A_496, %get3A_497] {strides = array<i32>} : memref<400x128xf32, #tpu.memory_space<vmem>>, vector<1x16xf32>,
        %get3A_499 = vector.shape_cast %get3A_498 : vector<1x16xf32> to vector<16xf32>
        %add3A_500 = arith.constant 6 : i32
        %add3A_501 = arith.addi %mul3A_234, %add3A_500 : i32
        %get3A_502 = arith.index_cast %add3A_501 : i32 to index
        %get3A_503 = arith.constant 48 : index
        %get3A_504 = tpu.vector_load %arg8[%get3A_502, %get3A_503] {strides = array<i32>} : memref<400x128xf32, #tpu.memory_space<vmem>>, vector<1x16xf32>,
        %get3A_505 = vector.shape_cast %get3A_504 : vector<1x16xf32> to vector<16xf32>
        %add3A_506 = arith.constant 7 : i32
        %add3A_507 = arith.addi %mul3A_234, %add3A_506 : i32
        %get3A_508 = arith.index_cast %add3A_507 : i32 to index
        %get3A_509 = arith.constant 48 : index
        %get3A_510 = tpu.vector_load %arg8[%get3A_508, %get3A_509] {strides = array<i32>} : memref<400x128xf32, #tpu.memory_space<vmem>>, vector<1x16xf32>,
        %get3A_511 = vector.shape_cast %get3A_510 : vector<1x16xf32> to vector<16xf32>
        %add3A_512 = arith.constant 8 : i32
        %add3A_513 = arith.addi %mul3A_234, %add3A_512 : i32
        %get3A_514 = arith.index_cast %add3A_513 : i32 to index
        %get3A_515 = arith.constant 48 : index
        %get3A_516 = tpu.vector_load %arg8[%get3A_514, %get3A_515] {strides = array<i32>} : memref<400x128xf32, #tpu.memory_space<vmem>>, vector<1x16xf32>,
        %get3A_517 = vector.shape_cast %get3A_516 : vector<1x16xf32> to vector<16xf32>
        %add3A_518 = arith.constant 9 : i32
        %add3A_519 = arith.addi %mul3A_234, %add3A_518 : i32
        %get3A_520 = arith.index_cast %add3A_519 : i32 to index
        %get3A_521 = arith.constant 48 : index
        %get3A_522 = tpu.vector_load %arg8[%get3A_520, %get3A_521] {strides = array<i32>} : memref<400x128xf32, #tpu.memory_space<vmem>>, vector<1x16xf32>,
        %get3A_523 = vector.shape_cast %get3A_522 : vector<1x16xf32> to vector<16xf32>
        %add3A_524 = arith.addf %get3A_469, %get3A_475 : vector<16xf32>
        %add3A_525 = arith.addf %get3A_481, %get3A_487 : vector<16xf32>
        %add3A_526 = arith.addf %get3A_493, %get3A_499 : vector<16xf32>
        %add3A_527 = arith.addf %get3A_505, %get3A_511 : vector<16xf32>
        %add3A_528 = arith.addf %get3A_517, %get3A_523 : vector<16xf32>
        %add3A_529 = arith.addf %add3A_524, %add3A_525 : vector<16xf32>
        %add3A_530 = arith.addf %add3A_526, %add3A_527 : vector<16xf32>
        %add3A_531 = arith.addf %add3A_529, %add3A_530 : vector<16xf32>
        %add3A_532 = arith.addf %add3A_531, %add3A_528 : vector<16xf32>
        %mul3A_533 = arith.constant 1.000000e-01 : f32
        %mul3A_534 = vector.broadcast %mul3A_533 : f32 to vector<16xf32>
        %mul3A_535 = arith.mulf %add3A_532, %mul3A_534 : vector<16xf32>
        %swap3A_536 = arith.index_cast %scan3A_232 : i32 to index
        %swap3A_537 = arith.constant 48 : index
        %swap3A_538 = tpu.vector_load %arg10[%swap3A_536, %swap3A_537] {strides = array<i32>} : memref<40x128xf32, #tpu.memory_space<vmem>>, vector<1x16xf32>,
        %swap3A_539 = vector.shape_cast %swap3A_538 : vector<1x16xf32> to vector<16xf32>
        %swap3A_540 = vector.shape_cast %mul3A_535 : vector<16xf32> to vector<1x16xf32>
        tpu.vector_store %arg10[%swap3A_536, %swap3A_537], %swap3A_540 {strides = array<i32>} : memref<40x128xf32, #tpu.memory_space<vmem>>, vector<1x16xf32>,
        %add3A_541 = arith.constant 0 : i32
        %add3A_542 = arith.addi %mul3A_234, %add3A_541 : i32
        %get3A_543 = arith.index_cast %add3A_542 : i32 to index
        %get3A_544 = arith.constant 64 : index
        %get3A_545 = tpu.vector_load %arg8[%get3A_543, %get3A_544] {strides = array<i32>} : memref<400x128xf32, #tpu.memory_space<vmem>>, vector<1x16xf32>,
        %get3A_546 = vector.shape_cast %get3A_545 : vector<1x16xf32> to vector<16xf32>
        %add3A_547 = arith.constant 1 : i32
        %add3A_548 = arith.addi %mul3A_234, %add3A_547 : i32
        %get3A_549 = arith.index_cast %add3A_548 : i32 to index
        %get3A_550 = arith.constant 64 : index
        %get3A_551 = tpu.vector_load %arg8[%get3A_549, %get3A_550] {strides = array<i32>} : memref<400x128xf32, #tpu.memory_space<vmem>>, vector<1x16xf32>,
        %get3A_552 = vector.shape_cast %get3A_551 : vector<1x16xf32> to vector<16xf32>
        %add3A_553 = arith.constant 2 : i32
        %add3A_554 = arith.addi %mul3A_234, %add3A_553 : i32
        %get3A_555 = arith.index_cast %add3A_554 : i32 to index
        %get3A_556 = arith.constant 64 : index
        %get3A_557 = tpu.vector_load %arg8[%get3A_555, %get3A_556] {strides = array<i32>} : memref<400x128xf32, #tpu.memory_space<vmem>>, vector<1x16xf32>,
        %get3A_558 = vector.shape_cast %get3A_557 : vector<1x16xf32> to vector<16xf32>
        %add3A_559 = arith.constant 3 : i32
        %add3A_560 = arith.addi %mul3A_234, %add3A_559 : i32
        %get3A_561 = arith.index_cast %add3A_560 : i32 to index
        %get3A_562 = arith.constant 64 : index
        %get3A_563 = tpu.vector_load %arg8[%get3A_561, %get3A_562] {strides = array<i32>} : memref<400x128xf32, #tpu.memory_space<vmem>>, vector<1x16xf32>,
        %get3A_564 = vector.shape_cast %get3A_563 : vector<1x16xf32> to vector<16xf32>
        %add3A_565 = arith.constant 4 : i32
        %add3A_566 = arith.addi %mul3A_234, %add3A_565 : i32
        %get3A_567 = arith.index_cast %add3A_566 : i32 to index
        %get3A_568 = arith.constant 64 : index
        %get3A_569 = tpu.vector_load %arg8[%get3A_567, %get3A_568] {strides = array<i32>} : memref<400x128xf32, #tpu.memory_space<vmem>>, vector<1x16xf32>,
        %get3A_570 = vector.shape_cast %get3A_569 : vector<1x16xf32> to vector<16xf32>
        %add3A_571 = arith.constant 5 : i32
        %add3A_572 = arith.addi %mul3A_234, %add3A_571 : i32
        %get3A_573 = arith.index_cast %add3A_572 : i32 to index
        %get3A_574 = arith.constant 64 : index
        %get3A_575 = tpu.vector_load %arg8[%get3A_573, %get3A_574] {strides = array<i32>} : memref<400x128xf32, #tpu.memory_space<vmem>>, vector<1x16xf32>,
        %get3A_576 = vector.shape_cast %get3A_575 : vector<1x16xf32> to vector<16xf32>
        %add3A_577 = arith.constant 6 : i32
        %add3A_578 = arith.addi %mul3A_234, %add3A_577 : i32
        %get3A_579 = arith.index_cast %add3A_578 : i32 to index
        %get3A_580 = arith.constant 64 : index
        %get3A_581 = tpu.vector_load %arg8[%get3A_579, %get3A_580] {strides = array<i32>} : memref<400x128xf32, #tpu.memory_space<vmem>>, vector<1x16xf32>,
        %get3A_582 = vector.shape_cast %get3A_581 : vector<1x16xf32> to vector<16xf32>
        %add3A_583 = arith.constant 7 : i32
        %add3A_584 = arith.addi %mul3A_234, %add3A_583 : i32
        %get3A_585 = arith.index_cast %add3A_584 : i32 to index
        %get3A_586 = arith.constant 64 : index
        %get3A_587 = tpu.vector_load %arg8[%get3A_585, %get3A_586] {strides = array<i32>} : memref<400x128xf32, #tpu.memory_space<vmem>>, vector<1x16xf32>,
        %get3A_588 = vector.shape_cast %get3A_587 : vector<1x16xf32> to vector<16xf32>
        %add3A_589 = arith.constant 8 : i32
        %add3A_590 = arith.addi %mul3A_234, %add3A_589 : i32
        %get3A_591 = arith.index_cast %add3A_590 : i32 to index
        %get3A_592 = arith.constant 64 : index
        %get3A_593 = tpu.vector_load %arg8[%get3A_591, %get3A_592] {strides = array<i32>} : memref<400x128xf32, #tpu.memory_space<vmem>>, vector<1x16xf32>,
        %get3A_594 = vector.shape_cast %get3A_593 : vector<1x16xf32> to vector<16xf32>
        %add3A_595 = arith.constant 9 : i32
        %add3A_596 = arith.addi %mul3A_234, %add3A_595 : i32
        %get3A_597 = arith.index_cast %add3A_596 : i32 to index
        %get3A_598 = arith.constant 64 : index
        %get3A_599 = tpu.vector_load %arg8[%get3A_597, %get3A_598] {strides = array<i32>} : memref<400x128xf32, #tpu.memory_space<vmem>>, vector<1x16xf32>,
        %get3A_600 = vector.shape_cast %get3A_599 : vector<1x16xf32> to vector<16xf32>
        %add3A_601 = arith.addf %get3A_546, %get3A_552 : vector<16xf32>
        %add3A_602 = arith.addf %get3A_558, %get3A_564 : vector<16xf32>
        %add3A_603 = arith.addf %get3A_570, %get3A_576 : vector<16xf32>
        %add3A_604 = arith.addf %get3A_582, %get3A_588 : vector<16xf32>
        %add3A_605 = arith.addf %get3A_594, %get3A_600 : vector<16xf32>
        %add3A_606 = arith.addf %add3A_601, %add3A_602 : vector<16xf32>
        %add3A_607 = arith.addf %add3A_603, %add3A_604 : vector<16xf32>
        %add3A_608 = arith.addf %add3A_606, %add3A_607 : vector<16xf32>
        %add3A_609 = arith.addf %add3A_608, %add3A_605 : vector<16xf32>
        %mul3A_610 = arith.constant 1.000000e-01 : f32
        %mul3A_611 = vector.broadcast %mul3A_610 : f32 to vector<16xf32>
        %mul3A_612 = arith.mulf %add3A_609, %mul3A_611 : vector<16xf32>
        %swap3A_613 = arith.index_cast %scan3A_232 : i32 to index
        %swap3A_614 = arith.constant 64 : index
        %swap3A_615 = tpu.vector_load %arg10[%swap3A_613, %swap3A_614] {strides = array<i32>} : memref<40x128xf32, #tpu.memory_space<vmem>>, vector<1x16xf32>,
        %swap3A_616 = vector.shape_cast %swap3A_615 : vector<1x16xf32> to vector<16xf32>
        %swap3A_617 = vector.shape_cast %mul3A_612 : vector<16xf32> to vector<1x16xf32>
        tpu.vector_store %arg10[%swap3A_613, %swap3A_614], %swap3A_617 {strides = array<i32>} : memref<40x128xf32, #tpu.memory_space<vmem>>, vector<1x16xf32>,
        %add3A_618 = arith.constant 0 : i32
        %add3A_619 = arith.addi %mul3A_234, %add3A_618 : i32
        %get3A_620 = arith.index_cast %add3A_619 : i32 to index
        %get3A_621 = arith.constant 80 : index
        %get3A_622 = tpu.vector_load %arg8[%get3A_620, %get3A_621] {strides = array<i32>} : memref<400x128xf32, #tpu.memory_space<vmem>>, vector<1x16xf32>,
        %get3A_623 = vector.shape_cast %get3A_622 : vector<1x16xf32> to vector<16xf32>
        %add3A_624 = arith.constant 1 : i32
        %add3A_625 = arith.addi %mul3A_234, %add3A_624 : i32
        %get3A_626 = arith.index_cast %add3A_625 : i32 to index
        %get3A_627 = arith.constant 80 : index
        %get3A_628 = tpu.vector_load %arg8[%get3A_626, %get3A_627] {strides = array<i32>} : memref<400x128xf32, #tpu.memory_space<vmem>>, vector<1x16xf32>,
        %get3A_629 = vector.shape_cast %get3A_628 : vector<1x16xf32> to vector<16xf32>
        %add3A_630 = arith.constant 2 : i32
        %add3A_631 = arith.addi %mul3A_234, %add3A_630 : i32
        %get3A_632 = arith.index_cast %add3A_631 : i32 to index
        %get3A_633 = arith.constant 80 : index
        %get3A_634 = tpu.vector_load %arg8[%get3A_632, %get3A_633] {strides = array<i32>} : memref<400x128xf32, #tpu.memory_space<vmem>>, vector<1x16xf32>,
        %get3A_635 = vector.shape_cast %get3A_634 : vector<1x16xf32> to vector<16xf32>
        %add3A_636 = arith.constant 3 : i32
        %add3A_637 = arith.addi %mul3A_234, %add3A_636 : i32
        %get3A_638 = arith.index_cast %add3A_637 : i32 to index
        %get3A_639 = arith.constant 80 : index
        %get3A_640 = tpu.vector_load %arg8[%get3A_638, %get3A_639] {strides = array<i32>} : memref<400x128xf32, #tpu.memory_space<vmem>>, vector<1x16xf32>,
        %get3A_641 = vector.shape_cast %get3A_640 : vector<1x16xf32> to vector<16xf32>
        %add3A_642 = arith.constant 4 : i32
        %add3A_643 = arith.addi %mul3A_234, %add3A_642 : i32
        %get3A_644 = arith.index_cast %add3A_643 : i32 to index
        %get3A_645 = arith.constant 80 : index
        %get3A_646 = tpu.vector_load %arg8[%get3A_644, %get3A_645] {strides = array<i32>} : memref<400x128xf32, #tpu.memory_space<vmem>>, vector<1x16xf32>,
        %get3A_647 = vector.shape_cast %get3A_646 : vector<1x16xf32> to vector<16xf32>
        %add3A_648 = arith.constant 5 : i32
        %add3A_649 = arith.addi %mul3A_234, %add3A_648 : i32
        %get3A_650 = arith.index_cast %add3A_649 : i32 to index
        %get3A_651 = arith.constant 80 : index
        %get3A_652 = tpu.vector_load %arg8[%get3A_650, %get3A_651] {strides = array<i32>} : memref<400x128xf32, #tpu.memory_space<vmem>>, vector<1x16xf32>,
        %get3A_653 = vector.shape_cast %get3A_652 : vector<1x16xf32> to vector<16xf32>
        %add3A_654 = arith.constant 6 : i32
        %add3A_655 = arith.addi %mul3A_234, %add3A_654 : i32
        %get3A_656 = arith.index_cast %add3A_655 : i32 to index
        %get3A_657 = arith.constant 80 : index
        %get3A_658 = tpu.vector_load %arg8[%get3A_656, %get3A_657] {strides = array<i32>} : memref<400x128xf32, #tpu.memory_space<vmem>>, vector<1x16xf32>,
        %get3A_659 = vector.shape_cast %get3A_658 : vector<1x16xf32> to vector<16xf32>
        %add3A_660 = arith.constant 7 : i32
        %add3A_661 = arith.addi %mul3A_234, %add3A_660 : i32
        %get3A_662 = arith.index_cast %add3A_661 : i32 to index
        %get3A_663 = arith.constant 80 : index
        %get3A_664 = tpu.vector_load %arg8[%get3A_662, %get3A_663] {strides = array<i32>} : memref<400x128xf32, #tpu.memory_space<vmem>>, vector<1x16xf32>,
        %get3A_665 = vector.shape_cast %get3A_664 : vector<1x16xf32> to vector<16xf32>
        %add3A_666 = arith.constant 8 : i32
        %add3A_667 = arith.addi %mul3A_234, %add3A_666 : i32
        %get3A_668 = arith.index_cast %add3A_667 : i32 to index
        %get3A_669 = arith.constant 80 : index
        %get3A_670 = tpu.vector_load %arg8[%get3A_668, %get3A_669] {strides = array<i32>} : memref<400x128xf32, #tpu.memory_space<vmem>>, vector<1x16xf32>,
        %get3A_671 = vector.shape_cast %get3A_670 : vector<1x16xf32> to vector<16xf32>
        %add3A_672 = arith.constant 9 : i32
        %add3A_673 = arith.addi %mul3A_234, %add3A_672 : i32
        %get3A_674 = arith.index_cast %add3A_673 : i32 to index
        %get3A_675 = arith.constant 80 : index
        %get3A_676 = tpu.vector_load %arg8[%get3A_674, %get3A_675] {strides = array<i32>} : memref<400x128xf32, #tpu.memory_space<vmem>>, vector<1x16xf32>,
        %get3A_677 = vector.shape_cast %get3A_676 : vector<1x16xf32> to vector<16xf32>
        %add3A_678 = arith.addf %get3A_623, %get3A_629 : vector<16xf32>
        %add3A_679 = arith.addf %get3A_635, %get3A_641 : vector<16xf32>
        %add3A_680 = arith.addf %get3A_647, %get3A_653 : vector<16xf32>
        %add3A_681 = arith.addf %get3A_659, %get3A_665 : vector<16xf32>
        %add3A_682 = arith.addf %get3A_671, %get3A_677 : vector<16xf32>
        %add3A_683 = arith.addf %add3A_678, %add3A_679 : vector<16xf32>
        %add3A_684 = arith.addf %add3A_680, %add3A_681 : vector<16xf32>
        %add3A_685 = arith.addf %add3A_683, %add3A_684 : vector<16xf32>
        %add3A_686 = arith.addf %add3A_685, %add3A_682 : vector<16xf32>
        %mul3A_687 = arith.constant 1.000000e-01 : f32
        %mul3A_688 = vector.broadcast %mul3A_687 : f32 to vector<16xf32>
        %mul3A_689 = arith.mulf %add3A_686, %mul3A_688 : vector<16xf32>
        %swap3A_690 = arith.index_cast %scan3A_232 : i32 to index
        %swap3A_691 = arith.constant 80 : index
        %swap3A_692 = tpu.vector_load %arg10[%swap3A_690, %swap3A_691] {strides = array<i32>} : memref<40x128xf32, #tpu.memory_space<vmem>>, vector<1x16xf32>,
        %swap3A_693 = vector.shape_cast %swap3A_692 : vector<1x16xf32> to vector<16xf32>
        %swap3A_694 = vector.shape_cast %mul3A_689 : vector<16xf32> to vector<1x16xf32>
        tpu.vector_store %arg10[%swap3A_690, %swap3A_691], %swap3A_694 {strides = array<i32>} : memref<40x128xf32, #tpu.memory_space<vmem>>, vector<1x16xf32>,
        %add3A_695 = arith.constant 0 : i32
        %add3A_696 = arith.addi %mul3A_234, %add3A_695 : i32
        %get3A_697 = arith.index_cast %add3A_696 : i32 to index
        %get3A_698 = arith.constant 96 : index
        %get3A_699 = tpu.vector_load %arg8[%get3A_697, %get3A_698] {strides = array<i32>} : memref<400x128xf32, #tpu.memory_space<vmem>>, vector<1x16xf32>,
        %get3A_700 = vector.shape_cast %get3A_699 : vector<1x16xf32> to vector<16xf32>
        %add3A_701 = arith.constant 1 : i32
        %add3A_702 = arith.addi %mul3A_234, %add3A_701 : i32
        %get3A_703 = arith.index_cast %add3A_702 : i32 to index
        %get3A_704 = arith.constant 96 : index
        %get3A_705 = tpu.vector_load %arg8[%get3A_703, %get3A_704] {strides = array<i32>} : memref<400x128xf32, #tpu.memory_space<vmem>>, vector<1x16xf32>,
        %get3A_706 = vector.shape_cast %get3A_705 : vector<1x16xf32> to vector<16xf32>
        %add3A_707 = arith.constant 2 : i32
        %add3A_708 = arith.addi %mul3A_234, %add3A_707 : i32
        %get3A_709 = arith.index_cast %add3A_708 : i32 to index
        %get3A_710 = arith.constant 96 : index
        %get3A_711 = tpu.vector_load %arg8[%get3A_709, %get3A_710] {strides = array<i32>} : memref<400x128xf32, #tpu.memory_space<vmem>>, vector<1x16xf32>,
        %get3A_712 = vector.shape_cast %get3A_711 : vector<1x16xf32> to vector<16xf32>
        %add3A_713 = arith.constant 3 : i32
        %add3A_714 = arith.addi %mul3A_234, %add3A_713 : i32
        %get3A_715 = arith.index_cast %add3A_714 : i32 to index
        %get3A_716 = arith.constant 96 : index
        %get3A_717 = tpu.vector_load %arg8[%get3A_715, %get3A_716] {strides = array<i32>} : memref<400x128xf32, #tpu.memory_space<vmem>>, vector<1x16xf32>,
        %get3A_718 = vector.shape_cast %get3A_717 : vector<1x16xf32> to vector<16xf32>
        %add3A_719 = arith.constant 4 : i32
        %add3A_720 = arith.addi %mul3A_234, %add3A_719 : i32
        %get3A_721 = arith.index_cast %add3A_720 : i32 to index
        %get3A_722 = arith.constant 96 : index
        %get3A_723 = tpu.vector_load %arg8[%get3A_721, %get3A_722] {strides = array<i32>} : memref<400x128xf32, #tpu.memory_space<vmem>>, vector<1x16xf32>,
        %get3A_724 = vector.shape_cast %get3A_723 : vector<1x16xf32> to vector<16xf32>
        %add3A_725 = arith.constant 5 : i32
        %add3A_726 = arith.addi %mul3A_234, %add3A_725 : i32
        %get3A_727 = arith.index_cast %add3A_726 : i32 to index
        %get3A_728 = arith.constant 96 : index
        %get3A_729 = tpu.vector_load %arg8[%get3A_727, %get3A_728] {strides = array<i32>} : memref<400x128xf32, #tpu.memory_space<vmem>>, vector<1x16xf32>,
        %get3A_730 = vector.shape_cast %get3A_729 : vector<1x16xf32> to vector<16xf32>
        %add3A_731 = arith.constant 6 : i32
        %add3A_732 = arith.addi %mul3A_234, %add3A_731 : i32
        %get3A_733 = arith.index_cast %add3A_732 : i32 to index
        %get3A_734 = arith.constant 96 : index
        %get3A_735 = tpu.vector_load %arg8[%get3A_733, %get3A_734] {strides = array<i32>} : memref<400x128xf32, #tpu.memory_space<vmem>>, vector<1x16xf32>,
        %get3A_736 = vector.shape_cast %get3A_735 : vector<1x16xf32> to vector<16xf32>
        %add3A_737 = arith.constant 7 : i32
        %add3A_738 = arith.addi %mul3A_234, %add3A_737 : i32
        %get3A_739 = arith.index_cast %add3A_738 : i32 to index
        %get3A_740 = arith.constant 96 : index
        %get3A_741 = tpu.vector_load %arg8[%get3A_739, %get3A_740] {strides = array<i32>} : memref<400x128xf32, #tpu.memory_space<vmem>>, vector<1x16xf32>,
        %get3A_742 = vector.shape_cast %get3A_741 : vector<1x16xf32> to vector<16xf32>
        %add3A_743 = arith.constant 8 : i32
        %add3A_744 = arith.addi %mul3A_234, %add3A_743 : i32
        %get3A_745 = arith.index_cast %add3A_744 : i32 to index
        %get3A_746 = arith.constant 96 : index
        %get3A_747 = tpu.vector_load %arg8[%get3A_745, %get3A_746] {strides = array<i32>} : memref<400x128xf32, #tpu.memory_space<vmem>>, vector<1x16xf32>,
        %get3A_748 = vector.shape_cast %get3A_747 : vector<1x16xf32> to vector<16xf32>
        %add3A_749 = arith.constant 9 : i32
        %add3A_750 = arith.addi %mul3A_234, %add3A_749 : i32
        %get3A_751 = arith.index_cast %add3A_750 : i32 to index
        %get3A_752 = arith.constant 96 : index
        %get3A_753 = tpu.vector_load %arg8[%get3A_751, %get3A_752] {strides = array<i32>} : memref<400x128xf32, #tpu.memory_space<vmem>>, vector<1x16xf32>,
        %get3A_754 = vector.shape_cast %get3A_753 : vector<1x16xf32> to vector<16xf32>
        %add3A_755 = arith.addf %get3A_700, %get3A_706 : vector<16xf32>
        %add3A_756 = arith.addf %get3A_712, %get3A_718 : vector<16xf32>
        %add3A_757 = arith.addf %get3A_724, %get3A_730 : vector<16xf32>
        %add3A_758 = arith.addf %get3A_736, %get3A_742 : vector<16xf32>
        %add3A_759 = arith.addf %get3A_748, %get3A_754 : vector<16xf32>
        %add3A_760 = arith.addf %add3A_755, %add3A_756 : vector<16xf32>
        %add3A_761 = arith.addf %add3A_757, %add3A_758 : vector<16xf32>
        %add3A_762 = arith.addf %add3A_760, %add3A_761 : vector<16xf32>
        %add3A_763 = arith.addf %add3A_762, %add3A_759 : vector<16xf32>
        %mul3A_764 = arith.constant 1.000000e-01 : f32
        %mul3A_765 = vector.broadcast %mul3A_764 : f32 to vector<16xf32>
        %mul3A_766 = arith.mulf %add3A_763, %mul3A_765 : vector<16xf32>
        %swap3A_767 = arith.index_cast %scan3A_232 : i32 to index
        %swap3A_768 = arith.constant 96 : index
        %swap3A_769 = tpu.vector_load %arg10[%swap3A_767, %swap3A_768] {strides = array<i32>} : memref<40x128xf32, #tpu.memory_space<vmem>>, vector<1x16xf32>,
        %swap3A_770 = vector.shape_cast %swap3A_769 : vector<1x16xf32> to vector<16xf32>
        %swap3A_771 = vector.shape_cast %mul3A_766 : vector<16xf32> to vector<1x16xf32>
        tpu.vector_store %arg10[%swap3A_767, %swap3A_768], %swap3A_771 {strides = array<i32>} : memref<40x128xf32, #tpu.memory_space<vmem>>, vector<1x16xf32>,
        %add3A_772 = arith.constant 0 : i32
        %add3A_773 = arith.addi %mul3A_234, %add3A_772 : i32
        %get3A_774 = arith.index_cast %add3A_773 : i32 to index
        %get3A_775 = arith.constant 112 : index
        %get3A_776 = tpu.vector_load %arg8[%get3A_774, %get3A_775] {strides = array<i32>} : memref<400x128xf32, #tpu.memory_space<vmem>>, vector<1x16xf32>,
        %get3A_777 = vector.shape_cast %get3A_776 : vector<1x16xf32> to vector<16xf32>
        %add3A_778 = arith.constant 1 : i32
        %add3A_779 = arith.addi %mul3A_234, %add3A_778 : i32
        %get3A_780 = arith.index_cast %add3A_779 : i32 to index
        %get3A_781 = arith.constant 112 : index
        %get3A_782 = tpu.vector_load %arg8[%get3A_780, %get3A_781] {strides = array<i32>} : memref<400x128xf32, #tpu.memory_space<vmem>>, vector<1x16xf32>,
        %get3A_783 = vector.shape_cast %get3A_782 : vector<1x16xf32> to vector<16xf32>
        %add3A_784 = arith.constant 2 : i32
        %add3A_785 = arith.addi %mul3A_234, %add3A_784 : i32
        %get3A_786 = arith.index_cast %add3A_785 : i32 to index
        %get3A_787 = arith.constant 112 : index
        %get3A_788 = tpu.vector_load %arg8[%get3A_786, %get3A_787] {strides = array<i32>} : memref<400x128xf32, #tpu.memory_space<vmem>>, vector<1x16xf32>,
        %get3A_789 = vector.shape_cast %get3A_788 : vector<1x16xf32> to vector<16xf32>
        %add3A_790 = arith.constant 3 : i32
        %add3A_791 = arith.addi %mul3A_234, %add3A_790 : i32
        %get3A_792 = arith.index_cast %add3A_791 : i32 to index
        %get3A_793 = arith.constant 112 : index
        %get3A_794 = tpu.vector_load %arg8[%get3A_792, %get3A_793] {strides = array<i32>} : memref<400x128xf32, #tpu.memory_space<vmem>>, vector<1x16xf32>,
        %get3A_795 = vector.shape_cast %get3A_794 : vector<1x16xf32> to vector<16xf32>
        %add3A_796 = arith.constant 4 : i32
        %add3A_797 = arith.addi %mul3A_234, %add3A_796 : i32
        %get3A_798 = arith.index_cast %add3A_797 : i32 to index
        %get3A_799 = arith.constant 112 : index
        %get3A_800 = tpu.vector_load %arg8[%get3A_798, %get3A_799] {strides = array<i32>} : memref<400x128xf32, #tpu.memory_space<vmem>>, vector<1x16xf32>,
        %get3A_801 = vector.shape_cast %get3A_800 : vector<1x16xf32> to vector<16xf32>
        %add3A_802 = arith.constant 5 : i32
        %add3A_803 = arith.addi %mul3A_234, %add3A_802 : i32
        %get3A_804 = arith.index_cast %add3A_803 : i32 to index
        %get3A_805 = arith.constant 112 : index
        %get3A_806 = tpu.vector_load %arg8[%get3A_804, %get3A_805] {strides = array<i32>} : memref<400x128xf32, #tpu.memory_space<vmem>>, vector<1x16xf32>,
        %get3A_807 = vector.shape_cast %get3A_806 : vector<1x16xf32> to vector<16xf32>
        %add3A_808 = arith.constant 6 : i32
        %add3A_809 = arith.addi %mul3A_234, %add3A_808 : i32
        %get3A_810 = arith.index_cast %add3A_809 : i32 to index
        %get3A_811 = arith.constant 112 : index
        %get3A_812 = tpu.vector_load %arg8[%get3A_810, %get3A_811] {strides = array<i32>} : memref<400x128xf32, #tpu.memory_space<vmem>>, vector<1x16xf32>,
        %get3A_813 = vector.shape_cast %get3A_812 : vector<1x16xf32> to vector<16xf32>
        %add3A_814 = arith.constant 7 : i32
        %add3A_815 = arith.addi %mul3A_234, %add3A_814 : i32
        %get3A_816 = arith.index_cast %add3A_815 : i32 to index
        %get3A_817 = arith.constant 112 : index
        %get3A_818 = tpu.vector_load %arg8[%get3A_816, %get3A_817] {strides = array<i32>} : memref<400x128xf32, #tpu.memory_space<vmem>>, vector<1x16xf32>,
        %get3A_819 = vector.shape_cast %get3A_818 : vector<1x16xf32> to vector<16xf32>
        %add3A_820 = arith.constant 8 : i32
        %add3A_821 = arith.addi %mul3A_234, %add3A_820 : i32
        %get3A_822 = arith.index_cast %add3A_821 : i32 to index
        %get3A_823 = arith.constant 112 : index
        %get3A_824 = tpu.vector_load %arg8[%get3A_822, %get3A_823] {strides = array<i32>} : memref<400x128xf32, #tpu.memory_space<vmem>>, vector<1x16xf32>,
        %get3A_825 = vector.shape_cast %get3A_824 : vector<1x16xf32> to vector<16xf32>
        %add3A_826 = arith.constant 9 : i32
        %add3A_827 = arith.addi %mul3A_234, %add3A_826 : i32
        %get3A_828 = arith.index_cast %add3A_827 : i32 to index
        %get3A_829 = arith.constant 112 : index
        %get3A_830 = tpu.vector_load %arg8[%get3A_828, %get3A_829] {strides = array<i32>} : memref<400x128xf32, #tpu.memory_space<vmem>>, vector<1x16xf32>,
        %get3A_831 = vector.shape_cast %get3A_830 : vector<1x16xf32> to vector<16xf32>
        %add3A_832 = arith.addf %get3A_777, %get3A_783 : vector<16xf32>
        %add3A_833 = arith.addf %get3A_789, %get3A_795 : vector<16xf32>
        %add3A_834 = arith.addf %get3A_801, %get3A_807 : vector<16xf32>
        %add3A_835 = arith.addf %get3A_813, %get3A_819 : vector<16xf32>
        %add3A_836 = arith.addf %get3A_825, %get3A_831 : vector<16xf32>
        %add3A_837 = arith.addf %add3A_832, %add3A_833 : vector<16xf32>
        %add3A_838 = arith.addf %add3A_834, %add3A_835 : vector<16xf32>
        %add3A_839 = arith.addf %add3A_837, %add3A_838 : vector<16xf32>
        %add3A_840 = arith.addf %add3A_839, %add3A_836 : vector<16xf32>
        %mul3A_841 = arith.constant 1.000000e-01 : f32
        %mul3A_842 = vector.broadcast %mul3A_841 : f32 to vector<16xf32>
        %mul3A_843 = arith.mulf %add3A_840, %mul3A_842 : vector<16xf32>
        %swap3A_844 = arith.index_cast %scan3A_232 : i32 to index
        %swap3A_845 = arith.constant 112 : index
        %swap3A_846 = tpu.vector_load %arg10[%swap3A_844, %swap3A_845] {strides = array<i32>} : memref<40x128xf32, #tpu.memory_space<vmem>>, vector<1x16xf32>,
        %swap3A_847 = vector.shape_cast %swap3A_846 : vector<1x16xf32> to vector<16xf32>
        %swap3A_848 = vector.shape_cast %mul3A_843 : vector<16xf32> to vector<1x16xf32>
        tpu.vector_store %arg10[%swap3A_844, %swap3A_845], %swap3A_848 {strides = array<i32>} : memref<40x128xf32, #tpu.memory_space<vmem>>, vector<1x16xf32>,
      }
      %scan3A_216 = arith.constant 40 : i32
      %add3A_217 = arith.addi %select_n3A_12, %mul3A_161 : i32
      %add3A_218 = arith.constant 1 : i32
      %add3A_219 = arith.addi %add3A_217, %add3A_218 : i32
      %mul3A_220 = arith.constant 40 : i32
      %mul3A_221 = arith.muli %add3A_219, %mul3A_220 : i32
      %dma_start3A_222 = arith.constant 0 : i32
      %dma_start3A_223 = tpu.memref_slice %arg4[%mul3A_221, %dma_start3A_222] : memref<50000x128xf32, #tpu.memory_space<hbm>> -> memref<40x128xf32, #tpu.memory_space<hbm>>
      %dma_start3A_224 = arith.constant 0 : i32
      %dma_start3A_225 = tpu.memref_slice %arg4[%mul3A_221, %dma_start3A_224] : memref<50000x128xf32, #tpu.memory_space<hbm>> -> memref<40x128xf32, #tpu.memory_space<hbm>>
      tpu.enqueue_dma source(%arg10 : memref<40x128xf32, #tpu.memory_space<vmem>>) target(%dma_start3A_225 : memref<40x128xf32, #tpu.memory_space<hbm>>) target_semaphore(%arg16 : memref<!tpu.dma_semaphore, #tpu.memory_space<semaphore_mem>>)
      %add3A_226 = arith.constant 3 : i32
      %add3A_227 = arith.addi %mul3A_161, %add3A_226 : i32
      %lt3A_228 = arith.cmpi slt, %add3A_227, %select_n3A : i32
      %convert_element_type3A_229 = arith.extui %lt3A_228 : i1 to i32
      %cond3A_230 = arith.constant 0 : i32
      %cond3A_231 = arith.cmpi ne, %convert_element_type3A_229, %cond3A_230 : i32
      scf.if %cond3A_231 {
        %dma_wait3A_232 = arith.constant 0 : i32
        %dma_wait3A_233 = arith.constant 0 : i32
        %dma_wait3A_234 = tpu.memref_slice %arg3[%dma_wait3A_232, %dma_wait3A_233] : memref<5000x100xi32, #tpu.memory_space<hbm>> -> memref<4x100xi32, #tpu.memory_space<hbm>>
        %dma_wait3A_235 = arith.constant 0 : i32
        %dma_wait3A_236 = arith.constant 0 : i32
        %dma_wait3A_237 = tpu.memref_slice %arg3[%dma_wait3A_235, %dma_wait3A_236] : memref<5000x100xi32, #tpu.memory_space<hbm>> -> memref<4x100xi32, #tpu.memory_space<hbm>>
        tpu.wait_dma2 semaphore(%arg12 : memref<!tpu.dma_semaphore, #tpu.memory_space<semaphore_mem>>) src(%dma_wait3A_237 : memref<4x100xi32, #tpu.memory_space<hbm>>) dst(%arg6 : memref<4x100xi32, #tpu.memory_space<vmem>>)
        %dma_start3A_238 = arith.constant 0 : i32
        %dma_start3A_239 = arith.constant 0 : i32
        %dma_start3A_240 = arith.constant 0 : i32
        %dma_start3A_241 = tpu.memref_slice %arg8[%dma_start3A_239, %dma_start3A_240] : memref<400x128xf32, #tpu.memory_space<vmem>> -> memref<100x128xf32, #tpu.memory_space<vmem>>
        %dma_start3A_242 = arith.constant 0 : i32
        %dma_start3A_243 = tpu.memref_slice %arg6[%dma_start3A_238, %dma_start3A_242] : memref<4x100xi32, #tpu.memory_space<vmem>> -> memref<1x100xi32, #tpu.memory_space<vmem>>
        %dma_start3A_244 = tpu.memref_squeeze %dma_start3A_243 : memref<1x100xi32, #tpu.memory_space<vmem>> -> memref<100xi32, #tpu.memory_space<vmem>>
        %dma_start3A_245 = arith.constant 0 : i32
        %dma_start3A_246 = arith.constant 0 : i32
        %dma_start3A_247 = tpu.memref_slice %arg2[%dma_start3A_245, %dma_start3A_246] : memref<50000x128xf32, #tpu.memory_space<hbm>> -> memref<50000x128xf32, #tpu.memory_space<hbm>>
        tpu.enqueue_indirect_dma source(%dma_start3A_247 : memref<50000x128xf32, #tpu.memory_space<hbm>>) target(%dma_start3A_241 : memref<100x128xf32, #tpu.memory_space<vmem>>) offsets(%dma_start3A_244 : memref<100xi32, #tpu.memory_space<vmem>>) semaphore(%arg14 : memref<!tpu.dma_semaphore, #tpu.memory_space<semaphore_mem>>)
        %dma_start3A_248 = arith.constant 1 : i32
        %dma_start3A_249 = arith.constant 100 : i32
        %dma_start3A_250 = arith.constant 0 : i32
        %dma_start3A_251 = tpu.memref_slice %arg8[%dma_start3A_249, %dma_start3A_250] : memref<400x128xf32, #tpu.memory_space<vmem>> -> memref<100x128xf32, #tpu.memory_space<vmem>>
        %dma_start3A_252 = arith.constant 0 : i32
        %dma_start3A_253 = tpu.memref_slice %arg6[%dma_start3A_248, %dma_start3A_252] : memref<4x100xi32, #tpu.memory_space<vmem>> -> memref<1x100xi32, #tpu.memory_space<vmem>>
        %dma_start3A_254 = tpu.memref_squeeze %dma_start3A_253 : memref<1x100xi32, #tpu.memory_space<vmem>> -> memref<100xi32, #tpu.memory_space<vmem>>
        %dma_start3A_255 = arith.constant 0 : i32
        %dma_start3A_256 = arith.constant 0 : i32
        %dma_start3A_257 = tpu.memref_slice %arg2[%dma_start3A_255, %dma_start3A_256] : memref<50000x128xf32, #tpu.memory_space<hbm>> -> memref<50000x128xf32, #tpu.memory_space<hbm>>
        tpu.enqueue_indirect_dma source(%dma_start3A_257 : memref<50000x128xf32, #tpu.memory_space<hbm>>) target(%dma_start3A_251 : memref<100x128xf32, #tpu.memory_space<vmem>>) offsets(%dma_start3A_254 : memref<100xi32, #tpu.memory_space<vmem>>) semaphore(%arg14 : memref<!tpu.dma_semaphore, #tpu.memory_space<semaphore_mem>>)
        %dma_start3A_258 = arith.constant 2 : i32
        %dma_start3A_259 = arith.constant 200 : i32
        %dma_start3A_260 = arith.constant 0 : i32
        %dma_start3A_261 = tpu.memref_slice %arg8[%dma_start3A_259, %dma_start3A_260] : memref<400x128xf32, #tpu.memory_space<vmem>> -> memref<100x128xf32, #tpu.memory_space<vmem>>
        %dma_start3A_262 = arith.constant 0 : i32
        %dma_start3A_263 = tpu.memref_slice %arg6[%dma_start3A_258, %dma_start3A_262] : memref<4x100xi32, #tpu.memory_space<vmem>> -> memref<1x100xi32, #tpu.memory_space<vmem>>
        %dma_start3A_264 = tpu.memref_squeeze %dma_start3A_263 : memref<1x100xi32, #tpu.memory_space<vmem>> -> memref<100xi32, #tpu.memory_space<vmem>>
        %dma_start3A_265 = arith.constant 0 : i32
        %dma_start3A_266 = arith.constant 0 : i32
        %dma_start3A_267 = tpu.memref_slice %arg2[%dma_start3A_265, %dma_start3A_266] : memref<50000x128xf32, #tpu.memory_space<hbm>> -> memref<50000x128xf32, #tpu.memory_space<hbm>>
        tpu.enqueue_indirect_dma source(%dma_start3A_267 : memref<50000x128xf32, #tpu.memory_space<hbm>>) target(%dma_start3A_261 : memref<100x128xf32, #tpu.memory_space<vmem>>) offsets(%dma_start3A_264 : memref<100xi32, #tpu.memory_space<vmem>>) semaphore(%arg14 : memref<!tpu.dma_semaphore, #tpu.memory_space<semaphore_mem>>)
        %dma_start3A_268 = arith.constant 3 : i32
        %dma_start3A_269 = arith.constant 300 : i32
        %dma_start3A_270 = arith.constant 0 : i32
        %dma_start3A_271 = tpu.memref_slice %arg8[%dma_start3A_269, %dma_start3A_270] : memref<400x128xf32, #tpu.memory_space<vmem>> -> memref<100x128xf32, #tpu.memory_space<vmem>>
        %dma_start3A_272 = arith.constant 0 : i32
        %dma_start3A_273 = tpu.memref_slice %arg6[%dma_start3A_268, %dma_start3A_272] : memref<4x100xi32, #tpu.memory_space<vmem>> -> memref<1x100xi32, #tpu.memory_space<vmem>>
        %dma_start3A_274 = tpu.memref_squeeze %dma_start3A_273 : memref<1x100xi32, #tpu.memory_space<vmem>> -> memref<100xi32, #tpu.memory_space<vmem>>
        %dma_start3A_275 = arith.constant 0 : i32
        %dma_start3A_276 = arith.constant 0 : i32
        %dma_start3A_277 = tpu.memref_slice %arg2[%dma_start3A_275, %dma_start3A_276] : memref<50000x128xf32, #tpu.memory_space<hbm>> -> memref<50000x128xf32, #tpu.memory_space<hbm>>
        tpu.enqueue_indirect_dma source(%dma_start3A_277 : memref<50000x128xf32, #tpu.memory_space<hbm>>) target(%dma_start3A_271 : memref<100x128xf32, #tpu.memory_space<vmem>>) offsets(%dma_start3A_274 : memref<100xi32, #tpu.memory_space<vmem>>) semaphore(%arg14 : memref<!tpu.dma_semaphore, #tpu.memory_space<semaphore_mem>>)
      } else {
      }
    }
    %dma_wait3A_147 = arith.constant 0 : i32
    %dma_wait3A_148 = arith.constant 0 : i32
    %dma_wait3A_149 = tpu.memref_slice %arg4[%dma_wait3A_147, %dma_wait3A_148] : memref<50000x128xf32, #tpu.memory_space<hbm>> -> memref<40x128xf32, #tpu.memory_space<hbm>>
    %dma_wait3A_150 = arith.constant 0 : i32
    %dma_wait3A_151 = arith.constant 0 : i32
    %dma_wait3A_152 = tpu.memref_slice %arg4[%dma_wait3A_150, %dma_wait3A_151] : memref<50000x128xf32, #tpu.memory_space<hbm>> -> memref<40x128xf32, #tpu.memory_space<hbm>>
    tpu.wait_dma2 semaphore(%arg15 : memref<!tpu.dma_semaphore, #tpu.memory_space<semaphore_mem>>) src(%arg9 : memref<40x128xf32, #tpu.memory_space<vmem>>) dst(%dma_wait3A_152 : memref<40x128xf32, #tpu.memory_space<hbm>>)
    %dma_wait3A_153 = arith.constant 0 : i32
    %dma_wait3A_154 = arith.constant 0 : i32
    %dma_wait3A_155 = tpu.memref_slice %arg4[%dma_wait3A_153, %dma_wait3A_154] : memref<50000x128xf32, #tpu.memory_space<hbm>> -> memref<40x128xf32, #tpu.memory_space<hbm>>
    %dma_wait3A_156 = arith.constant 0 : i32
    %dma_wait3A_157 = arith.constant 0 : i32
    %dma_wait3A_158 = tpu.memref_slice %arg4[%dma_wait3A_156, %dma_wait3A_157] : memref<50000x128xf32, #tpu.memory_space<hbm>> -> memref<40x128xf32, #tpu.memory_space<hbm>>
    tpu.wait_dma2 semaphore(%arg16 : memref<!tpu.dma_semaphore, #tpu.memory_space<semaphore_mem>>) src(%arg10 : memref<40x128xf32, #tpu.memory_space<vmem>>) dst(%dma_wait3A_158 : memref<40x128xf32, #tpu.memory_space<hbm>>)
    return
  }
}

module attributes {stable_mosaic.version = 14 : i64} {
  func.func @_tc_rel_body(%arg0: i32, %arg1: memref<1000x10xi32, #tpu.memory_space<vmem>>, %arg2: memref<128x128xf32, #tpu.memory_space<vmem>>, %arg3: memref<1000x128xf32, #tpu.memory_space<vmem>>) attributes {dimension_semantics = [#tpu.dimension_semantics<arbitrary>], iteration_bounds = array<i64: 50>, scalar_prefetch = 0 : i64, scratch_operands = 0 : i64, tpu.core_type = #tpu.core_type<tc>, window_params = [{transform_indices = @transform_0, window_bounds = array<i64: 1000, 10>}, {pipeline_mode = #tpu.pipeline_mode<synchronous>, transform_indices = @transform_1, window_bounds = array<i64: 128, 128>}, {transform_indices = @transform_2, window_bounds = array<i64: 1000, 128>}]} {
    %get3A = arith.constant 0 : index
    %get3A_0 = arith.constant 0 : index
    %get3A_1 = vector.load %arg1[%get3A, %get3A_0] : memref<1000x10xi32, #tpu.memory_space<vmem>>, vector<1000x10xi32>
    %iota3A = tpu.iota {dimensions = array<i32: 1>} : vector<1000x128xi32>
    %broadcast_in_dim3A = arith.constant 0.000000e+00 : f32
    %broadcast_in_dim3A_2 = vector.broadcast %broadcast_in_dim3A : f32 to vector<1000x128xf32>
    %slice3A = vector.extract_strided_slice %get3A_1 {offsets = [0, 0], sizes = [1000, 1], strides = [1, 1]} : vector<1000x10xi32> to vector<1000x1xi32>
    %squeeze3A = vector.shape_cast %slice3A : vector<1000x1xi32> to vector<1000xi32>
    %broadcast_in_dim3A_3 = vector.shape_cast %squeeze3A : vector<1000xi32> to vector<1000x1xi32>
    %eq3A = vector.broadcast %broadcast_in_dim3A_3 : vector<1000x1xi32> to vector<1000x128xi32>
    %eq3A_4 = arith.cmpi eq, %eq3A, %iota3A : vector<1000x128xi32>
    %jit3A = arith.constant 1.000000e-01 : f32
    %jit3A_5 = arith.constant 0.000000e+00 : f32
    %broadcast_in_dim3A_6 = vector.broadcast %jit3A : f32 to vector<1000x128xf32>
    %broadcast_in_dim3A_7 = vector.broadcast %jit3A_5 : f32 to vector<1000x128xf32>
    %select_n3A = arith.select %eq3A_4, %broadcast_in_dim3A_6, %broadcast_in_dim3A_7 : vector<1000x128xi1>, vector<1000x128xf32>
    %add3A = arith.addf %broadcast_in_dim3A_2, %select_n3A : vector<1000x128xf32>
    %slice3A_8 = vector.extract_strided_slice %get3A_1 {offsets = [0, 1], sizes = [1000, 1], strides = [1, 1]} : vector<1000x10xi32> to vector<1000x1xi32>
    %squeeze3A_9 = vector.shape_cast %slice3A_8 : vector<1000x1xi32> to vector<1000xi32>
    %broadcast_in_dim3A_10 = vector.shape_cast %squeeze3A_9 : vector<1000xi32> to vector<1000x1xi32>
    %eq3A_11 = vector.broadcast %broadcast_in_dim3A_10 : vector<1000x1xi32> to vector<1000x128xi32>
    %eq3A_12 = arith.cmpi eq, %eq3A_11, %iota3A : vector<1000x128xi32>
    %jit3A_13 = arith.constant 1.000000e-01 : f32
    %jit3A_14 = arith.constant 0.000000e+00 : f32
    %broadcast_in_dim3A_15 = vector.broadcast %jit3A_13 : f32 to vector<1000x128xf32>
    %broadcast_in_dim3A_16 = vector.broadcast %jit3A_14 : f32 to vector<1000x128xf32>
    %select_n3A_17 = arith.select %eq3A_12, %broadcast_in_dim3A_15, %broadcast_in_dim3A_16 : vector<1000x128xi1>, vector<1000x128xf32>
    %add3A_18 = arith.addf %add3A, %select_n3A_17 : vector<1000x128xf32>
    %slice3A_19 = vector.extract_strided_slice %get3A_1 {offsets = [0, 2], sizes = [1000, 1], strides = [1, 1]} : vector<1000x10xi32> to vector<1000x1xi32>
    %squeeze3A_20 = vector.shape_cast %slice3A_19 : vector<1000x1xi32> to vector<1000xi32>
    %broadcast_in_dim3A_21 = vector.shape_cast %squeeze3A_20 : vector<1000xi32> to vector<1000x1xi32>
    %eq3A_22 = vector.broadcast %broadcast_in_dim3A_21 : vector<1000x1xi32> to vector<1000x128xi32>
    %eq3A_23 = arith.cmpi eq, %eq3A_22, %iota3A : vector<1000x128xi32>
    %jit3A_24 = arith.constant 1.000000e-01 : f32
    %jit3A_25 = arith.constant 0.000000e+00 : f32
    %broadcast_in_dim3A_26 = vector.broadcast %jit3A_24 : f32 to vector<1000x128xf32>
    %broadcast_in_dim3A_27 = vector.broadcast %jit3A_25 : f32 to vector<1000x128xf32>
    %select_n3A_28 = arith.select %eq3A_23, %broadcast_in_dim3A_26, %broadcast_in_dim3A_27 : vector<1000x128xi1>, vector<1000x128xf32>
    %add3A_29 = arith.addf %add3A_18, %select_n3A_28 : vector<1000x128xf32>
    %slice3A_30 = vector.extract_strided_slice %get3A_1 {offsets = [0, 3], sizes = [1000, 1], strides = [1, 1]} : vector<1000x10xi32> to vector<1000x1xi32>
    %squeeze3A_31 = vector.shape_cast %slice3A_30 : vector<1000x1xi32> to vector<1000xi32>
    %broadcast_in_dim3A_32 = vector.shape_cast %squeeze3A_31 : vector<1000xi32> to vector<1000x1xi32>
    %eq3A_33 = vector.broadcast %broadcast_in_dim3A_32 : vector<1000x1xi32> to vector<1000x128xi32>
    %eq3A_34 = arith.cmpi eq, %eq3A_33, %iota3A : vector<1000x128xi32>
    %jit3A_35 = arith.constant 1.000000e-01 : f32
    %jit3A_36 = arith.constant 0.000000e+00 : f32
    %broadcast_in_dim3A_37 = vector.broadcast %jit3A_35 : f32 to vector<1000x128xf32>
    %broadcast_in_dim3A_38 = vector.broadcast %jit3A_36 : f32 to vector<1000x128xf32>
    %select_n3A_39 = arith.select %eq3A_34, %broadcast_in_dim3A_37, %broadcast_in_dim3A_38 : vector<1000x128xi1>, vector<1000x128xf32>
    %add3A_40 = arith.addf %add3A_29, %select_n3A_39 : vector<1000x128xf32>
    %slice3A_41 = vector.extract_strided_slice %get3A_1 {offsets = [0, 4], sizes = [1000, 1], strides = [1, 1]} : vector<1000x10xi32> to vector<1000x1xi32>
    %squeeze3A_42 = vector.shape_cast %slice3A_41 : vector<1000x1xi32> to vector<1000xi32>
    %broadcast_in_dim3A_43 = vector.shape_cast %squeeze3A_42 : vector<1000xi32> to vector<1000x1xi32>
    %eq3A_44 = vector.broadcast %broadcast_in_dim3A_43 : vector<1000x1xi32> to vector<1000x128xi32>
    %eq3A_45 = arith.cmpi eq, %eq3A_44, %iota3A : vector<1000x128xi32>
    %jit3A_46 = arith.constant 1.000000e-01 : f32
    %jit3A_47 = arith.constant 0.000000e+00 : f32
    %broadcast_in_dim3A_48 = vector.broadcast %jit3A_46 : f32 to vector<1000x128xf32>
    %broadcast_in_dim3A_49 = vector.broadcast %jit3A_47 : f32 to vector<1000x128xf32>
    %select_n3A_50 = arith.select %eq3A_45, %broadcast_in_dim3A_48, %broadcast_in_dim3A_49 : vector<1000x128xi1>, vector<1000x128xf32>
    %add3A_51 = arith.addf %add3A_40, %select_n3A_50 : vector<1000x128xf32>
    %slice3A_52 = vector.extract_strided_slice %get3A_1 {offsets = [0, 5], sizes = [1000, 1], strides = [1, 1]} : vector<1000x10xi32> to vector<1000x1xi32>
    %squeeze3A_53 = vector.shape_cast %slice3A_52 : vector<1000x1xi32> to vector<1000xi32>
    %broadcast_in_dim3A_54 = vector.shape_cast %squeeze3A_53 : vector<1000xi32> to vector<1000x1xi32>
    %eq3A_55 = vector.broadcast %broadcast_in_dim3A_54 : vector<1000x1xi32> to vector<1000x128xi32>
    %eq3A_56 = arith.cmpi eq, %eq3A_55, %iota3A : vector<1000x128xi32>
    %jit3A_57 = arith.constant 1.000000e-01 : f32
    %jit3A_58 = arith.constant 0.000000e+00 : f32
    %broadcast_in_dim3A_59 = vector.broadcast %jit3A_57 : f32 to vector<1000x128xf32>
    %broadcast_in_dim3A_60 = vector.broadcast %jit3A_58 : f32 to vector<1000x128xf32>
    %select_n3A_61 = arith.select %eq3A_56, %broadcast_in_dim3A_59, %broadcast_in_dim3A_60 : vector<1000x128xi1>, vector<1000x128xf32>
    %add3A_62 = arith.addf %add3A_51, %select_n3A_61 : vector<1000x128xf32>
    %slice3A_63 = vector.extract_strided_slice %get3A_1 {offsets = [0, 6], sizes = [1000, 1], strides = [1, 1]} : vector<1000x10xi32> to vector<1000x1xi32>
    %squeeze3A_64 = vector.shape_cast %slice3A_63 : vector<1000x1xi32> to vector<1000xi32>
    %broadcast_in_dim3A_65 = vector.shape_cast %squeeze3A_64 : vector<1000xi32> to vector<1000x1xi32>
    %eq3A_66 = vector.broadcast %broadcast_in_dim3A_65 : vector<1000x1xi32> to vector<1000x128xi32>
    %eq3A_67 = arith.cmpi eq, %eq3A_66, %iota3A : vector<1000x128xi32>
    %jit3A_68 = arith.constant 1.000000e-01 : f32
    %jit3A_69 = arith.constant 0.000000e+00 : f32
    %broadcast_in_dim3A_70 = vector.broadcast %jit3A_68 : f32 to vector<1000x128xf32>
    %broadcast_in_dim3A_71 = vector.broadcast %jit3A_69 : f32 to vector<1000x128xf32>
    %select_n3A_72 = arith.select %eq3A_67, %broadcast_in_dim3A_70, %broadcast_in_dim3A_71 : vector<1000x128xi1>, vector<1000x128xf32>
    %add3A_73 = arith.addf %add3A_62, %select_n3A_72 : vector<1000x128xf32>
    %slice3A_74 = vector.extract_strided_slice %get3A_1 {offsets = [0, 7], sizes = [1000, 1], strides = [1, 1]} : vector<1000x10xi32> to vector<1000x1xi32>
    %squeeze3A_75 = vector.shape_cast %slice3A_74 : vector<1000x1xi32> to vector<1000xi32>
    %broadcast_in_dim3A_76 = vector.shape_cast %squeeze3A_75 : vector<1000xi32> to vector<1000x1xi32>
    %eq3A_77 = vector.broadcast %broadcast_in_dim3A_76 : vector<1000x1xi32> to vector<1000x128xi32>
    %eq3A_78 = arith.cmpi eq, %eq3A_77, %iota3A : vector<1000x128xi32>
    %jit3A_79 = arith.constant 1.000000e-01 : f32
    %jit3A_80 = arith.constant 0.000000e+00 : f32
    %broadcast_in_dim3A_81 = vector.broadcast %jit3A_79 : f32 to vector<1000x128xf32>
    %broadcast_in_dim3A_82 = vector.broadcast %jit3A_80 : f32 to vector<1000x128xf32>
    %select_n3A_83 = arith.select %eq3A_78, %broadcast_in_dim3A_81, %broadcast_in_dim3A_82 : vector<1000x128xi1>, vector<1000x128xf32>
    %add3A_84 = arith.addf %add3A_73, %select_n3A_83 : vector<1000x128xf32>
    %slice3A_85 = vector.extract_strided_slice %get3A_1 {offsets = [0, 8], sizes = [1000, 1], strides = [1, 1]} : vector<1000x10xi32> to vector<1000x1xi32>
    %squeeze3A_86 = vector.shape_cast %slice3A_85 : vector<1000x1xi32> to vector<1000xi32>
    %broadcast_in_dim3A_87 = vector.shape_cast %squeeze3A_86 : vector<1000xi32> to vector<1000x1xi32>
    %eq3A_88 = vector.broadcast %broadcast_in_dim3A_87 : vector<1000x1xi32> to vector<1000x128xi32>
    %eq3A_89 = arith.cmpi eq, %eq3A_88, %iota3A : vector<1000x128xi32>
    %jit3A_90 = arith.constant 1.000000e-01 : f32
    %jit3A_91 = arith.constant 0.000000e+00 : f32
    %broadcast_in_dim3A_92 = vector.broadcast %jit3A_90 : f32 to vector<1000x128xf32>
    %broadcast_in_dim3A_93 = vector.broadcast %jit3A_91 : f32 to vector<1000x128xf32>
    %select_n3A_94 = arith.select %eq3A_89, %broadcast_in_dim3A_92, %broadcast_in_dim3A_93 : vector<1000x128xi1>, vector<1000x128xf32>
    %add3A_95 = arith.addf %add3A_84, %select_n3A_94 : vector<1000x128xf32>
    %slice3A_96 = vector.extract_strided_slice %get3A_1 {offsets = [0, 9], sizes = [1000, 1], strides = [1, 1]} : vector<1000x10xi32> to vector<1000x1xi32>
    %squeeze3A_97 = vector.shape_cast %slice3A_96 : vector<1000x1xi32> to vector<1000xi32>
    %broadcast_in_dim3A_98 = vector.shape_cast %squeeze3A_97 : vector<1000xi32> to vector<1000x1xi32>
    %eq3A_99 = vector.broadcast %broadcast_in_dim3A_98 : vector<1000x1xi32> to vector<1000x128xi32>
    %eq3A_100 = arith.cmpi eq, %eq3A_99, %iota3A : vector<1000x128xi32>
    %jit3A_101 = arith.constant 1.000000e-01 : f32
    %jit3A_102 = arith.constant 0.000000e+00 : f32
    %broadcast_in_dim3A_103 = vector.broadcast %jit3A_101 : f32 to vector<1000x128xf32>
    %broadcast_in_dim3A_104 = vector.broadcast %jit3A_102 : f32 to vector<1000x128xf32>
    %select_n3A_105 = arith.select %eq3A_100, %broadcast_in_dim3A_103, %broadcast_in_dim3A_104 : vector<1000x128xi1>, vector<1000x128xf32>
    %add3A_106 = arith.addf %add3A_95, %select_n3A_105 : vector<1000x128xf32>
    %get3A_107 = arith.constant 0 : index
    %get3A_108 = arith.constant 0 : index
    %get3A_109 = vector.load %arg2[%get3A_107, %get3A_108] : memref<128x128xf32, #tpu.memory_space<vmem>>, vector<128x128xf32>
    %dot_general3A = arith.constant dense<0.000000e+00> : vector<1000x128xf32>
    %dot_general3A_110 = tpu.matmul %add3A_106, %get3A_109, %dot_general3A {dimension_numbers = #tpu.dot_dimension_numbers<[1], [0], [0], [1], [0, 0, 1, 1], [], []>, transpose_lhs_hint = false} : vector<1000x128xf32>, vector<128x128xf32>, vector<1000x128xf32> -> vector<1000x128xf32>
    %swap3A = arith.constant 0 : index
    %swap3A_111 = arith.constant 0 : index
    %swap3A_112 = vector.load %arg3[%swap3A, %swap3A_111] : memref<1000x128xf32, #tpu.memory_space<vmem>>, vector<1000x128xf32>
    tpu.vector_store %arg3[%swap3A, %swap3A_111], %dot_general3A_110 {strides = array<i32>} : memref<1000x128xf32, #tpu.memory_space<vmem>>, vector<1000x128xf32>,
    return
  }
  func.func @transform_0(%arg0: i32) -> (i32, i32) {
    %c0_i32 = arith.constant 0 : i32
    %c0_i32_0 = arith.constant 0 : i32
    return %arg0, %c0_i32 : i32, i32
  }
  func.func @transform_1(%arg0: i32) -> (i32, i32) {
    %c0_i32 = arith.constant 0 : i32
    %c0_i32_0 = arith.constant 0 : i32
    %c0_i32_1 = arith.constant 0 : i32
    return %c0_i32, %c0_i32_0 : i32, i32
  }
  func.func @transform_2(%arg0: i32) -> (i32, i32) {
    %c0_i32 = arith.constant 0 : i32
    %c0_i32_0 = arith.constant 0 : i32
    return %arg0, %c0_i32 : i32, i32
  }
}

module attributes {stable_mosaic.version = 14 : i64} {
  func.func @_tc_final_body(%arg0: i32, %arg1: memref<1000x128xf32, #tpu.memory_space<vmem>>, %arg2: memref<1000x128xf32, #tpu.memory_space<vmem>>, %arg3: memref<128x128xf32, #tpu.memory_space<vmem>>, %arg4: memref<1000x128xf32, #tpu.memory_space<vmem>>) attributes {dimension_semantics = [#tpu.dimension_semantics<arbitrary>], iteration_bounds = array<i64: 50>, scalar_prefetch = 0 : i64, scratch_operands = 0 : i64, tpu.core_type = #tpu.core_type<tc>, window_params = [{transform_indices = @transform_0, window_bounds = array<i64: 1000, 128>}, {transform_indices = @transform_1, window_bounds = array<i64: 1000, 128>}, {pipeline_mode = #tpu.pipeline_mode<synchronous>, transform_indices = @transform_2, window_bounds = array<i64: 128, 128>}, {transform_indices = @transform_3, window_bounds = array<i64: 1000, 128>}]} {
    %get3A = arith.constant 0 : index
    %get3A_0 = arith.constant 0 : index
    %get3A_1 = vector.load %arg1[%get3A, %get3A_0] : memref<1000x128xf32, #tpu.memory_space<vmem>>, vector<1000x128xf32>
    %get3A_2 = arith.constant 0 : index
    %get3A_3 = arith.constant 0 : index
    %get3A_4 = vector.load %arg3[%get3A_2, %get3A_3] : memref<128x128xf32, #tpu.memory_space<vmem>>, vector<128x128xf32>
    %dot_general3A = arith.constant dense<0.000000e+00> : vector<1000x128xf32>
    %dot_general3A_5 = tpu.matmul %get3A_1, %get3A_4, %dot_general3A {dimension_numbers = #tpu.dot_dimension_numbers<[1], [1], [0], [0], [0, 0, 1, 0], [], []>, transpose_lhs_hint = false} : vector<1000x128xf32>, vector<128x128xf32>, vector<1000x128xf32> -> vector<1000x128xf32>
    %get3A_6 = arith.constant 0 : index
    %get3A_7 = arith.constant 0 : index
    %get3A_8 = vector.load %arg2[%get3A_6, %get3A_7] : memref<1000x128xf32, #tpu.memory_space<vmem>>, vector<1000x128xf32>
    %add3A = arith.addf %dot_general3A_5, %get3A_8 : vector<1000x128xf32>
    %max3A = arith.constant 0.000000e+00 : f32
    %max3A_9 = vector.broadcast %max3A : f32 to vector<1000x128xf32>
    %max3A_10 = arith.maximumf %add3A, %max3A_9 : vector<1000x128xf32>
    %swap3A = arith.constant 0 : index
    %swap3A_11 = arith.constant 0 : index
    %swap3A_12 = vector.load %arg4[%swap3A, %swap3A_11] : memref<1000x128xf32, #tpu.memory_space<vmem>>, vector<1000x128xf32>
    tpu.vector_store %arg4[%swap3A, %swap3A_11], %max3A_10 {strides = array<i32>} : memref<1000x128xf32, #tpu.memory_space<vmem>>, vector<1000x128xf32>,
    return
  }
  func.func @transform_0(%arg0: i32) -> (i32, i32) {
    %c0_i32 = arith.constant 0 : i32
    %c0_i32_0 = arith.constant 0 : i32
    return %arg0, %c0_i32 : i32, i32
  }
  func.func @transform_1(%arg0: i32) -> (i32, i32) {
    %c0_i32 = arith.constant 0 : i32
    %c0_i32_0 = arith.constant 0 : i32
    return %arg0, %c0_i32 : i32, i32
  }
  func.func @transform_2(%arg0: i32) -> (i32, i32) {
    %c0_i32 = arith.constant 0 : i32
    %c0_i32_0 = arith.constant 0 : i32
    %c0_i32_1 = arith.constant 0 : i32
    return %c0_i32, %c0_i32_0 : i32, i32
  }
  func.func @transform_3(%arg0: i32) -> (i32, i32) {
    %c0_i32 = arith.constant 0 : i32
    %c0_i32_0 = arith.constant 0 : i32
    return %arg0, %c0_i32 : i32, i32
  }
}

</mosaic_0001>

<sc_bundles>
// kernel: kernel.5.cloned.1.call-start
scs
__scs_entry_jumppad:
0x0: {  	(pc) =	sbr.rel $0x88, $3  }
0x1: {  	(tag) =	ssettag $0x0;
	lr =	simm.s32 $0x1  }
0x2: {  	[smem:$0x3F9C] =	sst lr;
	_ =	strace $0xD0000000  }
0x3: {  	_ = 	snop  }
0x4: {  	_ = 	snop  }
0x5: {  	_ = 	snop  }
0x6: {  	_ = 	snop  }
0x7: {  	_ = 	snop  }
__scs_overlays_trampoline_lowered:
0x8: {  	[smem:$0x3FAB] =	sst s0  }
0x9: {  	[smem:$0x3FAC] =	sst s1  }
0xa: {  	[smem:$0x3FAD] =	sst s2  }
0xb: {  	[smem:$0x3FAE] =	sst s3  }
0xc: {  	[smem:$0x3FAF] =	sst s4  }
0xd: {  	[smem:$0x3FB0] =	sst s5  }
0xe: {  	[smem:$0x3FB1] =	sst s6  }
0xf: {  	[smem:$0x3FB2] =	sst s7  }
0x10: {  	[smem:$0x3FB3] =	sst s8  }
0x11: {  	[smem:$0x3FB4] =	sst s9;
	s0 =	simm.s32 @!p0 $0x0  }
0x12: {  	s1 =	sld [smem:$0x3F9A];
	s0 =	simm.s32 @p0 $0x1  }
0x13: {  	[smem:$0x3FB5] =	sst s0;
	s0 =	simm.s32 @!p1 $0x0  }
0x14: {  	s2 =	sld [smem:$0x3F99];
	s0 =	simm.s32 @p1 $0x1  }
0x15: {  	[smem:$0x3FB6] =	sst s0;
	s0 =	simm.s32 @!p2 $0x0  }
0x16: {  	s3 =	sld [smem:$0x3FDB];
	s0 =	simm.s32 @p2 $0x1  }
0x17: {  	s4 =	simm.s32 $0x1BF5;
	[smem:$0x3FB8] =	sst s0  }
0x18: {  	s0 =	sld [smem:$0x3F9B];
	_ =	swait.ge [sflag:s4], $0x0  }
0x19: {  	s7 =	sld [smem:$0x3F9C]  }
0x1a: {  	s8 =	sadd.s32 $0xFFFFE003, lr  }
0x1b: {  	s9 =	sadd.s32 $0xFFFFFEF7, lr;
	s5 =	simm.s32 $0xFFFFFFFF;
	p2 =	slt.u32 s8, $0xFFFFF086  }
0x1c: {  	p1 =	slt.u32 s9, $0xF7A;
	s5 =	simm.s32 @!p2 $0x0  }
0x1d: {  	s5 =	simm.s32 @p1 $0x1;
	p0 =	seq.s32 s7, s2  }
0x1e: {  	s7 =	smul.u32 @!p0 $0xF7A, s2;
	p2 =	seq.s32 @!p0 s5, $0x0  }
0x1f: {  	s9 =	smul.u32 $0xF7A, s1;
	s8 =	simm.s32 @!p0 $0x1BF5;
	p2 =	por !p2, p0  }
0x20: {  	[sflag:s8] =	ssyncset.s32 @!p0 $0xFFFFF086;
	s6 =	sadd.s32 @!p0 s3, s7;
	s7 =	simm.s32 @!p0 $0x108  }
0x21: {  	s3 =	sadd.s32 s3, s9;
	s6 =	sadd.s32 @!p0 $0x88, s6;
	s7 =	simm.s32 @p2 $0x1082  }
0x22: {  	[simem:s7], [sflag:s8] =	dma.local @!p0 [hbm:s6], $0xF7A  }
0x23: {  	s9 =	sor.u32 $0xD0000000, s2;
	s6 =	simm.s32 $0x108;
	_ =	swait.ge @!p0 [sflag:s8], $0x0  }
0x24: {  	s3 =	sadd.s32 $0x88, s3;
	s6 =	simm.s32 @!p1 $0x1082;
	[sflag:s4] =	ssyncset.s32 $0xFFFFF086  }
0x25: {  	[simem:s6], [sflag:s4] =	dma.local [hbm:s3], $0xF7A  }
0x26: {  	[smem:$0x3F9C] =	sst s1;
	(tag) =	ssettag s2;
	_ =	strace s9  }
0x27: {  	s1 =	sld [smem:$0x3FAC]  }
0x28: {  	s2 =	sld [smem:$0x3FAD]  }
0x29: {  	s4 =	sld [smem:$0x3FAF]  }
0x2a: {  	p0 =	seq.s32 s5, $0x0;
	s5 =	sld [smem:$0x3FB0]  }
0x2b: {  	s6 =	sld [smem:$0x3FB1]  }
0x2c: {  	s7 =	sld [smem:$0x3FB2]  }
0x2d: {  	s3 =	simm.s32 $0x108;
	s8 =	sld [smem:$0x3FB3]  }
0x2e: {  	s3 =	simm.s32 @!p0 $0x1082;
	s9 =	sld [smem:$0x3FB4]  }
0x2f: {  	lr =	sadd.s32 s0, s3;
	s0 =	sld [smem:$0x3FAB]  }
0x30: {  	s3 =	sld [smem:$0x3FAE]  }
0x31: {  	[smem:$0x3FB7] =	sst s10  }
0x32: {  	s10 =	sld [smem:$0x3FB5];
	_ =	sdelay $0x3  }
0x33: {  	p0 =	seq.s32 s10, $0x1;
	s10 =	sld [smem:$0x3FB7];
	_ =	sdelay $0x3  }
0x34: {  	[smem:$0x3FB7] =	sst s10  }
0x35: {  	s10 =	sld [smem:$0x3FB6];
	_ =	sdelay $0x3  }
0x36: {  	p1 =	seq.s32 s10, $0x1;
	s10 =	sld [smem:$0x3FB7];
	_ =	sdelay $0x3  }
0x37: {  	[smem:$0x3FB7] =	sst s10  }
0x38: {  	s10 =	sld [smem:$0x3FB8]  }
0x39: {  	_ = 	snop;
	(pc) =	sbr.ind lr, $3  }
0x3a: {  	_ = 	snop  }
0x3b: {  	_ = 	snop  }
0x3c: {  	p2 =	seq.s32 s10, $0x1;
	s10 =	sld [smem:$0x3FB7]  }
0x3d: {  	_ =	shalt  }
0x3e: {  	_ =	shalt  }
0x3f: {  	_ =	shalt  }
0x40: {  	_ =	shalt  }
0x41: {  	_ =	shalt  }
0x42: {  	_ =	shalt  }
0x43: {  	_ =	shalt  }
0x44: {  	_ =	shalt  }
0x45: {  	_ =	shalt  }
0x46: {  	_ =	shalt  }
0x47: {  	_ =	shalt  }
0x48: {  	_ =	shalt  }
0x49: {  	_ =	shalt  }
0x4a: {  	_ =	shalt  }
0x4b: {  	_ =	shalt  }
0x4c: {  	_ =	shalt  }
0x4d: {  	_ =	shalt  }
0x4e: {  	_ =	shalt  }
0x4f: {  	_ =	shalt  }
0x50: {  	_ =	shalt  }
0x51: {  	_ =	shalt  }
0x52: {  	_ =	shalt  }
0x53: {  	_ =	shalt  }
0x54: {  	_ =	shalt  }
0x55: {  	_ =	shalt  }
0x56: {  	_ =	shalt  }
0x57: {  	_ =	shalt  }
0x58: {  	_ =	shalt  }
0x59: {  	_ =	shalt  }
0x5a: {  	_ =	shalt  }
0x5b: {  	_ =	shalt  }
0x5c: {  	_ =	shalt  }
0x5d: {  	_ =	shalt  }
0x5e: {  	_ =	shalt  }
0x5f: {  	_ =	shalt  }
0x60: {  	_ =	shalt  }
0x61: {  	_ =	shalt  }
0x62: {  	_ =	shalt  }
0x63: {  	_ =	shalt  }
0x64: {  	_ =	shalt  }
0x65: {  	_ =	shalt  }
0x66: {  	_ =	shalt  }
0x67: {  	_ =	shalt  }
0x68: {  	_ =	shalt  }
0x69: {  	_ =	shalt  }
0x6a: {  	_ =	shalt  }
0x6b: {  	_ =	shalt  }
0x6c: {  	_ =	shalt  }
0x6d: {  	_ =	shalt  }
0x6e: {  	_ =	shalt  }
0x6f: {  	_ =	shalt  }
0x70: {  	_ =	shalt  }
0x71: {  	_ =	shalt  }
0x72: {  	_ =	shalt  }
0x73: {  	_ =	shalt  }
0x74: {  	_ =	shalt  }
0x75: {  	_ =	shalt  }
0x76: {  	_ =	shalt  }
0x77: {  	_ =	shalt  }
0x78: {  	_ =	shalt  }
0x79: {  	_ =	shalt  }
0x7a: {  	_ =	shalt  }
0x7b: {  	_ =	shalt  }
0x7c: {  	_ =	shalt  }
0x7d: {  	_ =	shalt  }
0x7e: {  	_ =	shalt  }
0x7f: {  	_ =	shalt  }
0x80: {  	_ =	shalt  }
0x81: {  	_ =	shalt  }
0x82: {  	_ =	shalt  }
0x83: {  	_ =	shalt  }
0x84: {  	_ =	shalt  }
0x85: {  	_ =	shalt  }
0x86: {  	_ =	shalt  }
0x87: {  	_ =	shalt  }
.Lfunc_end0:
.L_simem_size_0:
called_computation_lowered:
.L_overlay_start_0:
0x88: {  	s2 =	sld [smem:$0x3FD9]  }
0x89: {  	s3 =	sld [smem:$0x3FFE];
	_ =	sdelay $0x1  }
0x8a: {  	s1 =	srdreg.scid  }
0x8b: {  	s0 =	sand.u32 $0x1, s1  }
0x8c: {  	s17 =	sshll.u32 s0, $0xA;
	s2 =	sadd.s32 s3, s2  }
0x8d: {  	s2 =	sadd.s32 s2, s17  }
0x8e: {  	[smem:$0x3FC3] =	sst s2  }
0x8f: {  	_ = 	snop  }
0x90: {  	s2 =	sld [smem:$0x3FC7];
	(tm) =	ssettm $0x1  }
0x91: {  	s18 =	sld [smem:$0x3FFB];
	_ =	sdelay $0x3  }
0x92: {  	_ =	strace s18  }
0x93: {  	s3 =	sld [smem:$0x3FFC];
	_ =	sdelay $0x3  }
0x94: {  	_ =	strace s3  }
0x95: {  	s3 =	sld [smem:$0x3FFD];
	_ =	sdelay $0x3  }
0x96: {  	_ =	strace s3  }
0x97: {  	_ =	strace $0x8FFFFFFF  }
0x98: {  	s19 =	sld [smem:$0x3FDB];
	_ =	sdelay $0x1  }
0x99: {  	s4 =	simm.s32 $_scs_section_size  }
0x9a: {  	s5 =	simm.s32 $_size__tile_overlayer_lowered;
	s6 =	simm.s32 $_tile_overlayer_lowered  }
0x9b: {  	s22 =	simm.s32 $0x1BFF;
	s21 =	sshll.u32 s6, $0x1;
	s3 =	sadd.s32 s4, s19  }
0x9c: {  	s7 =	simm.s32 $0x0;
	s20 =	sshll.u32 s5, $0x1;
	s5 =	sadd.s32 s21, s3  }
0x9d: {  	[timem:s7], [sflag:s22] =	dma.local [hbm:s5], s20  }
0x9e: {  	_ =	swait.ge [sflag:s22], s20  }
0x9f: {  	s4 =	ssub.s32 $0x0, s20;
	[sflag:s22] =	ssyncset.done $0x0  }
0xa0: {  	[sflag:s22] =	ssyncadd.s32 s4;
	_ =	sdelay $0x1  }
0xa1: {  	s23 =	simm.s32 $0x1B8B  }
0xa2: {  	_ =	swait.ge [sflag:s23], $0x1  }
0xa3: {  	[sflag:s23] =	ssyncset.done $0x0  }
0xa4: {  	s25 =	simm.s32 $0x1B8E;
	s24 =	sld [smem:$0x3FFE];
	[sflag:s23] =	ssyncadd.s32 $0xFFFFFFFF  }
0xa5: {  	s26 =	simm.s32 $execute0_lowered;
	[smem:$0x3FD2] =	sst s25  }
0xa6: {  	s5 =	sshll.u32 s26, $0x1;
	_ =	strace $0x80000046;
	[dreg:$0x1] =	wrdreg $0xFFFFFFFF  }
0xa7: {  	s28 =	simm.s32 $_size_execute0_lowered;
	s3 =	sadd.s32 s3, s5;
	[dreg:$0x0] =	wrdreg $0x0  }
0xa8: {  	s5 =	sshll.u32 s28, $0x1;
	[dreg:$0x2] =	wrdreg s3  }
0xa9: {  	[dreg:$0x3] =	wrdreg s5  }
0xaa: {  	[dreg:$0x4] =	wrdreg $0xC0  }
0xab: {  	_ =	task [dreg:s7], $0x5FFFF  }
0xac: {  	[dreg:$0x1] =	wrdreg $0xFFFFFFFF  }
0xad: {  	[dreg:$0x0] =	wrdreg $0x60  }
0xae: {  	[dreg:$0x2] =	wrdreg s2  }
0xaf: {  	[dreg:$0x3] =	wrdreg s24  }
0xb0: {  	[dreg:$0x4] =	wrdreg $0x9  }
0xb1: {  	_ =	task.clear_ibuf [dreg:s7], $0x5FFFF;
	_ =	strace $0x90000046  }
0xb2: {  	s29 =	simm.s32 $0x9;
	_ =	strace $0x80000048  }
0xb3: {  	_ =	swait.ge [sflag:s29], $0x1  }
0xb4: {  	[sflag:s29] =	ssyncadd.s32 $0xFFFFFFFF  }
0xb5: {  	_ =	strace $0x90000048  }
0xb6: {  	_ =	sfence  }
0xb7: {  	s30 =	sld [smem:$0x0];
	_ =	sdelay $0x2  }
0xb8: {  	s31 =	sshll.u32 s1, $0xD;
	s1 =	sshrl.u32 s1, $0x2  }
0xb9: {  	s3 =	sand.u32 $0x4000, s31;
	s1 =	sadd.s32 s1, s30  }
0xba: {  	s0 =	sor.u32 s3, s0;
	s1 =	sshll.u32 s1, $0x11  }
0xbb: {  	s0 =	sor.u32 s1, s0  }
0xbc: {  	s0 =	sadd.s32 $0x8F2B, s0  }
0xbd: {  	[sflag:s0] =	ssyncadd.remote.s32 $0x1  }
0xbe: {  	_ =	sfence.sel $0xFFFF  }
0xbf: {  	[dreg:$0x0] =	wrdreg $0xFFFFFFFF;
	(pc) =	sbr.abs _section_cstart, $3  }
0xc0: {  	[dreg:$0x1] =	wrdreg $0xFFFFFFFF  }
0xc1: {  	_ =	task.clear_ibuf [dreg:s7], $0x2FFFF;
	_ =	strace $0x9FFFFFFF  }
0xc2: {  	(tm) =	ssettm $0x7FFFFFFF  }
0xc3: {  	_ =	shalt  }
tec
execute0_lowered:
.L_overlay_start_1:
0x0: {  	(tag) =	ssettag $0x1  }
0x1: {  	s0 =	srdreg.scid  }
0x2: {  	s1 =	stileid.u32;
	s2 =	rddreg [dreg:$0x0]  }
0x3: {  	s6 =	rddreg [dreg:$0x1];
	s3 =	simm.s32 $0x0;
	s7 =	simm.s32 $0x28  }
0x4: {  	s12 =	simm.s32 $0x200;
	s13 =	simm.s32 $0x1;
	s14 =	simm.s32 $0x64  }
0x5: {  	s22 =	simm.s32 $0x2;
	s28 =	simm.s32 $0x13000;
	s29 =	simm.s32 $0x380  }
0x6: {  	s30 =	simm.s32 $0x16200;
	s0 =	sand.u32 $0x1, s0;
	s1 =	sshll.u32 s1, $0x1  }
0x7: {  	s31 =	simm.s32 $0x3;
	s15 =	simm.s32 $0x1A800;
	s1 =	sor.u32 s0, s1  }
0x8: {  	s16 =	simm.s32 $0x5;
	s17 =	simm.s32 $0x6;
	s4 =	smul.u32 $0x26, s1  }
0x9: {  	s18 =	simm.s32 $0x0;
	[smem:$0x7FF] =	sst s3;
	s5 =	smul.u32 $0x28, s1  }
0xa: {  	s0 =	ssub.s32 $0x2, s0;
	p0 =	slt.u32 s1, $0x11;
	s4 =	sadd.s32 $0x22, s4  }
0xb: {  	_ =	strace $0x80000047;
	s9 =	sshrl.u32 s0, $0x1;
	s4 =	smov.u32 @p0 s5  }
0xc: {  	s0 =	ssub.s32 s0, s9;
	s7 =	simm.s32 @!p0 $0x26;
	s26 =	sshll.u32 s4, $0x6  }
0xd: {  	s10 =	sshrl.u32 s7, $0x1;
	s5 =	sadd.s32 $0xA00, s6;
	s1 =	sand.u32 $0x1FFFFF80, s26  }
0xe: {  	s11 =	smax.u32 s0, $0x1;
	s0 =	simm.s32 $0x4;
	s8 =	sadd.s32 s5, s1  }
0xf: {  	s6 =	sadd.s32 $0x14400, s6;
	s1 =	simm.s32 $0x19400;
	s9 =	sadd.s32 $0x40, s8  }
.LBB2_1:
0x10: {  	[tilespmem:s3], [sflag:$0x1] =	stream.linear.gather [hbm4b:s8+s3], $0x200, $0x38;
	[tilespmem:$0x1BC00] =	vst v63  }
0x11: {  	_ = 	snop  }
0x12: {  	[tilespmem:s12], [sflag:$0x2] =	stream.linear.gather [hbm4b:s9+s3], $0x200, $0x38;
	[tilespmem:$0x1BC00] =	vst v63  }
0x13: {  	_ =	swait.ge [sflag:s13], $0x200  }
0x14: {  	[sflag:s13] =	ssyncset.done $0x0  }
0x15: {  	s19 =	simm.s32 $0x400;
	[sflag:s13] =	ssyncadd.s32 $0xFFFFFE00  }
0x16: {  	[tilespmem:s19], [sflag:$0x3] =	stream.indirect.gather [hbm4b:s2+s14], $0x80, s3, s14, $0xb8;
	[tilespmem:$0x1BC00] =	vst v63  }
0x17: {  	s24 =	simm.s32 $0x80;
	s20 =	simm.s32 $0x3600  }
0x18: {  	[tilespmem:s20], [sflag:$0x3] =	stream.indirect.gather [hbm4b:s2+s14], $0x80, s24, s14, $0xb8;
	[tilespmem:$0x1BC00] =	vst v63  }
0x19: {  	s25 =	simm.s32 $0x100;
	s26 =	simm.s32 $0x6800  }
0x1a: {  	[tilespmem:s26], [sflag:$0x3] =	stream.indirect.gather [hbm4b:s2+s14], $0x80, s25, s14, $0xb8;
	[tilespmem:$0x1BC00] =	vst v63  }
0x1b: {  	s21 =	simm.s32 $0x9A00;
	s20 =	simm.s32 $0x180  }
0x1c: {  	[tilespmem:s21], [sflag:$0x3] =	stream.indirect.gather [hbm4b:s2+s14], $0x80, s20, s14, $0xb8;
	[tilespmem:$0x1BC00] =	vst v63  }
0x1d: {  	_ =	swait.ge [sflag:s22], $0x200  }
0x1e: {  	[sflag:s22] =	ssyncset.done $0x0  }
0x1f: {  	s23 =	simm.s32 $0xCC00;
	[sflag:s22] =	ssyncadd.s32 $0xFFFFFE00  }
0x20: {  	[tilespmem:s23], [sflag:$0x4] =	stream.indirect.gather [hbm4b:s2+s14], $0x80, s12, s14, $0xb8;
	[tilespmem:$0x1BC00] =	vst v63  }
0x21: {  	s24 =	simm.s32 $0x280;
	s25 =	simm.s32 $0xFE00  }
0x22: {  	[tilespmem:s25], [sflag:$0x4] =	stream.indirect.gather [hbm4b:s2+s14], $0x80, s24, s14, $0xb8;
	[tilespmem:$0x1BC00] =	vst v63  }
0x23: {  	s26 =	simm.s32 $0x300  }
0x24: {  	[tilespmem:s28], [sflag:$0x4] =	stream.indirect.gather [hbm4b:s2+s14], $0x80, s26, s14, $0xb8;
	[tilespmem:$0x1BC00] =	vst v63  }
0x25: {  	s19 =	simm.s32 $0x0  }
0x26: {  	[tilespmem:s30], [sflag:$0x4] =	stream.indirect.gather [hbm4b:s2+s14], $0x80, s29, s14, $0xb8;
	[tilespmem:$0x1BC00] =	vst v63  }
.LBB2_2:
0x27: {  	s20 =	sshll.u32 s19, $0x1  }
0x28: {  	s21 =	sadd.s32 $0x2, s20  }
0x29: {  	p1 =	sge.u32 s21, s7  }
0x2a: {  	_ =	swait.ge [sflag:s31], $0xC800;
	s21 =	sadd.s32 @!p1 s4, s21  }
0x2b: {  	p0 =	seq.s32 s19, $0x0;
	[sflag:s31] =	ssyncset.done $0x0;
	s21 =	sshll.u32 @!p1 s21, $0x6  }
0x2c: {  	[sflag:s31] =	ssyncadd.s32 $0xFFFF3800;
	s23 =	simm.s32 @!p1 $0x0;
	s21 =	sadd.s32 @!p1 s5, s21  }
0x2d: {  	[tilespmem:s23], [sflag:$0x1] =	stream.linear.gather @!p1 [hbm4b:s21+s23], $0x200, $0x38;
	[tilespmem:$0x1BC00] =	vst v63  }
0x2e: {  	s21 =	simm.s32 @!p0 $0x5  }
0x2f: {  	_ =	swait.ge @!p0 [sflag:s21], $0x1400  }
0x30: {  	[sflag:s21] =	ssyncset.done @!p0 $0x0  }
0x31: {  	[sflag:s21] =	ssyncadd.s32 @!p0 $0xFFFFEC00;
	s21 =	simm.s32 $0x680  }
0x32: {  	v0 =	vld [tilespmem:s21+$0xFFFFFD80]  }
0x33: {  	v1 =	vld [tilespmem:s21+$0x100]  }
0x34: {  	v2 =	vld [tilespmem:s21+$0x80]  }
0x35: {  	v3 =	vld [tilespmem:s21+$0x0]  }
0x36: {  	v4 =	vld [tilespmem:s21+$0xFFFFFF80]  }
0x37: {  	v5 =	vld [tilespmem:s21+$0xFFFFFF00]  }
0x38: {  	v6 =	vld [tilespmem:s21+$0xFFFFFE80]  }
0x39: {  	v7 =	vld [tilespmem:s21+$0xFFFFFE00];
	_ =	sdelay $0x2  }
0x3a: {  	v8 =	vld [tilespmem:s21+$0x200]  }
0x3b: {  	v1 =	vadd.f32 v1, v2;
	v2 =	vadd.f32 v3, v4;
	v3 =	vld [tilespmem:s21+$0x180]  }
0x3c: {  	v36 =	vadd.f32 v5, v6;
	v0 =	vadd.f32 v7, v0;
	_ =	sdelay $0x1  }
0x3d: {  	v0 =	vadd.f32 v36, v0;
	v1 =	vadd.f32 v1, v2;
	_ =	sdelay $0x1  }
0x3e: {  	v0 =	vadd.f32 v1, v0;
	v2 =	vadd.f32 v8, v3;
	_ =	sdelay $0x1  }
0x3f: {  	v0 =	vadd.f32 v2, v0;
	_ =	sdelay $0x1  }
0x40: {  	v0 =	vmul.f32 $1.000000010e-01, v0  }
0x41: {  	s23 =	simm.s32 $0x0  }
0x42: {  	[tilespmem:s23+$0x19400] =	vst v0  }
0x43: {  	v0 =	vld [tilespmem:s21+$0x110]  }
0x44: {  	v1 =	vld [tilespmem:s21+$0xFFFFFF10]  }
0x45: {  	v2 =	vld [tilespmem:s21+$0x10]  }
0x46: {  	v3 =	vld [tilespmem:s21+$0xFFFFFE90]  }
0x47: {  	v37 =	vld [tilespmem:s21+$0xFFFFFD90]  }
0x48: {  	v38 =	vld [tilespmem:s21+$0x90]  }
0x49: {  	v39 =	vld [tilespmem:s21+$0xFFFFFF90]  }
0x4a: {  	v40 =	vld [tilespmem:s21+$0xFFFFFE10];
	_ =	sdelay $0x2  }
0x4b: {  	v41 =	vld [tilespmem:s21+$0x190]  }
0x4c: {  	v1 =	vadd.f32 v1, v3;
	v0 =	vadd.f32 v0, v38;
	v3 =	vld [tilespmem:s21+$0x210]  }
0x4d: {  	v2 =	vadd.f32 v2, v39;
	v4 =	vadd.f32 v40, v37;
	_ =	sdelay $0x1  }
0x4e: {  	v1 =	vadd.f32 v1, v4;
	v0 =	vadd.f32 v0, v2;
	_ =	sdelay $0x1  }
0x4f: {  	v0 =	vadd.f32 v0, v1;
	v2 =	vadd.f32 v3, v41;
	_ =	sdelay $0x1  }
0x50: {  	v0 =	vadd.f32 v2, v0;
	_ =	sdelay $0x1  }
0x51: {  	v0 =	vmul.f32 $1.000000010e-01, v0;
	_ =	sdelay $0x1  }
0x52: {  	[tilespmem:s23+$0x19410] =	vst v0  }
0x53: {  	v0 =	vld [tilespmem:s21+$0x120]  }
0x54: {  	v1 =	vld [tilespmem:s21+$0xFFFFFE20]  }
0x55: {  	v2 =	vld [tilespmem:s21+$0xA0]  }
0x56: {  	v3 =	vld [tilespmem:s21+$0xFFFFFF20]  }
0x57: {  	v42 =	vld [tilespmem:s21+$0x20]  }
0x58: {  	v43 =	vld [tilespmem:s21+$0xFFFFFEA0]  }
0x59: {  	v44 =	vld [tilespmem:s21+$0xFFFFFDA0]  }
0x5a: {  	v45 =	vld [tilespmem:s21+$0xFFFFFFA0];
	_ =	sdelay $0x2  }
0x5b: {  	v46 =	vld [tilespmem:s21+$0x1A0]  }
0x5c: {  	v0 =	vadd.f32 v0, v2;
	v2 =	vadd.f32 v3, v43;
	v3 =	vld [tilespmem:s21+$0x220]  }
0x5d: {  	v1 =	vadd.f32 v1, v44;
	v4 =	vadd.f32 v42, v45;
	_ =	sdelay $0x1  }
0x5e: {  	v1 =	vadd.f32 v2, v1;
	v0 =	vadd.f32 v0, v4;
	_ =	sdelay $0x1  }
0x5f: {  	v0 =	vadd.f32 v0, v1;
	v2 =	vadd.f32 v3, v46;
	_ =	sdelay $0x1  }
0x60: {  	v0 =	vadd.f32 v2, v0;
	_ =	sdelay $0x1  }
0x61: {  	v0 =	vmul.f32 $1.000000010e-01, v0;
	_ =	sdelay $0x1  }
0x62: {  	[tilespmem:s23+$0x19420] =	vst v0  }
0x63: {  	v0 =	vld [tilespmem:s21+$0x130]  }
0x64: {  	v1 =	vld [tilespmem:s21+$0xFFFFFE30]  }
0x65: {  	v2 =	vld [tilespmem:s21+$0xB0]  }
0x66: {  	v3 =	vld [tilespmem:s21+$0x30]  }
0x67: {  	v47 =	vld [tilespmem:s21+$0xFFFFFFB0]  }
0x68: {  	v48 =	vld [tilespmem:s21+$0xFFFFFF30]  }
0x69: {  	v49 =	vld [tilespmem:s21+$0xFFFFFEB0]  }
0x6a: {  	v50 =	vld [tilespmem:s21+$0xFFFFFDB0];
	_ =	sdelay $0x2  }
0x6b: {  	v51 =	vld [tilespmem:s21+$0x1B0]  }
0x6c: {  	v0 =	vadd.f32 v0, v2;
	v2 =	vld [tilespmem:s21+$0x230];
	v3 =	vadd.f32 v3, v47  }
0x6d: {  	v52 =	vadd.f32 v48, v49;
	v1 =	vadd.f32 v1, v50;
	_ =	sdelay $0x1  }
0x6e: {  	v1 =	vadd.f32 v52, v1;
	v0 =	vadd.f32 v0, v3;
	_ =	sdelay $0x1  }
0x6f: {  	v0 =	vadd.f32 v0, v1;
	v2 =	vadd.f32 v2, v51;
	_ =	sdelay $0x1  }
0x70: {  	v0 =	vadd.f32 v2, v0;
	_ =	sdelay $0x1  }
0x71: {  	v0 =	vmul.f32 $1.000000010e-01, v0;
	_ =	sdelay $0x1  }
0x72: {  	[tilespmem:s23+$0x19430] =	vst v0  }
0x73: {  	v0 =	vld [tilespmem:s21+$0xFFFFFFC0]  }
0x74: {  	v1 =	vld [tilespmem:s21+$0xFFFFFE40]  }
0x75: {  	v2 =	vld [tilespmem:s21+$0x40]  }
0x76: {  	v3 =	vld [tilespmem:s21+$0x140]  }
0x77: {  	v53 =	vld [tilespmem:s21+$0xC0]  }
0x78: {  	v54 =	vld [tilespmem:s21+$0xFFFFFF40]  }
0x79: {  	v55 =	vld [tilespmem:s21+$0xFFFFFDC0]  }
0x7a: {  	v56 =	vld [tilespmem:s21+$0xFFFFFEC0];
	_ =	sdelay $0x2  }
0x7b: {  	v57 =	vld [tilespmem:s21+$0x1C0]  }
0x7c: {  	v9 =	vld [tilespmem:s21+$0x240];
	v3 =	vadd.f32 v3, v53;
	v0 =	vadd.f32 v2, v0  }
0x7d: {  	v1 =	vadd.f32 v1, v55;
	v2 =	vadd.f32 v54, v56;
	_ =	sdelay $0x1  }
0x7e: {  	v0 =	vadd.f32 v3, v0;
	v1 =	vadd.f32 v2, v1;
	_ =	sdelay $0x1  }
0x7f: {  	v2 =	vadd.f32 v9, v57;
	v0 =	vadd.f32 v0, v1;
	_ =	sdelay $0x1  }
0x80: {  	v0 =	vadd.f32 v2, v0;
	_ =	sdelay $0x1  }
0x81: {  	v0 =	vmul.f32 $1.000000010e-01, v0;
	_ =	sdelay $0x1  }
0x82: {  	[tilespmem:s23+$0x19440] =	vst v0  }
0x83: {  	v0 =	vld [tilespmem:s21+$0x150]  }
0x84: {  	v1 =	vld [tilespmem:s21+$0xFFFFFE50]  }
0x85: {  	v2 =	vld [tilespmem:s21+$0xD0]  }
0x86: {  	v3 =	vld [tilespmem:s21+$0x50]  }
0x87: {  	v58 =	vld [tilespmem:s21+$0xFFFFFFD0]  }
0x88: {  	v59 =	vld [tilespmem:s21+$0xFFFFFF50]  }
0x89: {  	v60 =	vld [tilespmem:s21+$0xFFFFFDD0]  }
0x8a: {  	v61 =	vld [tilespmem:s21+$0xFFFFFED0];
	_ =	sdelay $0x2  }
0x8b: {  	v62 =	vld [tilespmem:s21+$0x1D0]  }
0x8c: {  	v0 =	vadd.f32 v0, v2;
	v2 =	vld [tilespmem:s21+$0x250];
	v3 =	vadd.f32 v3, v58  }
0x8d: {  	v1 =	vadd.f32 v1, v60;
	v63 =	vadd.f32 v59, v61;
	_ =	sdelay $0x1  }
0x8e: {  	v0 =	vadd.f32 v0, v3;
	v1 =	vadd.f32 v63, v1;
	_ =	sdelay $0x1  }
0x8f: {  	v0 =	vadd.f32 v0, v1;
	v2 =	vadd.f32 v2, v62;
	_ =	sdelay $0x1  }
0x90: {  	s25 =	simm.s32 $0x200;
	s24 =	simm.s32 $0x680;
	v0 =	vadd.f32 v2, v0  }
.LBB2_3:
0x91: {  	p2 =	sne.s32 s25, $0x4E00  }
0x92: {  	s21 =	sadd.s32 $0x500, s21;
	s26 =	smov.u32 s25;
	s25 =	sadd.s32 $0x200, s25  }
0x93: {  	v0 =	vmul.f32 $1.000000010e-01, v0;
	_ =	sdelay $0x1  }
0x94: {  	[tilespmem:s23+$0x19450] =	vst v0  }
0x95: {  	v0 =	vld [tilespmem:s24+$0xFFFFFDE0]  }
0x96: {  	v1 =	vld [tilespmem:s24+$0xFFFFFE60]  }
0x97: {  	v2 =	vld [tilespmem:s24+$0xFFFFFEE0]  }
0x98: {  	v3 =	vld [tilespmem:s24+$0x160]  }
0x99: {  	v4 =	vld [tilespmem:s24+$0xFFFFFFE0]  }
0x9a: {  	v5 =	vld [tilespmem:s24+$0x60]  }
0x9b: {  	v6 =	vld [tilespmem:s24+$0xE0];
	v0 =	vadd.f32 v1, v0  }
0x9c: {  	v1 =	vld [tilespmem:s24+$0x1E0]  }
0x9d: {  	v7 =	vld [tilespmem:s24+$0xFFFFFF60]  }
0x9e: {  	v8 =	vld [tilespmem:s24+$0x260];
	_ =	sdelay $0x2  }
0x9f: {  	v4 =	vadd.f32 v5, v4  }
0xa0: {  	v3 =	vadd.f32 v3, v6;
	v2 =	vadd.f32 v7, v2;
	_ =	sdelay $0x1  }
0xa1: {  	v0 =	vadd.f32 v2, v0;
	v2 =	vadd.f32 v3, v4;
	_ =	sdelay $0x1  }
0xa2: {  	v1 =	vadd.f32 v8, v1;
	v0 =	vadd.f32 v2, v0;
	_ =	sdelay $0x1  }
0xa3: {  	v0 =	vadd.f32 v1, v0;
	_ =	sdelay $0x1  }
0xa4: {  	v0 =	vmul.f32 $1.000000010e-01, v0;
	_ =	sdelay $0x1  }
0xa5: {  	[tilespmem:s23+$0x19460] =	vst v0  }
0xa6: {  	v0 =	vld [tilespmem:s24+$0xFFFFFDF0]  }
0xa7: {  	v1 =	vld [tilespmem:s24+$0xFFFFFE70]  }
0xa8: {  	v2 =	vld [tilespmem:s24+$0xFFFFFF70]  }
0xa9: {  	v3 =	vld [tilespmem:s24+$0xFFFFFFF0]  }
0xaa: {  	v4 =	vld [tilespmem:s24+$0x70]  }
0xab: {  	v5 =	vld [tilespmem:s24+$0xF0]  }
0xac: {  	v6 =	vld [tilespmem:s24+$0x170];
	v0 =	vadd.f32 v1, v0  }
0xad: {  	v1 =	vld [tilespmem:s24+$0x1F0]  }
0xae: {  	v7 =	vld [tilespmem:s24+$0x270]  }
0xaf: {  	v3 =	vadd.f32 v4, v3  }
0xb0: {  	v4 =	vld [tilespmem:s24+$0xFFFFFEF0];
	s24 =	smov.u32 s21  }
0xb1: {  	v5 =	vadd.f32 v6, v5;
	_ =	sdelay $0x3  }
0xb2: {  	v2 =	vadd.f32 v2, v4;
	_ =	sdelay $0x1  }
0xb3: {  	v0 =	vadd.f32 v2, v0;
	v2 =	vadd.f32 v5, v3;
	_ =	sdelay $0x1  }
0xb4: {  	v1 =	vadd.f32 v7, v1;
	v0 =	vadd.f32 v2, v0;
	_ =	sdelay $0x1  }
0xb5: {  	v0 =	vadd.f32 v1, v0;
	_ =	sdelay $0x1  }
0xb6: {  	v0 =	vmul.f32 $1.000000010e-01, v0;
	_ =	sdelay $0x1  }
0xb7: {  	[tilespmem:s23+$0x19470] =	vst v0  }
0xb8: {  	v0 =	vld [tilespmem:s21+$0xFFFFFD80]  }
0xb9: {  	v1 =	vld [tilespmem:s21+$0x100]  }
0xba: {  	v2 =	vld [tilespmem:s21+$0x80]  }
0xbb: {  	v3 =	vld [tilespmem:s21+$0x0]  }
0xbc: {  	v4 =	vld [tilespmem:s21+$0xFFFFFF80]  }
0xbd: {  	v5 =	vld [tilespmem:s21+$0xFFFFFF00]  }
0xbe: {  	v6 =	vld [tilespmem:s21+$0xFFFFFE80]  }
0xbf: {  	v7 =	vld [tilespmem:s21+$0xFFFFFE00];
	v1 =	vadd.f32 v1, v2;
	_ =	sdelay $0x1  }
0xc0: {  	v2 =	vadd.f32 v3, v4  }
0xc1: {  	v3 =	vld [tilespmem:s21+$0x200]  }
0xc2: {  	v4 =	vld [tilespmem:s21+$0x180];
	v5 =	vadd.f32 v5, v6  }
0xc3: {  	v0 =	vadd.f32 v7, v0;
	_ =	sdelay $0x1  }
0xc4: {  	v1 =	vadd.f32 v1, v2;
	v0 =	vadd.f32 v5, v0;
	_ =	sdelay $0x1  }
0xc5: {  	v2 =	vadd.f32 v3, v4;
	v0 =	vadd.f32 v1, v0;
	_ =	sdelay $0x1  }
0xc6: {  	v0 =	vadd.f32 v2, v0;
	_ =	sdelay $0x1  }
0xc7: {  	v0 =	vmul.f32 $1.000000010e-01, v0  }
0xc8: {  	s23 =	sshra.s32 s26, $0x2  }
0xc9: {  	[tilespmem:s23+$0x19400] =	vst v0  }
0xca: {  	v0 =	vld [tilespmem:s21+$0x110]  }
0xcb: {  	v1 =	vld [tilespmem:s21+$0xFFFFFF10]  }
0xcc: {  	v2 =	vld [tilespmem:s21+$0x10]  }
0xcd: {  	v3 =	vld [tilespmem:s21+$0xFFFFFE90]  }
0xce: {  	v4 =	vld [tilespmem:s21+$0xFFFFFD90]  }
0xcf: {  	v5 =	vld [tilespmem:s21+$0x90]  }
0xd0: {  	v6 =	vld [tilespmem:s21+$0xFFFFFF90]  }
0xd1: {  	v7 =	vld [tilespmem:s21+$0xFFFFFE10];
	_ =	sdelay $0x2  }
0xd2: {  	v1 =	vadd.f32 v1, v3;
	v8 =	vld [tilespmem:s21+$0x190];
	v0 =	vadd.f32 v0, v5  }
0xd3: {  	v3 =	vld [tilespmem:s21+$0x210];
	v2 =	vadd.f32 v2, v6  }
0xd4: {  	v4 =	vadd.f32 v7, v4;
	_ =	sdelay $0x1  }
0xd5: {  	v0 =	vadd.f32 v0, v2;
	v1 =	vadd.f32 v1, v4;
	_ =	sdelay $0x1  }
0xd6: {  	v2 =	vadd.f32 v3, v8;
	v0 =	vadd.f32 v0, v1;
	_ =	sdelay $0x1  }
0xd7: {  	v0 =	vadd.f32 v2, v0;
	_ =	sdelay $0x1  }
0xd8: {  	v0 =	vmul.f32 $1.000000010e-01, v0;
	_ =	sdelay $0x1  }
0xd9: {  	[tilespmem:s23+$0x19410] =	vst v0  }
0xda: {  	v0 =	vld [tilespmem:s21+$0x120]  }
0xdb: {  	v1 =	vld [tilespmem:s21+$0xFFFFFE20]  }
0xdc: {  	v2 =	vld [tilespmem:s21+$0xA0]  }
0xdd: {  	v3 =	vld [tilespmem:s21+$0xFFFFFF20]  }
0xde: {  	v4 =	vld [tilespmem:s21+$0x20]  }
0xdf: {  	v5 =	vld [tilespmem:s21+$0xFFFFFEA0]  }
0xe0: {  	v6 =	vld [tilespmem:s21+$0xFFFFFDA0]  }
0xe1: {  	v7 =	vld [tilespmem:s21+$0xFFFFFFA0];
	v0 =	vadd.f32 v0, v2  }
0xe2: {  	v2 =	vld [tilespmem:s21+$0x1A0];
	_ =	sdelay $0x1  }
0xe3: {  	v3 =	vadd.f32 v3, v5  }
0xe4: {  	v5 =	vld [tilespmem:s21+$0x220];
	v1 =	vadd.f32 v1, v6  }
0xe5: {  	v4 =	vadd.f32 v4, v7;
	_ =	sdelay $0x1  }
0xe6: {  	v1 =	vadd.f32 v3, v1;
	v0 =	vadd.f32 v0, v4;
	_ =	sdelay $0x1  }
0xe7: {  	v2 =	vadd.f32 v5, v2;
	v0 =	vadd.f32 v0, v1;
	_ =	sdelay $0x1  }
0xe8: {  	v0 =	vadd.f32 v2, v0;
	_ =	sdelay $0x1  }
0xe9: {  	v0 =	vmul.f32 $1.000000010e-01, v0;
	_ =	sdelay $0x1  }
0xea: {  	[tilespmem:s23+$0x19420] =	vst v0  }
0xeb: {  	v0 =	vld [tilespmem:s21+$0x130]  }
0xec: {  	v1 =	vld [tilespmem:s21+$0xFFFFFE30]  }
0xed: {  	v2 =	vld [tilespmem:s21+$0xB0]  }
0xee: {  	v3 =	vld [tilespmem:s21+$0x30]  }
0xef: {  	v4 =	vld [tilespmem:s21+$0xFFFFFFB0]  }
0xf0: {  	v5 =	vld [tilespmem:s21+$0xFFFFFF30]  }
0xf1: {  	v6 =	vld [tilespmem:s21+$0xFFFFFEB0]  }
0xf2: {  	v7 =	vld [tilespmem:s21+$0xFFFFFDB0];
	v0 =	vadd.f32 v0, v2  }
0xf3: {  	v2 =	vld [tilespmem:s21+$0x1B0]  }
0xf4: {  	v8 =	vld [tilespmem:s21+$0x230];
	v3 =	vadd.f32 v3, v4;
	_ =	sdelay $0x1  }
0xf5: {  	v4 =	vadd.f32 v5, v6  }
0xf6: {  	v1 =	vadd.f32 v1, v7;
	_ =	sdelay $0x1  }
0xf7: {  	v0 =	vadd.f32 v0, v3;
	v1 =	vadd.f32 v4, v1  }
0xf8: {  	v2 =	vadd.f32 v8, v2  }
0xf9: {  	v0 =	vadd.f32 v0, v1;
	_ =	sdelay $0x1  }
0xfa: {  	v0 =	vadd.f32 v2, v0;
	_ =	sdelay $0x1  }
0xfb: {  	v0 =	vmul.f32 $1.000000010e-01, v0;
	_ =	sdelay $0x1  }
0xfc: {  	[tilespmem:s23+$0x19430] =	vst v0  }
0xfd: {  	v0 =	vld [tilespmem:s21+$0xFFFFFFC0]  }
0xfe: {  	v1 =	vld [tilespmem:s21+$0xFFFFFE40]  }
0xff: {  	v2 =	vld [tilespmem:s21+$0x40]  }
0x100: {  	v3 =	vld [tilespmem:s21+$0x140]  }
0x101: {  	v4 =	vld [tilespmem:s21+$0xC0]  }
0x102: {  	v5 =	vld [tilespmem:s21+$0xFFFFFF40]  }
0x103: {  	v6 =	vld [tilespmem:s21+$0xFFFFFDC0]  }
0x104: {  	v7 =	vld [tilespmem:s21+$0xFFFFFEC0]  }
0x105: {  	v8 =	vld [tilespmem:s21+$0x1C0]  }
0x106: {  	v9 =	vld [tilespmem:s21+$0x240];
	v3 =	vadd.f32 v3, v4  }
0x107: {  	v0 =	vadd.f32 v2, v0  }
0x108: {  	v1 =	vadd.f32 v1, v6  }
0x109: {  	v0 =	vadd.f32 v3, v0;
	v2 =	vadd.f32 v5, v7;
	_ =	sdelay $0x1  }
0x10a: {  	v3 =	vadd.f32 v9, v8;
	v1 =	vadd.f32 v2, v1;
	_ =	sdelay $0x1  }
0x10b: {  	v0 =	vadd.f32 v0, v1;
	_ =	sdelay $0x1  }
0x10c: {  	v0 =	vadd.f32 v3, v0;
	_ =	sdelay $0x1  }
0x10d: {  	v0 =	vmul.f32 $1.000000010e-01, v0;
	_ =	sdelay $0x1  }
0x10e: {  	[tilespmem:s23+$0x19440] =	vst v0  }
0x10f: {  	v0 =	vld [tilespmem:s21+$0x150]  }
0x110: {  	v1 =	vld [tilespmem:s21+$0xFFFFFE50]  }
0x111: {  	v2 =	vld [tilespmem:s21+$0xD0]  }
0x112: {  	v3 =	vld [tilespmem:s21+$0x50]  }
0x113: {  	v4 =	vld [tilespmem:s21+$0xFFFFFFD0]  }
0x114: {  	v5 =	vld [tilespmem:s21+$0xFFFFFF50]  }
0x115: {  	v6 =	vld [tilespmem:s21+$0xFFFFFDD0]  }
0x116: {  	v7 =	vld [tilespmem:s21+$0xFFFFFED0];
	v0 =	vadd.f32 v0, v2  }
0x117: {  	v2 =	vld [tilespmem:s21+$0x1D0]  }
0x118: {  	v8 =	vld [tilespmem:s21+$0x250];
	v3 =	vadd.f32 v3, v4;
	_ =	sdelay $0x1  }
0x119: {  	v1 =	vadd.f32 v1, v6  }
0x11a: {  	v4 =	vadd.f32 v5, v7  }
0x11b: {  	v0 =	vadd.f32 v0, v3  }
.Ltmp0:
0x11c: {  	v1 =	vadd.f32 v4, v1;
	(pc) =	sbr.rel @p2 .LBB2_3-.Ltmp0, $3  }
0x11d: {  	_ = 	snop  }
0x11e: {  	v2 =	vadd.f32 v8, v2;
	v0 =	vadd.f32 v0, v1;
	_ =	sdelay $0x1  }
0x11f: {  	v0 =	vadd.f32 v2, v0  }
0x120: {  	_ = 	snop  }
0x121: {  	v0 =	vmul.f32 $1.000000010e-01, v0;
	_ =	sdelay $0x1  }
0x122: {  	[tilespmem:s23+$0x19450] =	vst v0  }
0x123: {  	v0 =	vld [tilespmem:s24+$0xFFFFFDE0]  }
0x124: {  	v1 =	vld [tilespmem:s24+$0xFFFFFE60]  }
0x125: {  	v2 =	vld [tilespmem:s24+$0xFFFFFEE0]  }
0x126: {  	v3 =	vld [tilespmem:s24+$0x160]  }
0x127: {  	v4 =	vld [tilespmem:s24+$0xFFFFFFE0]  }
0x128: {  	v5 =	vld [tilespmem:s24+$0x60]  }
0x129: {  	v6 =	vld [tilespmem:s24+$0xE0]  }
0x12a: {  	v7 =	vld [tilespmem:s24+$0xFFFFFF60];
	_ =	sdelay $0x2  }
0x12b: {  	v8 =	vld [tilespmem:s24+$0x1E0]  }
0x12c: {  	v0 =	vadd.f32 v1, v0;
	v1 =	vld [tilespmem:s24+$0x260];
	v4 =	vadd.f32 v5, v4  }
0x12d: {  	v2 =	vadd.f32 v7, v2;
	v3 =	vadd.f32 v3, v6;
	_ =	sdelay $0x1  }
0x12e: {  	v0 =	vadd.f32 v2, v0;
	v2 =	vadd.f32 v3, v4;
	_ =	sdelay $0x1  }
0x12f: {  	v0 =	vadd.f32 v2, v0;
	v1 =	vadd.f32 v1, v8;
	_ =	sdelay $0x1  }
0x130: {  	v0 =	vadd.f32 v1, v0;
	_ =	sdelay $0x1  }
0x131: {  	v0 =	vmul.f32 $1.000000010e-01, v0;
	_ =	sdelay $0x1  }
0x132: {  	[tilespmem:s23+$0x19460] =	vst v0  }
0x133: {  	v0 =	vld [tilespmem:s24+$0xFFFFFDF0]  }
0x134: {  	v1 =	vld [tilespmem:s24+$0xFFFFFE70]  }
0x135: {  	v2 =	vld [tilespmem:s24+$0xFFFFFF70]  }
0x136: {  	v3 =	vld [tilespmem:s24+$0xFFFFFFF0]  }
0x137: {  	v25 =	vld [tilespmem:s24+$0x70]  }
0x138: {  	v26 =	vld [tilespmem:s24+$0xF0]  }
0x139: {  	v27 =	vld [tilespmem:s24+$0x170]  }
0x13a: {  	v28 =	vld [tilespmem:s24+$0xFFFFFEF0];
	_ =	sdelay $0x2  }
0x13b: {  	v29 =	vld [tilespmem:s24+$0x1F0]  }
0x13c: {  	v0 =	vadd.f32 v1, v0;
	v1 =	vld [tilespmem:s24+$0x270];
	v3 =	vadd.f32 v25, v3  }
0x13d: {  	v30 =	vadd.f32 v27, v26;
	v2 =	vadd.f32 v2, v28;
	_ =	sdelay $0x1  }
0x13e: {  	v0 =	vadd.f32 v2, v0;
	v2 =	vadd.f32 v30, v3;
	_ =	sdelay $0x1  }
0x13f: {  	v0 =	vadd.f32 v2, v0;
	v1 =	vadd.f32 v1, v29;
	_ =	sdelay $0x1  }
0x140: {  	s21 =	sadd.s32 s4, s20;
	v0 =	vadd.f32 v1, v0  }
0x141: {  	s21 =	smul.u32 $0x1400, s21  }
0x142: {  	v0 =	vmul.f32 $1.000000010e-01, v0  }
0x143: {  	s21 =	sshrl.u32 s21, $0x3  }
0x144: {  	s21 =	sadd.s32 s6, s21;
	[tilespmem:s23+$0x19470] =	vst v0;
	s23 =	simm.s32 @!p1 $0x1  }
0x145: {  	[hbm4b:s21+s3] =	stream.linear.scatter [tilespmem:s1], [sflag:$0x5], $0x1400, $0x38;
	[tilespmem:$0x1BC00] =	vst v63  }
0x146: {  	_ =	swait.ge @!p1 [sflag:s23], $0x200  }
0x147: {  	s25 =	simm.s32 @!p1 $0x400;
	[sflag:s23] =	ssyncset.done @!p1 $0x0  }
0x148: {  	s24 =	simm.s32 @!p1 $0x0;
	[sflag:s23] =	ssyncadd.s32 @!p1 $0xFFFFFE00;
	s23 =	simm.s32 @!p1 $0x64  }
0x149: {  	[tilespmem:s25], [sflag:$0x3] =	stream.indirect.gather @!p1 [hbm4b:s2+s23], $0x80, s24, s23, $0xb8;
	[tilespmem:$0x1BC00] =	vst v63  }
0x14a: {  	s24 =	simm.s32 @!p1 $0x80;
	s25 =	simm.s32 @!p1 $0x3600  }
0x14b: {  	[tilespmem:s25], [sflag:$0x3] =	stream.indirect.gather @!p1 [hbm4b:s2+s23], $0x80, s24, s23, $0xb8;
	[tilespmem:$0x1BC00] =	vst v63  }
0x14c: {  	s24 =	simm.s32 @!p1 $0x100;
	s25 =	simm.s32 @!p1 $0x6800  }
0x14d: {  	[tilespmem:s25], [sflag:$0x3] =	stream.indirect.gather @!p1 [hbm4b:s2+s23], $0x80, s24, s23, $0xb8;
	[tilespmem:$0x1BC00] =	vst v63  }
0x14e: {  	s20 =	sadd.s32 $0x3, s20;
	s24 =	simm.s32 @!p1 $0x180;
	s25 =	simm.s32 @!p1 $0x9A00  }
0x14f: {  	[tilespmem:s25], [sflag:$0x3] =	stream.indirect.gather @!p1 [hbm4b:s2+s23], $0x80, s24, s23, $0xb8;
	[tilespmem:$0x1BC00] =	vst v63  }
0x150: {  	p1 =	sge.u32 s20, s7  }
0x151: {  	_ =	swait.ge [sflag:s0], $0xC800;
	s20 =	sadd.s32 @!p1 s4, s20  }
0x152: {  	s23 =	simm.s32 @!p1 $0x0;
	[sflag:s0] =	ssyncset.done $0x0;
	s20 =	sshll.u32 @!p1 s20, $0x6  }
0x153: {  	s24 =	simm.s32 @!p1 $0x200;
	[sflag:s0] =	ssyncadd.s32 $0xFFFF3800;
	s20 =	sadd.s32 @!p1 s5, s20  }
0x154: {  	[tilespmem:s24], [sflag:$0x2] =	stream.linear.gather @!p1 [hbm4b:s20+s23], $0x200, $0x38;
	[tilespmem:$0x1BC00] =	vst v63  }
0x155: {  	s20 =	simm.s32 @!p0 $0x6  }
0x156: {  	_ =	swait.ge @!p0 [sflag:s20], $0x1400  }
0x157: {  	[sflag:s20] =	ssyncset.done @!p0 $0x0  }
0x158: {  	[sflag:s20] =	ssyncadd.s32 @!p0 $0xFFFFEC00;
	s20 =	simm.s32 $0xCE80  }
0x159: {  	v0 =	vld [tilespmem:s20+$0xFFFFFD80]  }
0x15a: {  	v1 =	vld [tilespmem:s20+$0x100]  }
0x15b: {  	v2 =	vld [tilespmem:s20+$0x80]  }
0x15c: {  	v3 =	vld [tilespmem:s20+$0x0]  }
0x15d: {  	v31 =	vld [tilespmem:s20+$0xFFFFFF80]  }
0x15e: {  	v32 =	vld [tilespmem:s20+$0xFFFFFF00]  }
0x15f: {  	v33 =	vld [tilespmem:s20+$0xFFFFFE80]  }
0x160: {  	v34 =	vld [tilespmem:s20+$0xFFFFFE00];
	_ =	sdelay $0x2  }
0x161: {  	v35 =	vld [tilespmem:s20+$0x200]  }
0x162: {  	v1 =	vadd.f32 v1, v2;
	v2 =	vadd.f32 v3, v31;
	v3 =	vld [tilespmem:s20+$0x180]  }
0x163: {  	v36 =	vadd.f32 v32, v33;
	v0 =	vadd.f32 v34, v0;
	_ =	sdelay $0x1  }
0x164: {  	v0 =	vadd.f32 v36, v0;
	v1 =	vadd.f32 v1, v2;
	_ =	sdelay $0x1  }
0x165: {  	v0 =	vadd.f32 v1, v0;
	v2 =	vadd.f32 v35, v3;
	_ =	sdelay $0x1  }
0x166: {  	v0 =	vadd.f32 v2, v0;
	_ =	sdelay $0x1  }
0x167: {  	v0 =	vmul.f32 $1.000000010e-01, v0  }
0x168: {  	s23 =	simm.s32 $0x0  }
0x169: {  	[tilespmem:s23+$0x1A800] =	vst v0  }
0x16a: {  	v0 =	vld [tilespmem:s20+$0x110]  }
0x16b: {  	v1 =	vld [tilespmem:s20+$0xFFFFFF10]  }
0x16c: {  	v2 =	vld [tilespmem:s20+$0x10]  }
0x16d: {  	v3 =	vld [tilespmem:s20+$0xFFFFFE90]  }
0x16e: {  	v37 =	vld [tilespmem:s20+$0xFFFFFD90]  }
0x16f: {  	v38 =	vld [tilespmem:s20+$0x90]  }
0x170: {  	v39 =	vld [tilespmem:s20+$0xFFFFFF90]  }
0x171: {  	v40 =	vld [tilespmem:s20+$0xFFFFFE10];
	_ =	sdelay $0x2  }
0x172: {  	v41 =	vld [tilespmem:s20+$0x190]  }
0x173: {  	v1 =	vadd.f32 v1, v3;
	v0 =	vadd.f32 v0, v38;
	v3 =	vld [tilespmem:s20+$0x210]  }
0x174: {  	v2 =	vadd.f32 v2, v39;
	v4 =	vadd.f32 v40, v37;
	_ =	sdelay $0x1  }
0x175: {  	v1 =	vadd.f32 v1, v4;
	v0 =	vadd.f32 v0, v2;
	_ =	sdelay $0x1  }
0x176: {  	v0 =	vadd.f32 v0, v1;
	v2 =	vadd.f32 v3, v41;
	_ =	sdelay $0x1  }
0x177: {  	v0 =	vadd.f32 v2, v0;
	_ =	sdelay $0x1  }
0x178: {  	v0 =	vmul.f32 $1.000000010e-01, v0;
	_ =	sdelay $0x1  }
0x179: {  	[tilespmem:s23+$0x1A810] =	vst v0  }
0x17a: {  	v0 =	vld [tilespmem:s20+$0x120]  }
0x17b: {  	v1 =	vld [tilespmem:s20+$0xFFFFFE20]  }
0x17c: {  	v2 =	vld [tilespmem:s20+$0xA0]  }
0x17d: {  	v3 =	vld [tilespmem:s20+$0xFFFFFF20]  }
0x17e: {  	v42 =	vld [tilespmem:s20+$0x20]  }
0x17f: {  	v43 =	vld [tilespmem:s20+$0xFFFFFEA0]  }
0x180: {  	v44 =	vld [tilespmem:s20+$0xFFFFFDA0]  }
0x181: {  	v45 =	vld [tilespmem:s20+$0xFFFFFFA0];
	_ =	sdelay $0x2  }
0x182: {  	v46 =	vld [tilespmem:s20+$0x1A0]  }
0x183: {  	v0 =	vadd.f32 v0, v2;
	v2 =	vadd.f32 v3, v43;
	v3 =	vld [tilespmem:s20+$0x220]  }
0x184: {  	v1 =	vadd.f32 v1, v44;
	v4 =	vadd.f32 v42, v45;
	_ =	sdelay $0x1  }
0x185: {  	v1 =	vadd.f32 v2, v1;
	v0 =	vadd.f32 v0, v4;
	_ =	sdelay $0x1  }
0x186: {  	v0 =	vadd.f32 v0, v1;
	v2 =	vadd.f32 v3, v46;
	_ =	sdelay $0x1  }
0x187: {  	v0 =	vadd.f32 v2, v0;
	_ =	sdelay $0x1  }
0x188: {  	v0 =	vmul.f32 $1.000000010e-01, v0;
	_ =	sdelay $0x1  }
0x189: {  	[tilespmem:s23+$0x1A820] =	vst v0  }
0x18a: {  	v0 =	vld [tilespmem:s20+$0x130]  }
0x18b: {  	v1 =	vld [tilespmem:s20+$0xFFFFFE30]  }
0x18c: {  	v2 =	vld [tilespmem:s20+$0xB0]  }
0x18d: {  	v3 =	vld [tilespmem:s20+$0x30]  }
0x18e: {  	v47 =	vld [tilespmem:s20+$0xFFFFFFB0]  }
0x18f: {  	v48 =	vld [tilespmem:s20+$0xFFFFFF30]  }
0x190: {  	v49 =	vld [tilespmem:s20+$0xFFFFFEB0]  }
0x191: {  	v50 =	vld [tilespmem:s20+$0xFFFFFDB0];
	_ =	sdelay $0x2  }
0x192: {  	v51 =	vld [tilespmem:s20+$0x1B0]  }
0x193: {  	v0 =	vadd.f32 v0, v2;
	v2 =	vld [tilespmem:s20+$0x230];
	v3 =	vadd.f32 v3, v47  }
0x194: {  	v52 =	vadd.f32 v48, v49;
	v1 =	vadd.f32 v1, v50;
	_ =	sdelay $0x1  }
0x195: {  	v1 =	vadd.f32 v52, v1;
	v0 =	vadd.f32 v0, v3;
	_ =	sdelay $0x1  }
0x196: {  	v0 =	vadd.f32 v0, v1;
	v2 =	vadd.f32 v2, v51;
	_ =	sdelay $0x1  }
0x197: {  	v0 =	vadd.f32 v2, v0;
	_ =	sdelay $0x1  }
0x198: {  	v0 =	vmul.f32 $1.000000010e-01, v0;
	_ =	sdelay $0x1  }
0x199: {  	[tilespmem:s23+$0x1A830] =	vst v0  }
0x19a: {  	v0 =	vld [tilespmem:s20+$0xFFFFFFC0]  }
0x19b: {  	v1 =	vld [tilespmem:s20+$0xFFFFFE40]  }
0x19c: {  	v2 =	vld [tilespmem:s20+$0x40]  }
0x19d: {  	v3 =	vld [tilespmem:s20+$0x140]  }
0x19e: {  	v53 =	vld [tilespmem:s20+$0xC0]  }
0x19f: {  	v54 =	vld [tilespmem:s20+$0xFFFFFF40]  }
0x1a0: {  	v55 =	vld [tilespmem:s20+$0xFFFFFDC0]  }
0x1a1: {  	v56 =	vld [tilespmem:s20+$0xFFFFFEC0];
	_ =	sdelay $0x2  }
0x1a2: {  	v57 =	vld [tilespmem:s20+$0x1C0]  }
0x1a3: {  	v9 =	vld [tilespmem:s20+$0x240];
	v3 =	vadd.f32 v3, v53;
	v0 =	vadd.f32 v2, v0  }
0x1a4: {  	v1 =	vadd.f32 v1, v55;
	v2 =	vadd.f32 v54, v56;
	_ =	sdelay $0x1  }
0x1a5: {  	v0 =	vadd.f32 v3, v0;
	v1 =	vadd.f32 v2, v1;
	_ =	sdelay $0x1  }
0x1a6: {  	v2 =	vadd.f32 v9, v57;
	v0 =	vadd.f32 v0, v1;
	_ =	sdelay $0x1  }
0x1a7: {  	v0 =	vadd.f32 v2, v0;
	_ =	sdelay $0x1  }
0x1a8: {  	v0 =	vmul.f32 $1.000000010e-01, v0;
	_ =	sdelay $0x1  }
0x1a9: {  	[tilespmem:s23+$0x1A840] =	vst v0  }
0x1aa: {  	v0 =	vld [tilespmem:s20+$0x150]  }
0x1ab: {  	v1 =	vld [tilespmem:s20+$0xFFFFFE50]  }
0x1ac: {  	v2 =	vld [tilespmem:s20+$0xD0]  }
0x1ad: {  	v3 =	vld [tilespmem:s20+$0x50]  }
0x1ae: {  	v58 =	vld [tilespmem:s20+$0xFFFFFFD0]  }
0x1af: {  	v59 =	vld [tilespmem:s20+$0xFFFFFF50]  }
0x1b0: {  	v60 =	vld [tilespmem:s20+$0xFFFFFDD0]  }
0x1b1: {  	v61 =	vld [tilespmem:s20+$0xFFFFFED0];
	_ =	sdelay $0x2  }
0x1b2: {  	v62 =	vld [tilespmem:s20+$0x1D0]  }
0x1b3: {  	v0 =	vadd.f32 v0, v2;
	v2 =	vld [tilespmem:s20+$0x250];
	v3 =	vadd.f32 v3, v58  }
0x1b4: {  	v1 =	vadd.f32 v1, v60;
	v63 =	vadd.f32 v59, v61;
	_ =	sdelay $0x1  }
0x1b5: {  	v0 =	vadd.f32 v0, v3;
	v1 =	vadd.f32 v63, v1;
	_ =	sdelay $0x1  }
0x1b6: {  	v0 =	vadd.f32 v0, v1;
	v2 =	vadd.f32 v2, v62;
	_ =	sdelay $0x1  }
0x1b7: {  	s25 =	simm.s32 $0x200;
	s24 =	simm.s32 $0xCE80;
	v0 =	vadd.f32 v2, v0  }
.LBB2_5:
0x1b8: {  	p0 =	sne.s32 s25, $0x4E00  }
0x1b9: {  	s20 =	sadd.s32 $0x500, s20;
	s26 =	smov.u32 s25;
	s25 =	sadd.s32 $0x200, s25  }
0x1ba: {  	v0 =	vmul.f32 $1.000000010e-01, v0;
	_ =	sdelay $0x1  }
0x1bb: {  	[tilespmem:s23+$0x1A850] =	vst v0  }
0x1bc: {  	v0 =	vld [tilespmem:s24+$0xFFFFFDE0]  }
0x1bd: {  	v1 =	vld [tilespmem:s24+$0xFFFFFE60]  }
0x1be: {  	v2 =	vld [tilespmem:s24+$0xFFFFFEE0]  }
0x1bf: {  	v3 =	vld [tilespmem:s24+$0x160]  }
0x1c0: {  	v4 =	vld [tilespmem:s24+$0xFFFFFFE0]  }
0x1c1: {  	v5 =	vld [tilespmem:s24+$0x60]  }
0x1c2: {  	v6 =	vld [tilespmem:s24+$0xE0];
	v0 =	vadd.f32 v1, v0  }
0x1c3: {  	v1 =	vld [tilespmem:s24+$0x1E0]  }
0x1c4: {  	v7 =	vld [tilespmem:s24+$0xFFFFFF60]  }
0x1c5: {  	v8 =	vld [tilespmem:s24+$0x260];
	_ =	sdelay $0x2  }
0x1c6: {  	v4 =	vadd.f32 v5, v4  }
0x1c7: {  	v3 =	vadd.f32 v3, v6;
	v2 =	vadd.f32 v7, v2;
	_ =	sdelay $0x1  }
0x1c8: {  	v0 =	vadd.f32 v2, v0;
	v2 =	vadd.f32 v3, v4;
	_ =	sdelay $0x1  }
0x1c9: {  	v1 =	vadd.f32 v8, v1;
	v0 =	vadd.f32 v2, v0;
	_ =	sdelay $0x1  }
0x1ca: {  	v0 =	vadd.f32 v1, v0;
	_ =	sdelay $0x1  }
0x1cb: {  	v0 =	vmul.f32 $1.000000010e-01, v0;
	_ =	sdelay $0x1  }
0x1cc: {  	[tilespmem:s23+$0x1A860] =	vst v0  }
0x1cd: {  	v0 =	vld [tilespmem:s24+$0xFFFFFDF0]  }
0x1ce: {  	v1 =	vld [tilespmem:s24+$0xFFFFFE70]  }
0x1cf: {  	v2 =	vld [tilespmem:s24+$0xFFFFFF70]  }
0x1d0: {  	v3 =	vld [tilespmem:s24+$0xFFFFFFF0]  }
0x1d1: {  	v4 =	vld [tilespmem:s24+$0x70]  }
0x1d2: {  	v5 =	vld [tilespmem:s24+$0xF0]  }
0x1d3: {  	v6 =	vld [tilespmem:s24+$0x170];
	v0 =	vadd.f32 v1, v0  }
0x1d4: {  	v1 =	vld [tilespmem:s24+$0x1F0]  }
0x1d5: {  	v7 =	vld [tilespmem:s24+$0x270]  }
0x1d6: {  	v3 =	vadd.f32 v4, v3  }
0x1d7: {  	v4 =	vld [tilespmem:s24+$0xFFFFFEF0];
	s24 =	smov.u32 s20  }
0x1d8: {  	v5 =	vadd.f32 v6, v5;
	_ =	sdelay $0x3  }
0x1d9: {  	v2 =	vadd.f32 v2, v4;
	_ =	sdelay $0x1  }
0x1da: {  	v0 =	vadd.f32 v2, v0;
	v2 =	vadd.f32 v5, v3;
	_ =	sdelay $0x1  }
0x1db: {  	v1 =	vadd.f32 v7, v1;
	v0 =	vadd.f32 v2, v0;
	_ =	sdelay $0x1  }
0x1dc: {  	v0 =	vadd.f32 v1, v0;
	_ =	sdelay $0x1  }
0x1dd: {  	v0 =	vmul.f32 $1.000000010e-01, v0;
	_ =	sdelay $0x1  }
0x1de: {  	[tilespmem:s23+$0x1A870] =	vst v0  }
0x1df: {  	v0 =	vld [tilespmem:s20+$0xFFFFFD80]  }
0x1e0: {  	v1 =	vld [tilespmem:s20+$0x100]  }
0x1e1: {  	v2 =	vld [tilespmem:s20+$0x80]  }
0x1e2: {  	v3 =	vld [tilespmem:s20+$0x0]  }
0x1e3: {  	v4 =	vld [tilespmem:s20+$0xFFFFFF80]  }
0x1e4: {  	v5 =	vld [tilespmem:s20+$0xFFFFFF00]  }
0x1e5: {  	v6 =	vld [tilespmem:s20+$0xFFFFFE80]  }
0x1e6: {  	v7 =	vld [tilespmem:s20+$0xFFFFFE00];
	v1 =	vadd.f32 v1, v2;
	_ =	sdelay $0x1  }
0x1e7: {  	v2 =	vadd.f32 v3, v4  }
0x1e8: {  	v3 =	vld [tilespmem:s20+$0x200]  }
0x1e9: {  	v4 =	vld [tilespmem:s20+$0x180];
	v5 =	vadd.f32 v5, v6  }
0x1ea: {  	v0 =	vadd.f32 v7, v0;
	_ =	sdelay $0x1  }
0x1eb: {  	v1 =	vadd.f32 v1, v2;
	v0 =	vadd.f32 v5, v0;
	_ =	sdelay $0x1  }
0x1ec: {  	v2 =	vadd.f32 v3, v4;
	v0 =	vadd.f32 v1, v0;
	_ =	sdelay $0x1  }
0x1ed: {  	v0 =	vadd.f32 v2, v0;
	_ =	sdelay $0x1  }
0x1ee: {  	v0 =	vmul.f32 $1.000000010e-01, v0  }
0x1ef: {  	s23 =	sshra.s32 s26, $0x2  }
0x1f0: {  	[tilespmem:s23+$0x1A800] =	vst v0  }
0x1f1: {  	v0 =	vld [tilespmem:s20+$0x110]  }
0x1f2: {  	v1 =	vld [tilespmem:s20+$0xFFFFFF10]  }
0x1f3: {  	v2 =	vld [tilespmem:s20+$0x10]  }
0x1f4: {  	v3 =	vld [tilespmem:s20+$0xFFFFFE90]  }
0x1f5: {  	v4 =	vld [tilespmem:s20+$0xFFFFFD90]  }
0x1f6: {  	v5 =	vld [tilespmem:s20+$0x90]  }
0x1f7: {  	v6 =	vld [tilespmem:s20+$0xFFFFFF90]  }
0x1f8: {  	v7 =	vld [tilespmem:s20+$0xFFFFFE10];
	_ =	sdelay $0x2  }
0x1f9: {  	v1 =	vadd.f32 v1, v3;
	v8 =	vld [tilespmem:s20+$0x190];
	v0 =	vadd.f32 v0, v5  }
0x1fa: {  	v3 =	vld [tilespmem:s20+$0x210];
	v2 =	vadd.f32 v2, v6  }
0x1fb: {  	v4 =	vadd.f32 v7, v4;
	_ =	sdelay $0x1  }
0x1fc: {  	v0 =	vadd.f32 v0, v2;
	v1 =	vadd.f32 v1, v4;
	_ =	sdelay $0x1  }
0x1fd: {  	v2 =	vadd.f32 v3, v8;
	v0 =	vadd.f32 v0, v1;
	_ =	sdelay $0x1  }
0x1fe: {  	v0 =	vadd.f32 v2, v0;
	_ =	sdelay $0x1  }
0x1ff: {  	v0 =	vmul.f32 $1.000000010e-01, v0;
	_ =	sdelay $0x1  }
0x200: {  	[tilespmem:s23+$0x1A810] =	vst v0  }
0x201: {  	v0 =	vld [tilespmem:s20+$0x120]  }
0x202: {  	v1 =	vld [tilespmem:s20+$0xFFFFFE20]  }
0x203: {  	v2 =	vld [tilespmem:s20+$0xA0]  }
0x204: {  	v3 =	vld [tilespmem:s20+$0xFFFFFF20]  }
0x205: {  	v4 =	vld [tilespmem:s20+$0x20]  }
0x206: {  	v5 =	vld [tilespmem:s20+$0xFFFFFEA0]  }
0x207: {  	v6 =	vld [tilespmem:s20+$0xFFFFFDA0]  }
0x208: {  	v7 =	vld [tilespmem:s20+$0xFFFFFFA0];
	v0 =	vadd.f32 v0, v2  }
0x209: {  	v2 =	vld [tilespmem:s20+$0x1A0];
	_ =	sdelay $0x1  }
0x20a: {  	v3 =	vadd.f32 v3, v5  }
0x20b: {  	v5 =	vld [tilespmem:s20+$0x220];
	v1 =	vadd.f32 v1, v6  }
0x20c: {  	v4 =	vadd.f32 v4, v7;
	_ =	sdelay $0x1  }
0x20d: {  	v1 =	vadd.f32 v3, v1;
	v0 =	vadd.f32 v0, v4;
	_ =	sdelay $0x1  }
0x20e: {  	v2 =	vadd.f32 v5, v2;
	v0 =	vadd.f32 v0, v1;
	_ =	sdelay $0x1  }
0x20f: {  	v0 =	vadd.f32 v2, v0;
	_ =	sdelay $0x1  }
0x210: {  	v0 =	vmul.f32 $1.000000010e-01, v0;
	_ =	sdelay $0x1  }
0x211: {  	[tilespmem:s23+$0x1A820] =	vst v0  }
0x212: {  	v0 =	vld [tilespmem:s20+$0x130]  }
0x213: {  	v1 =	vld [tilespmem:s20+$0xFFFFFE30]  }
0x214: {  	v2 =	vld [tilespmem:s20+$0xB0]  }
0x215: {  	v3 =	vld [tilespmem:s20+$0x30]  }
0x216: {  	v4 =	vld [tilespmem:s20+$0xFFFFFFB0]  }
0x217: {  	v5 =	vld [tilespmem:s20+$0xFFFFFF30]  }
0x218: {  	v6 =	vld [tilespmem:s20+$0xFFFFFEB0]  }
0x219: {  	v7 =	vld [tilespmem:s20+$0xFFFFFDB0];
	v0 =	vadd.f32 v0, v2  }
0x21a: {  	v2 =	vld [tilespmem:s20+$0x1B0]  }
0x21b: {  	v8 =	vld [tilespmem:s20+$0x230];
	v3 =	vadd.f32 v3, v4;
	_ =	sdelay $0x1  }
0x21c: {  	v4 =	vadd.f32 v5, v6  }
0x21d: {  	v1 =	vadd.f32 v1, v7;
	_ =	sdelay $0x1  }
0x21e: {  	v0 =	vadd.f32 v0, v3;
	v1 =	vadd.f32 v4, v1  }
0x21f: {  	v2 =	vadd.f32 v8, v2  }
0x220: {  	v0 =	vadd.f32 v0, v1;
	_ =	sdelay $0x1  }
0x221: {  	v0 =	vadd.f32 v2, v0;
	_ =	sdelay $0x1  }
0x222: {  	v0 =	vmul.f32 $1.000000010e-01, v0;
	_ =	sdelay $0x1  }
0x223: {  	[tilespmem:s23+$0x1A830] =	vst v0  }
0x224: {  	v0 =	vld [tilespmem:s20+$0xFFFFFFC0]  }
0x225: {  	v1 =	vld [tilespmem:s20+$0xFFFFFE40]  }
0x226: {  	v2 =	vld [tilespmem:s20+$0x40]  }
0x227: {  	v3 =	vld [tilespmem:s20+$0x140]  }
0x228: {  	v4 =	vld [tilespmem:s20+$0xC0]  }
0x229: {  	v5 =	vld [tilespmem:s20+$0xFFFFFF40]  }
0x22a: {  	v6 =	vld [tilespmem:s20+$0xFFFFFDC0]  }
0x22b: {  	v7 =	vld [tilespmem:s20+$0xFFFFFEC0]  }
0x22c: {  	v8 =	vld [tilespmem:s20+$0x1C0]  }
0x22d: {  	v9 =	vld [tilespmem:s20+$0x240];
	v3 =	vadd.f32 v3, v4  }
0x22e: {  	v0 =	vadd.f32 v2, v0  }
0x22f: {  	v1 =	vadd.f32 v1, v6  }
0x230: {  	v0 =	vadd.f32 v3, v0;
	v2 =	vadd.f32 v5, v7;
	_ =	sdelay $0x1  }
0x231: {  	v3 =	vadd.f32 v9, v8;
	v1 =	vadd.f32 v2, v1;
	_ =	sdelay $0x1  }
0x232: {  	v0 =	vadd.f32 v0, v1;
	_ =	sdelay $0x1  }
0x233: {  	v0 =	vadd.f32 v3, v0;
	_ =	sdelay $0x1  }
0x234: {  	v0 =	vmul.f32 $1.000000010e-01, v0;
	_ =	sdelay $0x1  }
0x235: {  	[tilespmem:s23+$0x1A840] =	vst v0  }
0x236: {  	v0 =	vld [tilespmem:s20+$0x150]  }
0x237: {  	v1 =	vld [tilespmem:s20+$0xFFFFFE50]  }
0x238: {  	v2 =	vld [tilespmem:s20+$0xD0]  }
0x239: {  	v3 =	vld [tilespmem:s20+$0x50]  }
0x23a: {  	v4 =	vld [tilespmem:s20+$0xFFFFFFD0]  }
0x23b: {  	v5 =	vld [tilespmem:s20+$0xFFFFFF50]  }
0x23c: {  	v6 =	vld [tilespmem:s20+$0xFFFFFDD0]  }
0x23d: {  	v7 =	vld [tilespmem:s20+$0xFFFFFED0];
	v0 =	vadd.f32 v0, v2  }
0x23e: {  	v2 =	vld [tilespmem:s20+$0x1D0]  }
0x23f: {  	v8 =	vld [tilespmem:s20+$0x250];
	v3 =	vadd.f32 v3, v4;
	_ =	sdelay $0x1  }
0x240: {  	v1 =	vadd.f32 v1, v6  }
0x241: {  	v4 =	vadd.f32 v5, v7  }
0x242: {  	v0 =	vadd.f32 v0, v3  }
.Ltmp1:
0x243: {  	v1 =	vadd.f32 v4, v1;
	(pc) =	sbr.rel @p0 .LBB2_5-.Ltmp1, $3  }
0x244: {  	_ = 	snop  }
0x245: {  	v2 =	vadd.f32 v8, v2;
	v0 =	vadd.f32 v0, v1;
	_ =	sdelay $0x1  }
0x246: {  	v0 =	vadd.f32 v2, v0  }
0x247: {  	_ = 	snop  }
0x248: {  	v0 =	vmul.f32 $1.000000010e-01, v0;
	_ =	sdelay $0x1  }
0x249: {  	[tilespmem:s23+$0x1A850] =	vst v0  }
0x24a: {  	v0 =	vld [tilespmem:s24+$0xFFFFFDE0]  }
0x24b: {  	v1 =	vld [tilespmem:s24+$0xFFFFFE60]  }
0x24c: {  	v2 =	vld [tilespmem:s24+$0xFFFFFEE0]  }
0x24d: {  	v3 =	vld [tilespmem:s24+$0x160]  }
0x24e: {  	v4 =	vld [tilespmem:s24+$0xFFFFFFE0]  }
0x24f: {  	v5 =	vld [tilespmem:s24+$0x60]  }
0x250: {  	v6 =	vld [tilespmem:s24+$0xE0]  }
0x251: {  	v7 =	vld [tilespmem:s24+$0xFFFFFF60];
	_ =	sdelay $0x2  }
0x252: {  	v8 =	vld [tilespmem:s24+$0x1E0]  }
0x253: {  	v51 =	vld [tilespmem:s24+$0x260];
	v0 =	vadd.f32 v1, v0;
	v4 =	vadd.f32 v5, v4  }
0x254: {  	v2 =	vadd.f32 v7, v2;
	v3 =	vadd.f32 v3, v6;
	_ =	sdelay $0x1  }
0x255: {  	v0 =	vadd.f32 v2, v0;
	v52 =	vadd.f32 v3, v4;
	_ =	sdelay $0x1  }
0x256: {  	v1 =	vadd.f32 v51, v8;
	v0 =	vadd.f32 v52, v0;
	_ =	sdelay $0x1  }
0x257: {  	v0 =	vadd.f32 v1, v0;
	_ =	sdelay $0x1  }
0x258: {  	v0 =	vmul.f32 $1.000000010e-01, v0;
	_ =	sdelay $0x1  }
0x259: {  	[tilespmem:s23+$0x1A860] =	vst v0  }
0x25a: {  	v0 =	vld [tilespmem:s24+$0xFFFFFDF0]  }
0x25b: {  	v53 =	vld [tilespmem:s24+$0xFFFFFE70]  }
0x25c: {  	v54 =	vld [tilespmem:s24+$0xFFFFFF70]  }
0x25d: {  	v55 =	vld [tilespmem:s24+$0xFFFFFFF0]  }
0x25e: {  	v56 =	vld [tilespmem:s24+$0x70]  }
0x25f: {  	v57 =	vld [tilespmem:s24+$0xF0]  }
0x260: {  	v58 =	vld [tilespmem:s24+$0x170]  }
0x261: {  	v59 =	vld [tilespmem:s24+$0xFFFFFEF0];
	_ =	sdelay $0x2  }
0x262: {  	v60 =	vld [tilespmem:s24+$0x1F0]  }
0x263: {  	v61 =	vld [tilespmem:s24+$0x270];
	v0 =	vadd.f32 v53, v0;
	v3 =	vadd.f32 v56, v55  }
0x264: {  	v62 =	vadd.f32 v58, v57;
	v2 =	vadd.f32 v54, v59;
	_ =	sdelay $0x1  }
0x265: {  	v0 =	vadd.f32 v2, v0;
	v63 =	vadd.f32 v62, v3;
	_ =	sdelay $0x1  }
0x266: {  	v1 =	vadd.f32 v61, v60;
	v0 =	vadd.f32 v63, v0;
	_ =	sdelay $0x1  }
0x267: {  	v0 =	vadd.f32 v1, v0;
	_ =	sdelay $0x1  }
0x268: {  	v0 =	vmul.f32 $1.000000010e-01, v0;
	_ =	sdelay $0x1  }
0x269: {  	s20 =	sadd.s32 $0x280, s21;
	[tilespmem:s23+$0x1A870] =	vst v0  }
0x26a: {  	[hbm4b:s20+s3] =	stream.linear.scatter [tilespmem:s15], [sflag:$0x6], $0x1400, $0x38;
	[tilespmem:$0x1BC00] =	vst v63  }
0x26b: {  	s20 =	simm.s32 @!p1 $0x2  }
0x26c: {  	_ =	swait.ge @!p1 [sflag:s20], $0x200  }
0x26d: {  	s21 =	simm.s32 @!p1 $0x200;
	s19 =	sadd.s32 $0x1, s19;
	[sflag:s20] =	ssyncset.done @!p1 $0x0  }
0x26e: {  	s23 =	simm.s32 @!p1 $0xCC00;
	[sflag:s20] =	ssyncadd.s32 @!p1 $0xFFFFFE00;
	s20 =	simm.s32 @!p1 $0x64  }
0x26f: {  	[tilespmem:s23], [sflag:$0x4] =	stream.indirect.gather @!p1 [hbm4b:s2+s20], $0x80, s21, s20, $0xb8;
	[tilespmem:$0x1BC00] =	vst v63  }
0x270: {  	p0 =	sne.s32 s19, s10;
	s21 =	simm.s32 @!p1 $0x280;
	s23 =	simm.s32 @!p1 $0xFE00  }
0x271: {  	[tilespmem:s23], [sflag:$0x4] =	stream.indirect.gather @!p1 [hbm4b:s2+s20], $0x80, s21, s20, $0xb8;
	[tilespmem:$0x1BC00] =	vst v63  }
.Ltmp2:
0x272: {  	_ = 	snop;
	(pc) =	sbr.rel @p0 .LBB2_2-.Ltmp2, $4  }
0x273: {  	s21 =	simm.s32 @!p1 $0x300;
	s23 =	simm.s32 @!p1 $0x13000  }
0x274: {  	[tilespmem:s23], [sflag:$0x4] =	stream.indirect.gather @!p1 [hbm4b:s2+s20], $0x80, s21, s20, $0xb8;
	[tilespmem:$0x1BC00] =	vst v63  }
0x275: {  	s21 =	simm.s32 @!p1 $0x380;
	s23 =	simm.s32 @!p1 $0x16200  }
0x276: {  	[tilespmem:s23], [sflag:$0x4] =	stream.indirect.gather @!p1 [hbm4b:s2+s20], $0x80, s21, s20, $0xb8;
	[tilespmem:$0x1BC00] =	vst v63  }
0x277: {  	s18 =	sadd.s32 $0x1, s18  }
0x278: {  	_ =	swait.ge [sflag:s16], $0x1400;
	p0 =	sne.s32 s18, s11  }
.Ltmp3:
0x279: {  	[sflag:s16] =	ssyncset.done $0x0;
	(pc) =	sbr.rel @p0 .LBB2_1-.Ltmp3, $4  }
0x27a: {  	[sflag:s16] =	ssyncadd.s32 $0xFFFFEC00  }
0x27b: {  	_ =	swait.ge [sflag:s17], $0x1400  }
0x27c: {  	[sflag:s17] =	ssyncset.done $0x0  }
0x27d: {  	[sflag:s17] =	ssyncadd.s32 $0xFFFFEC00  }
0x27e: {  	_ =	sfence.sel $0x180000  }
0x27f: {  	[bflag:$0x0] =	sbarrier.arrive $0xFFFF  }
0x280: {  	_ =	strace $0x90000047  }
0x281: {  	s0 =	stileid.u32;
	[bflag:$0x2] =	sbarrier.arrive $0xFFFF  }
0x282: {  	p0 =	sne.s32 s0, $0x0;
	s0 =	rddreg [dreg:$0x2]  }
0x283: {  	s0 =	sadd.s32 @!p0 $0x100000, s0  }
0x284: {  	[sflag:s0] =	ssyncadd.tile.s32 @!p0 $0x1;
	_ =	shalt  }
.Lfunc_end2:
_tile_overlayer_lowered:
.L_overlay_start_2:
0x285: {  	(tag) =	ssettag $0x2  }
0x286: {  	s0 =	rddreg [dreg:$0x0];
	s2 =	stileid.u32  }
0x287: {  	s1 =	rddreg [dreg:$0x1];
	p0 =	sne.s32 s2, $0x0  }
0x288: {  	s3 =	rddreg [dreg:$0x2];
	[bflag:$0x3] =	sbarrier.arrive $0xFFFF;
	s2 =	simm.s32 @!p0 $0x1C07  }
0x289: {  	[timem:s3], [sflag:s2] =	dma.local @!p0 [hbm:s0], s1  }
0x28a: {  	s0 =	simm.s32 @!p0 $0x7  }
0x28b: {  	_ =	swait.ge @!p0 [sflag:s0], s1  }
0x28c: {  	s1 =	ssub.s32 @!p0 $0x0, s1;
	[sflag:s0] =	ssyncset.done @!p0 $0x0  }
0x28d: {  	[sflag:s0] =	ssyncadd.s32 @!p0 s1  }
0x28e: {  	[bflag:$0x3] =	sbarrier.arrive $0xFFFF  }
0x28f: {  	_ =	shalt  }

</sc_bundles>
